<compile_context>
chip_gen: v7x
topology: tpu7x:2x2x1
jax: 0.10.2.dev20260603
libtpu: 0.0.44.dev20260713+nightly
codegen_flags: <defaults>
</compile_context>

<pallas_src>
import functools

import jax
import jax.numpy as jnp
from jax import lax
from jax.experimental import pallas as pl
from jax.experimental.pallas import tpu as pltpu
from jax.experimental.pallas import tpu_sc as plsc

NSEG = 16384
N = NSEG * 1000

NC = 2
NS = 16
NW = NC * NS
L = 16

CHUNK = N // NW
BLK = 12800
SPAN = 256
NBLK = CHUNK // BLK
NSPAN = BLK // SPAN
NEG_INF = float("-inf")


def _wid():
    return lax.axis_index("c") * NS + lax.axis_index("s")


def _mesh():
    return plsc.VectorSubcoreMesh(
        core_axis_name="c", subcore_axis_name="s", num_cores=NC, num_subcores=NS
    )


def _seg_max_body(
    y_hbm, idx_hbm, mp_hbm, y0_v, y1_v, i0_v, i1_v, tab_v, yscr_v, sy0, sy1, si0, si1
):
    wid = _wid()
    base = wid * CHUNK
    lane = lax.iota(jnp.int32, L)
    ybuf = (y0_v, y1_v)
    ibuf = (i0_v, i1_v)
    ysem = (sy0, sy1)
    isem = (si0, si1)

    def init(i, c):
        tab_v[pl.ds(i * L, L)] = jnp.full((L,), NEG_INF, jnp.float32)
        return c

    lax.fori_loop(0, NSEG // L + 1, init, 0)

    def start_in(b, p):
        off = base + b * BLK
        pltpu.async_copy(y_hbm.at[pl.ds(off, BLK)], ybuf[p], ysem[p])
        pltpu.async_copy(idx_hbm.at[pl.ds(off, BLK)], ibuf[p], isem[p])

    def wait_in(b, p):
        off = base + b * BLK
        pltpu.make_async_copy(y_hbm.at[pl.ds(off, BLK)], ybuf[p], ysem[p]).wait()
        pltpu.make_async_copy(idx_hbm.at[pl.ds(off, BLK)], ibuf[p], isem[p]).wait()

    def rmw(ixvec, val_vec, mask):
        t = plsc.load_gather(tab_v, [ixvec])
        plsc.store_scatter(tab_v, [ixvec], jnp.maximum(t, val_vec), mask=mask)

    def flush(cs, acc):
        m = jnp.max(acc)
        rmw(jnp.full((L,), cs, jnp.int32), jnp.full((L,), m, jnp.float32), lane == 0)

    def compute(p, cs, acc):
        yb = ybuf[p]
        ib = ibuf[p]

        def kogge(vb):
            ix = ib[pl.ds(vb, L)]
            yy = yb[pl.ds(vb, L)]
            vbv = jnp.full((L,), vb, jnp.int32)
            for d in (1, 2, 4, 8):
                ok0 = lane >= d
                yscr_v[...] = yy
                ys = plsc.load_gather(yscr_v, [lane - d], mask=ok0)
                ixs = plsc.load_gather(ib, [vbv + (lane - d)], mask=ok0)
                ok = ok0 & (ix == ixs)
                yy = jnp.where(ok, jnp.maximum(yy, ys), yy)
            nmask = lane < (L - 1)
            ixn = plsc.load_gather(ib, [vbv + (lane + 1)], mask=nmask)
            end = (lane == L - 1) | (nmask & (ix != ixn))
            rmw(ix, yy, end)

        def span(sp, carry):
            cs, acc = carry
            sbl = sp * SPAN
            pos = jnp.full((L,), sbl, jnp.int32) + lane * L
            starts = plsc.load_gather(ib, [pos])
            ends = plsc.load_gather(ib, [pos + (L - 1)])
            sa = starts[0]
            sz = ends[L - 1]

            def uniform_case(cs, acc):
                v = yb[pl.ds(sbl, L)]
                for i in range(1, SPAN // L):
                    v = jnp.maximum(v, yb[pl.ds(sbl + i * L, L)])

                def same():
                    return cs, jnp.maximum(acc, v)

                def diff():
                    flush(cs, acc)
                    return sa, v

                return lax.cond(sa == cs, same, diff)

            def slow_case(cs, acc):
                flush(cs, acc)
                kb = plsc.all_reduce_ffs(ends != jnp.full((L,), sa, jnp.int32))[0]
                kcr = plsc.all_reduce_ffs(
                    lax.rev(starts, (0,)) != jnp.full((L,), sz, jnp.int32)
                )[0]
                kc = (L - 1) - kcr

                def lstep(k, a):
                    return jnp.maximum(a, yb[pl.ds(sbl + k * L, L)])

                lacc = lax.fori_loop(0, kb, lstep, jnp.full((L,), NEG_INF, jnp.float32))
                flush(sa, lacc)

                def kstep(k, c):
                    kogge(sbl + k * L)
                    return c

                lax.fori_loop(kb, kc + 1, kstep, 0)
                racc = lax.fori_loop(
                    kc + 1, SPAN // L, lstep, jnp.full((L,), NEG_INF, jnp.float32)
                )
                return sz, racc

            return lax.cond(sa == sz, uniform_case, slow_case, cs, acc)

        return lax.fori_loop(0, NSPAN, span, (cs, acc))

    start_in(0, 0)

    def outer(b2, carry):
        cs, acc = carry
        for p in (0, 1):
            b = b2 * 2 + p
            pl.when(b + 1 < NBLK)(lambda: start_in(b + 1, 1 - p))
            wait_in(b, p)
            cs, acc = compute(p, cs, acc)
        return cs, acc

    cs0 = jnp.int32(NSEG)
    acc0 = jnp.full((L,), NEG_INF, jnp.float32)
    cs, acc = lax.fori_loop(0, NBLK // 2, outer, (cs0, acc0))
    flush(cs, acc)
    pltpu.sync_copy(tab_v.at[pl.ds(0, NSEG)], mp_hbm.at[pl.ds(wid * NSEG, NSEG)])


def _merge_body(mp_hbm, m_hbm, tmp_v, acc_v):
    wid = _wid()
    segs = NSEG // NW
    sbase = wid * segs

    def initb(j, c):
        acc_v[pl.ds(j * L, L)] = jnp.full((L,), NEG_INF, jnp.float32)
        return c

    lax.fori_loop(0, segs // L, initb, 0)

    def row(r, c):
        pltpu.sync_copy(mp_hbm.at[pl.ds(r * NSEG + sbase, segs)], tmp_v)

        def upd(j, cc):
            sl = pl.ds(j * L, L)
            acc_v[sl] = jnp.maximum(acc_v[sl], tmp_v[sl])
            return cc

        lax.fori_loop(0, segs // L, upd, 0)
        return c

    lax.fori_loop(0, NW, row, 0)
    pltpu.sync_copy(acc_v, m_hbm.at[pl.ds(sbase, segs)])


def _compare_body(
    y_hbm, idx_hbm, m_hbm, out_hbm,
    y0_v, y1_v, i0_v, i1_v, o0_v, o1_v, m_v,
    sy0, sy1, si0, si1, so0, so1,
):
    wid = _wid()
    base = wid * CHUNK
    ybuf = (y0_v, y1_v)
    ibuf = (i0_v, i1_v)
    obuf = (o0_v, o1_v)
    ysem = (sy0, sy1)
    isem = (si0, si1)
    osem = (so0, so1)
    pltpu.sync_copy(m_hbm, m_v)
    one = jnp.full((L,), 1.0, jnp.float32)
    zero = jnp.full((L,), 0.0, jnp.float32)

    def start_in(b, p):
        off = base + b * BLK
        pltpu.async_copy(y_hbm.at[pl.ds(off, BLK)], ybuf[p], ysem[p])
        pltpu.async_copy(idx_hbm.at[pl.ds(off, BLK)], ibuf[p], isem[p])

    def wait_in(b, p):
        off = base + b * BLK
        pltpu.make_async_copy(y_hbm.at[pl.ds(off, BLK)], ybuf[p], ysem[p]).wait()
        pltpu.make_async_copy(idx_hbm.at[pl.ds(off, BLK)], ibuf[p], isem[p]).wait()

    def start_out(b, p):
        off = base + b * BLK
        pltpu.async_copy(obuf[p], out_hbm.at[pl.ds(off, BLK)], osem[p])

    def wait_out(b, p):
        off = base + b * BLK
        pltpu.make_async_copy(obuf[p], out_hbm.at[pl.ds(off, BLK)], osem[p]).wait()

    def compute(p):
        yb = ybuf[p]
        ib = ibuf[p]
        ob = obuf[p]
        lane = lax.iota(jnp.int32, L)

        def span(sp, cc):
            sbl = sp * SPAN
            pos = jnp.full((L,), sbl, jnp.int32) + lane * L
            starts = plsc.load_gather(ib, [pos])
            ends = plsc.load_gather(ib, [pos + (L - 1)])
            sa = starts[0]
            sz = ends[L - 1]

            def cmp_range(lo, hi, mvec):
                def body(i, c):
                    sl = pl.ds(sbl + i * L, L)
                    ob[sl] = jnp.where(yb[sl] == mvec, one, zero)
                    return c

                lax.fori_loop(lo, hi, body, 0)

            def span_fast():
                mvec = plsc.load_gather(m_v, [starts])
                for i in range(SPAN // L):
                    sl = pl.ds(sbl + i * L, L)
                    ob[sl] = jnp.where(yb[sl] == mvec, one, zero)

            def span_slow():
                kb = plsc.all_reduce_ffs(ends != jnp.full((L,), sa, jnp.int32))[0]
                kcr = plsc.all_reduce_ffs(
                    lax.rev(starts, (0,)) != jnp.full((L,), sz, jnp.int32)
                )[0]
                kc = (L - 1) - kcr
                cmp_range(0, kb, plsc.load_gather(m_v, [jnp.full((L,), sa, jnp.int32)]))

                def body(i, c):
                    sl = pl.ds(sbl + i * L, L)
                    mv = plsc.load_gather(m_v, [ib[sl]])
                    ob[sl] = jnp.where(yb[sl] == mv, one, zero)
                    return c

                lax.fori_loop(kb, kc + 1, body, 0)
                cmp_range(
                    kc + 1,
                    SPAN // L,
                    plsc.load_gather(m_v, [jnp.full((L,), sz, jnp.int32)]),
                )

            lax.cond(sa == sz, span_fast, span_slow)
            return cc

        lax.fori_loop(0, NSPAN, span, 0)

    start_in(0, 0)

    def outer(b2, c):
        for p in (0, 1):
            b = b2 * 2 + p
            pl.when(b + 1 < NBLK)(lambda: start_in(b + 1, 1 - p))
            wait_in(b, p)
            pl.when(b >= 2)(lambda: wait_out(b - 2, p))
            compute(p)
            start_out(b, p)
        return c

    lax.fori_loop(0, NBLK // 2, outer, 0)
    wait_out(NBLK - 2, 0)
    wait_out(NBLK - 1, 1)


_seg_max = functools.partial(
    pl.kernel,
    out_type=jax.ShapeDtypeStruct((NW * NSEG,), jnp.float32),
    mesh=_mesh(),
    compiler_params=pltpu.CompilerParams(needs_layout_passes=False),
    scratch_types=[
        pltpu.VMEM((BLK,), jnp.float32),
        pltpu.VMEM((BLK,), jnp.float32),
        pltpu.VMEM((BLK,), jnp.int32),
        pltpu.VMEM((BLK,), jnp.int32),
        pltpu.VMEM((NSEG + L,), jnp.float32),
        pltpu.VMEM((L,), jnp.float32),
        pltpu.SemaphoreType.DMA,
        pltpu.SemaphoreType.DMA,
        pltpu.SemaphoreType.DMA,
        pltpu.SemaphoreType.DMA,
    ],
)(_seg_max_body)

_merge = functools.partial(
    pl.kernel,
    out_type=jax.ShapeDtypeStruct((NSEG,), jnp.float32),
    mesh=_mesh(),
    compiler_params=pltpu.CompilerParams(needs_layout_passes=False),
    scratch_types=[
        pltpu.VMEM((NSEG // NW,), jnp.float32),
        pltpu.VMEM((NSEG // NW,), jnp.float32),
    ],
)(_merge_body)

_compare = functools.partial(
    pl.kernel,
    out_type=jax.ShapeDtypeStruct((N,), jnp.float32),
    mesh=_mesh(),
    compiler_params=pltpu.CompilerParams(needs_layout_passes=False),
    scratch_types=[
        pltpu.VMEM((BLK,), jnp.float32),
        pltpu.VMEM((BLK,), jnp.float32),
        pltpu.VMEM((BLK,), jnp.int32),
        pltpu.VMEM((BLK,), jnp.int32),
        pltpu.VMEM((BLK,), jnp.float32),
        pltpu.VMEM((BLK,), jnp.float32),
        pltpu.VMEM((NSEG,), jnp.float32),
        pltpu.SemaphoreType.DMA,
        pltpu.SemaphoreType.DMA,
        pltpu.SemaphoreType.DMA,
        pltpu.SemaphoreType.DMA,
        pltpu.SemaphoreType.DMA,
        pltpu.SemaphoreType.DMA,
    ],
)(_compare_body)


def kernel(logits, index):
    gkey = jax.random.fold_in(jax.random.key(0), 1)
    z = jax.random.gumbel(gkey, logits.shape, logits.dtype)
    y = logits + z
    mp = _seg_max(y, index)
    m = _merge(mp)
    return _compare(y, index, m)

# --- scband reference (transcript-rebuilt; emitter-appended) ---
"""Pipeline reference for scband-flexible-categorical-sampler-42314017800752 (READ-ONLY COPY).

The authoritative reference and input builder live on the scoring server;
editing this copy changes nothing except your own understanding.
"""

import jax, jax.numpy as jnp
import numpy as np

NUM_SEGMENTS = 16384
VOCAB = 1000
N = NUM_SEGMENTS * VOCAB


def setup_inputs(seed: int = 0) -> dict:
    key = jax.random.key(seed)
    k1, k2 = jax.random.split(key)
    logits = jax.random.normal(k1, (N,), dtype=jnp.float32)
    index = jnp.sort(jax.random.randint(k2, (N,), 0, NUM_SEGMENTS, dtype=jnp.int32))
    return {"logits": logits, "index": index}


def reference(logits, index):
    # Gumbel-max trick over ragged segments (FlexibleCategoricalSampler):
    #   z ~ Gumbel(0, 1) added to logits, then segment-wise argmax
    #   (FlexibleArgmax) returns a one-hot indicator over the flat axis
    #   marking the sampled category within each segment.
    gkey = jax.random.fold_in(jax.random.key(0), 1)
    z = jax.random.gumbel(gkey, logits.shape, dtype=logits.dtype)
    y = logits + z
    seg_max = jax.ops.segment_max(y, index, num_segments=NUM_SEGMENTS)
    samples = (y == seg_max[index]).astype(logits.dtype)
    return samples

if __name__ == "__main__":
    import jax
    _d = setup_inputs()
    print(jax.jit(kernel)(*tuple(_d.values())))

</pallas_src>

<mosaic_0001>
#map = affine_map<(d0, d1) -> (0)>
module attributes {stable_mosaic.version = 14 : i64} {
  func.func @_merge_body(%arg0: i32, %arg1: i32, %arg2: memref<524288xf32, #tpu.memory_space<hbm>>, %arg3: memref<16384xf32, #tpu.memory_space<hbm>>, %arg4: memref<512xf32, #tpu.memory_space<vmem>>, %arg5: memref<512xf32, #tpu.memory_space<vmem>>) attributes {dimension_semantics = [#tpu.dimension_semantics<core_parallel>, #tpu.dimension_semantics<subcore_parallel>], iteration_bounds = array<i64: 2, 16>, scalar_prefetch = 0 : i64, scratch_operands = 2 : i64, tpu.core_type = #tpu.core_type<sc_vector_subcore>, window_params = [{transform_indices = #map}, {transform_indices = #map}]} {
    %mul3A = arith.constant 16 : i32
    %mul3A_0 = arith.muli %arg0, %mul3A : i32
    %add3A = arith.addi %mul3A_0, %arg1 : i32
    %mul3A_1 = arith.constant 512 : i32
    %mul3A_2 = arith.muli %add3A, %mul3A_1 : i32
    %scan3A = arith.constant 0 : i32
    %scan3A_3 = arith.constant 0 : i32
    %scan3A_4 = arith.constant 32 : i32
    %scan3A_5 = arith.addi %scan3A_3, %scan3A_4 : i32
    %scan3A_6 = arith.constant 1 : i32
    scf.for %scan3A_14 = %scan3A_3 to %scan3A_5 step %scan3A_6  : i32 {
      %broadcast_in_dim3A = arith.constant 0xFF800000 : f32
      %broadcast_in_dim3A_15 = vector.broadcast %broadcast_in_dim3A : f32 to vector<16xf32>
      %mul3A_16 = arith.constant 16 : i32
      %mul3A_17 = arith.muli %scan3A_14, %mul3A_16 : i32
      %swap3A = arith.index_cast %mul3A_17 : i32 to index
      %swap3A_18 = tpu.vector_load %arg5[%swap3A] {strides = array<i32>} : memref<512xf32, #tpu.memory_space<vmem>>, vector<16xf32>,
      tpu.vector_store %arg5[%swap3A], %broadcast_in_dim3A_15 {strides = array<i32>} : memref<512xf32, #tpu.memory_space<vmem>>, vector<16xf32>,
    }
    %scan3A_7 = arith.constant 32 : i32
    %scan3A_8 = arith.constant 0 : i32
    %scan3A_9 = arith.constant 0 : i32
    %scan3A_10 = arith.constant 32 : i32
    %scan3A_11 = arith.addi %scan3A_9, %scan3A_10 : i32
    %scan3A_12 = arith.constant 1 : i32
    scf.for %scan3A_14 = %scan3A_9 to %scan3A_11 step %scan3A_12  : i32 {
      %mul3A_15 = arith.constant 16384 : i32
      %mul3A_16 = arith.muli %scan3A_14, %mul3A_15 : i32
      %add3A_17 = arith.addi %mul3A_16, %mul3A_2 : i32
      "tpu.region"() ({
        %run_scoped3A = tpu.sem_alloc : memref<!tpu.dma_semaphore, #tpu.memory_space<semaphore_mem>>
        %dma_start3A = tpu.memref_slice %arg2[%add3A_17] : memref<524288xf32, #tpu.memory_space<hbm>> -> memref<512xf32, #tpu.memory_space<hbm>>
        %dma_start3A_24 = tpu.memref_slice %arg2[%add3A_17] : memref<524288xf32, #tpu.memory_space<hbm>> -> memref<512xf32, #tpu.memory_space<hbm>>
        tpu.enqueue_dma source(%dma_start3A_24 : memref<512xf32, #tpu.memory_space<hbm>>) target(%arg4 : memref<512xf32, #tpu.memory_space<vmem>>) target_semaphore(%run_scoped3A : memref<!tpu.dma_semaphore, #tpu.memory_space<semaphore_mem>>)
        %dma_wait3A = tpu.memref_slice %arg2[%add3A_17] : memref<524288xf32, #tpu.memory_space<hbm>> -> memref<512xf32, #tpu.memory_space<hbm>>
        %dma_wait3A_25 = tpu.memref_slice %arg2[%add3A_17] : memref<524288xf32, #tpu.memory_space<hbm>> -> memref<512xf32, #tpu.memory_space<hbm>>
        tpu.wait_dma2 semaphore(%run_scoped3A : memref<!tpu.dma_semaphore, #tpu.memory_space<semaphore_mem>>) src(%dma_wait3A_25 : memref<512xf32, #tpu.memory_space<hbm>>) dst(%arg4 : memref<512xf32, #tpu.memory_space<vmem>>)
        tpu.yield
      }) : () -> ()
      %scan3A_18 = arith.constant 0 : i32
      %scan3A_19 = arith.constant 0 : i32
      %scan3A_20 = arith.constant 32 : i32
      %scan3A_21 = arith.addi %scan3A_19, %scan3A_20 : i32
      %scan3A_22 = arith.constant 1 : i32
      scf.for %scan3A_24 = %scan3A_19 to %scan3A_21 step %scan3A_22  : i32 {
        %mul3A_25 = arith.constant 16 : i32
        %mul3A_26 = arith.muli %scan3A_24, %mul3A_25 : i32
        %get3A = arith.index_cast %mul3A_26 : i32 to index
        %get3A_27 = tpu.vector_load %arg5[%get3A] {strides = array<i32>} : memref<512xf32, #tpu.memory_space<vmem>>, vector<16xf32>,
        %get3A_28 = arith.index_cast %mul3A_26 : i32 to index
        %get3A_29 = tpu.vector_load %arg4[%get3A_28] {strides = array<i32>} : memref<512xf32, #tpu.memory_space<vmem>>, vector<16xf32>,
        %max3A = arith.maximumf %get3A_27, %get3A_29 : vector<16xf32>
        %swap3A = arith.index_cast %mul3A_26 : i32 to index
        %swap3A_30 = tpu.vector_load %arg5[%swap3A] {strides = array<i32>} : memref<512xf32, #tpu.memory_space<vmem>>, vector<16xf32>,
        tpu.vector_store %arg5[%swap3A], %max3A {strides = array<i32>} : memref<512xf32, #tpu.memory_space<vmem>>, vector<16xf32>,
      }
      %scan3A_23 = arith.constant 32 : i32
    }
    %scan3A_13 = arith.constant 32 : i32
    "tpu.region"() ({
      %run_scoped3A = tpu.sem_alloc : memref<!tpu.dma_semaphore, #tpu.memory_space<semaphore_mem>>
      %dma_start3A = tpu.memref_slice %arg3[%mul3A_2] : memref<16384xf32, #tpu.memory_space<hbm>> -> memref<512xf32, #tpu.memory_space<hbm>>
      %dma_start3A_14 = tpu.memref_slice %arg3[%mul3A_2] : memref<16384xf32, #tpu.memory_space<hbm>> -> memref<512xf32, #tpu.memory_space<hbm>>
      tpu.enqueue_dma source(%arg5 : memref<512xf32, #tpu.memory_space<vmem>>) target(%dma_start3A_14 : memref<512xf32, #tpu.memory_space<hbm>>) target_semaphore(%run_scoped3A : memref<!tpu.dma_semaphore, #tpu.memory_space<semaphore_mem>>)
      %dma_wait3A = tpu.memref_slice %arg3[%mul3A_2] : memref<16384xf32, #tpu.memory_space<hbm>> -> memref<512xf32, #tpu.memory_space<hbm>>
      %dma_wait3A_15 = tpu.memref_slice %arg3[%mul3A_2] : memref<16384xf32, #tpu.memory_space<hbm>> -> memref<512xf32, #tpu.memory_space<hbm>>
      tpu.wait_dma2 semaphore(%run_scoped3A : memref<!tpu.dma_semaphore, #tpu.memory_space<semaphore_mem>>) src(%arg5 : memref<512xf32, #tpu.memory_space<vmem>>) dst(%dma_wait3A_15 : memref<512xf32, #tpu.memory_space<hbm>>)
      tpu.yield
    }) : () -> ()
    return
  }
}

#map = affine_map<(d0, d1) -> (0)>
module attributes {stable_mosaic.version = 14 : i64} {
  func.func @_seg_max_body(%arg0: i32, %arg1: i32, %arg2: memref<16384000xf32, #tpu.memory_space<hbm>>, %arg3: memref<16384000xi32, #tpu.memory_space<hbm>>, %arg4: memref<524288xf32, #tpu.memory_space<hbm>>, %arg5: memref<12800xf32, #tpu.memory_space<vmem>>, %arg6: memref<12800xf32, #tpu.memory_space<vmem>>, %arg7: memref<12800xi32, #tpu.memory_space<vmem>>, %arg8: memref<12800xi32, #tpu.memory_space<vmem>>, %arg9: memref<16400xf32, #tpu.memory_space<vmem>>, %arg10: memref<16xf32, #tpu.memory_space<vmem>>, %arg11: memref<!tpu.dma_semaphore, #tpu.memory_space<semaphore_mem>>, %arg12: memref<!tpu.dma_semaphore, #tpu.memory_space<semaphore_mem>>, %arg13: memref<!tpu.dma_semaphore, #tpu.memory_space<semaphore_mem>>, %arg14: memref<!tpu.dma_semaphore, #tpu.memory_space<semaphore_mem>>) attributes {dimension_semantics = [#tpu.dimension_semantics<core_parallel>, #tpu.dimension_semantics<subcore_parallel>], iteration_bounds = array<i64: 2, 16>, scalar_prefetch = 0 : i64, scratch_operands = 10 : i64, tpu.core_type = #tpu.core_type<sc_vector_subcore>, window_params = [{transform_indices = #map}, {transform_indices = #map}, {transform_indices = #map}]} {
    %mul3A = arith.constant 16 : i32
    %mul3A_0 = arith.muli %arg0, %mul3A : i32
    %add3A = arith.addi %mul3A_0, %arg1 : i32
    %mul3A_1 = arith.constant 512000 : i32
    %mul3A_2 = arith.muli %add3A, %mul3A_1 : i32
    %iota3A = tpu.iota {dimensions = array<i32: 0>} : vector<16xi32>
    %scan3A = arith.constant 0 : i32
    %scan3A_3 = arith.constant 0 : i32
    %scan3A_4 = arith.constant 1025 : i32
    %scan3A_5 = arith.addi %scan3A_3, %scan3A_4 : i32
    %scan3A_6 = arith.constant 1 : i32
    scf.for %scan3A_30 = %scan3A_3 to %scan3A_5 step %scan3A_6  : i32 {
      %broadcast_in_dim3A_31 = arith.constant 0xFF800000 : f32
      %broadcast_in_dim3A_32 = vector.broadcast %broadcast_in_dim3A_31 : f32 to vector<16xf32>
      %mul3A_33 = arith.constant 16 : i32
      %mul3A_34 = arith.muli %scan3A_30, %mul3A_33 : i32
      %swap3A = arith.index_cast %mul3A_34 : i32 to index
      %swap3A_35 = tpu.vector_load %arg9[%swap3A] {strides = array<i32>} : memref<16400xf32, #tpu.memory_space<vmem>>, vector<16xf32>,
      tpu.vector_store %arg9[%swap3A], %broadcast_in_dim3A_32 {strides = array<i32>} : memref<16400xf32, #tpu.memory_space<vmem>>, vector<16xf32>,
    }
    %scan3A_7 = arith.constant 1025 : i32
    %add3A_8 = arith.constant 0 : i32
    %add3A_9 = arith.addi %mul3A_2, %add3A_8 : i32
    %dma_start3A = tpu.memref_slice %arg2[%add3A_9] : memref<16384000xf32, #tpu.memory_space<hbm>> -> memref<12800xf32, #tpu.memory_space<hbm>>
    %dma_start3A_10 = tpu.memref_slice %arg2[%add3A_9] : memref<16384000xf32, #tpu.memory_space<hbm>> -> memref<12800xf32, #tpu.memory_space<hbm>>
    tpu.enqueue_dma source(%dma_start3A_10 : memref<12800xf32, #tpu.memory_space<hbm>>) target(%arg5 : memref<12800xf32, #tpu.memory_space<vmem>>) target_semaphore(%arg11 : memref<!tpu.dma_semaphore, #tpu.memory_space<semaphore_mem>>)
    %dma_start3A_11 = tpu.memref_slice %arg3[%add3A_9] : memref<16384000xi32, #tpu.memory_space<hbm>> -> memref<12800xi32, #tpu.memory_space<hbm>>
    %dma_start3A_12 = tpu.memref_slice %arg3[%add3A_9] : memref<16384000xi32, #tpu.memory_space<hbm>> -> memref<12800xi32, #tpu.memory_space<hbm>>
    tpu.enqueue_dma source(%dma_start3A_12 : memref<12800xi32, #tpu.memory_space<hbm>>) target(%arg7 : memref<12800xi32, #tpu.memory_space<vmem>>) target_semaphore(%arg13 : memref<!tpu.dma_semaphore, #tpu.memory_space<semaphore_mem>>)
    %broadcast_in_dim3A = arith.constant 0xFF800000 : f32
    %broadcast_in_dim3A_13 = vector.broadcast %broadcast_in_dim3A : f32 to vector<16xf32>
    %scan3A_14 = arith.constant 16384 : i32
    %scan3A_15 = arith.constant 0 : i32
    %scan3A_16 = arith.constant 20 : i32
    %scan3A_17 = arith.addi %scan3A_15, %scan3A_16 : i32
    %scan3A_18 = arith.constant 1 : i32
    %scan3A_19:2 = scf.for %scan3A_30 = %scan3A_15 to %scan3A_17 step %scan3A_18 iter_args(%scan3A_31 = %scan3A_14, %scan3A_32 = %broadcast_in_dim3A_13) -> (i32, vector<16xf32>)  : i32 {
      %mul3A_33 = arith.constant 2 : i32
      %mul3A_34 = arith.muli %scan3A_30, %mul3A_33 : i32
      %add3A_35 = arith.constant 0 : i32
      %add3A_36 = arith.addi %mul3A_34, %add3A_35 : i32
      %add3A_37 = arith.constant 1 : i32
      %add3A_38 = arith.addi %add3A_36, %add3A_37 : i32
      %lt3A = arith.constant 40 : i32
      %lt3A_39 = arith.cmpi slt, %add3A_38, %lt3A : i32
      %convert_element_type3A = arith.extui %lt3A_39 : i1 to i32
      %cond3A = arith.constant 0 : i32
      %cond3A_40 = arith.cmpi ne, %convert_element_type3A, %cond3A : i32
      scf.if %cond3A_40 {
        %add3A_77 = arith.constant 1 : i32
        %add3A_78 = arith.addi %add3A_36, %add3A_77 : i32
        %mul3A_79 = arith.constant 12800 : i32
        %mul3A_80 = arith.muli %add3A_78, %mul3A_79 : i32
        %add3A_81 = arith.addi %mul3A_2, %mul3A_80 : i32
        %dma_start3A_82 = tpu.memref_slice %arg2[%add3A_81] : memref<16384000xf32, #tpu.memory_space<hbm>> -> memref<12800xf32, #tpu.memory_space<hbm>>
        %dma_start3A_83 = tpu.memref_slice %arg2[%add3A_81] : memref<16384000xf32, #tpu.memory_space<hbm>> -> memref<12800xf32, #tpu.memory_space<hbm>>
        tpu.enqueue_dma source(%dma_start3A_83 : memref<12800xf32, #tpu.memory_space<hbm>>) target(%arg6 : memref<12800xf32, #tpu.memory_space<vmem>>) target_semaphore(%arg12 : memref<!tpu.dma_semaphore, #tpu.memory_space<semaphore_mem>>)
        %dma_start3A_84 = tpu.memref_slice %arg3[%add3A_81] : memref<16384000xi32, #tpu.memory_space<hbm>> -> memref<12800xi32, #tpu.memory_space<hbm>>
        %dma_start3A_85 = tpu.memref_slice %arg3[%add3A_81] : memref<16384000xi32, #tpu.memory_space<hbm>> -> memref<12800xi32, #tpu.memory_space<hbm>>
        tpu.enqueue_dma source(%dma_start3A_85 : memref<12800xi32, #tpu.memory_space<hbm>>) target(%arg8 : memref<12800xi32, #tpu.memory_space<vmem>>) target_semaphore(%arg14 : memref<!tpu.dma_semaphore, #tpu.memory_space<semaphore_mem>>)
      } else {
      }
      %mul3A_41 = arith.constant 12800 : i32
      %mul3A_42 = arith.muli %add3A_36, %mul3A_41 : i32
      %add3A_43 = arith.addi %mul3A_2, %mul3A_42 : i32
      %dma_wait3A = tpu.memref_slice %arg2[%add3A_43] : memref<16384000xf32, #tpu.memory_space<hbm>> -> memref<12800xf32, #tpu.memory_space<hbm>>
      %dma_wait3A_44 = tpu.memref_slice %arg2[%add3A_43] : memref<16384000xf32, #tpu.memory_space<hbm>> -> memref<12800xf32, #tpu.memory_space<hbm>>
      tpu.wait_dma2 semaphore(%arg11 : memref<!tpu.dma_semaphore, #tpu.memory_space<semaphore_mem>>) src(%dma_wait3A_44 : memref<12800xf32, #tpu.memory_space<hbm>>) dst(%arg5 : memref<12800xf32, #tpu.memory_space<vmem>>)
      %dma_wait3A_45 = tpu.memref_slice %arg3[%add3A_43] : memref<16384000xi32, #tpu.memory_space<hbm>> -> memref<12800xi32, #tpu.memory_space<hbm>>
      %dma_wait3A_46 = tpu.memref_slice %arg3[%add3A_43] : memref<16384000xi32, #tpu.memory_space<hbm>> -> memref<12800xi32, #tpu.memory_space<hbm>>
      tpu.wait_dma2 semaphore(%arg13 : memref<!tpu.dma_semaphore, #tpu.memory_space<semaphore_mem>>) src(%dma_wait3A_46 : memref<12800xi32, #tpu.memory_space<hbm>>) dst(%arg7 : memref<12800xi32, #tpu.memory_space<vmem>>)
      %scan3A_47 = arith.constant 0 : i32
      %scan3A_48 = arith.constant 50 : i32
      %scan3A_49 = arith.addi %scan3A_47, %scan3A_48 : i32
      %scan3A_50 = arith.constant 1 : i32
      %scan3A_51:2 = scf.for %scan3A_77 = %scan3A_47 to %scan3A_49 step %scan3A_50 iter_args(%scan3A_78 = %scan3A_31, %scan3A_79 = %scan3A_32) -> (i32, vector<16xf32>)  : i32 {
        %mul3A_80 = arith.constant 256 : i32
        %mul3A_81 = arith.muli %scan3A_77, %mul3A_80 : i32
        %broadcast_in_dim3A_82 = vector.broadcast %mul3A_81 : i32 to vector<16xi32>
        %mul3A_83 = arith.constant 16 : i32
        %mul3A_84 = vector.broadcast %mul3A_83 : i32 to vector<16xi32>
        %mul3A_85 = arith.muli %iota3A, %mul3A_84 : vector<16xi32>
        %add3A_86 = arith.addi %broadcast_in_dim3A_82, %mul3A_85 : vector<16xi32>
        %gather3A_87 = tpu.vector_load_idx %arg7[%add3A_86] : memref<12800xi32, #tpu.memory_space<vmem>>[vector<16xi32>], vector<16xi32>,
        %add3A_88 = arith.constant 15 : i32
        %add3A_89 = vector.broadcast %add3A_88 : i32 to vector<16xi32>
        %add3A_90 = arith.addi %add3A_86, %add3A_89 : vector<16xi32>
        %gather3A_91 = tpu.vector_load_idx %arg7[%add3A_90] : memref<12800xi32, #tpu.memory_space<vmem>>[vector<16xi32>], vector<16xi32>,
        %slice3A = vector.extract_strided_slice %gather3A_87 {offsets = [0], sizes = [1], strides = [1]} : vector<16xi32> to vector<1xi32>
        %squeeze3A = vector.extract %slice3A[0] : i32 from vector<1xi32>
        %slice3A_92 = vector.extract_strided_slice %gather3A_91 {offsets = [15], sizes = [1], strides = [1]} : vector<16xi32> to vector<1xi32>
        %squeeze3A_93 = vector.extract %slice3A_92[0] : i32 from vector<1xi32>
        %eq3A_94 = arith.cmpi eq, %squeeze3A, %squeeze3A_93 : i32
        %convert_element_type3A_95 = arith.extui %eq3A_94 : i1 to i32
        %cond3A_96 = arith.constant 0 : i32
        %cond3A_97 = arith.cmpi ne, %convert_element_type3A_95, %cond3A_96 : i32
        %cond3A_98:2 = scf.if %cond3A_97 -> (i32, vector<16xf32>) {
          %get3A = arith.index_cast %mul3A_81 : i32 to index
          %get3A_99 = tpu.vector_load %arg5[%get3A] {strides = array<i32>} : memref<12800xf32, #tpu.memory_space<vmem>>, vector<16xf32>,
          %add3A_100 = arith.constant 16 : i32
          %add3A_101 = arith.addi %mul3A_81, %add3A_100 : i32
          %get3A_102 = arith.index_cast %add3A_101 : i32 to index
          %get3A_103 = tpu.vector_load %arg5[%get3A_102] {strides = array<i32>} : memref<12800xf32, #tpu.memory_space<vmem>>, vector<16xf32>,
          %max3A_104 = arith.maximumf %get3A_99, %get3A_103 : vector<16xf32>
          %add3A_105 = arith.constant 32 : i32
          %add3A_106 = arith.addi %mul3A_81, %add3A_105 : i32
          %get3A_107 = arith.index_cast %add3A_106 : i32 to index
          %get3A_108 = tpu.vector_load %arg5[%get3A_107] {strides = array<i32>} : memref<12800xf32, #tpu.memory_space<vmem>>, vector<16xf32>,
          %max3A_109 = arith.maximumf %max3A_104, %get3A_108 : vector<16xf32>
          %add3A_110 = arith.constant 48 : i32
          %add3A_111 = arith.addi %mul3A_81, %add3A_110 : i32
          %get3A_112 = arith.index_cast %add3A_111 : i32 to index
          %get3A_113 = tpu.vector_load %arg5[%get3A_112] {strides = array<i32>} : memref<12800xf32, #tpu.memory_space<vmem>>, vector<16xf32>,
          %max3A_114 = arith.maximumf %max3A_109, %get3A_113 : vector<16xf32>
          %add3A_115 = arith.constant 64 : i32
          %add3A_116 = arith.addi %mul3A_81, %add3A_115 : i32
          %get3A_117 = arith.index_cast %add3A_116 : i32 to index
          %get3A_118 = tpu.vector_load %arg5[%get3A_117] {strides = array<i32>} : memref<12800xf32, #tpu.memory_space<vmem>>, vector<16xf32>,
          %max3A_119 = arith.maximumf %max3A_114, %get3A_118 : vector<16xf32>
          %add3A_120 = arith.constant 80 : i32
          %add3A_121 = arith.addi %mul3A_81, %add3A_120 : i32
          %get3A_122 = arith.index_cast %add3A_121 : i32 to index
          %get3A_123 = tpu.vector_load %arg5[%get3A_122] {strides = array<i32>} : memref<12800xf32, #tpu.memory_space<vmem>>, vector<16xf32>,
          %max3A_124 = arith.maximumf %max3A_119, %get3A_123 : vector<16xf32>
          %add3A_125 = arith.constant 96 : i32
          %add3A_126 = arith.addi %mul3A_81, %add3A_125 : i32
          %get3A_127 = arith.index_cast %add3A_126 : i32 to index
          %get3A_128 = tpu.vector_load %arg5[%get3A_127] {strides = array<i32>} : memref<12800xf32, #tpu.memory_space<vmem>>, vector<16xf32>,
          %max3A_129 = arith.maximumf %max3A_124, %get3A_128 : vector<16xf32>
          %add3A_130 = arith.constant 112 : i32
          %add3A_131 = arith.addi %mul3A_81, %add3A_130 : i32
          %get3A_132 = arith.index_cast %add3A_131 : i32 to index
          %get3A_133 = tpu.vector_load %arg5[%get3A_132] {strides = array<i32>} : memref<12800xf32, #tpu.memory_space<vmem>>, vector<16xf32>,
          %max3A_134 = arith.maximumf %max3A_129, %get3A_133 : vector<16xf32>
          %add3A_135 = arith.constant 128 : i32
          %add3A_136 = arith.addi %mul3A_81, %add3A_135 : i32
          %get3A_137 = arith.index_cast %add3A_136 : i32 to index
          %get3A_138 = tpu.vector_load %arg5[%get3A_137] {strides = array<i32>} : memref<12800xf32, #tpu.memory_space<vmem>>, vector<16xf32>,
          %max3A_139 = arith.maximumf %max3A_134, %get3A_138 : vector<16xf32>
          %add3A_140 = arith.constant 144 : i32
          %add3A_141 = arith.addi %mul3A_81, %add3A_140 : i32
          %get3A_142 = arith.index_cast %add3A_141 : i32 to index
          %get3A_143 = tpu.vector_load %arg5[%get3A_142] {strides = array<i32>} : memref<12800xf32, #tpu.memory_space<vmem>>, vector<16xf32>,
          %max3A_144 = arith.maximumf %max3A_139, %get3A_143 : vector<16xf32>
          %add3A_145 = arith.constant 160 : i32
          %add3A_146 = arith.addi %mul3A_81, %add3A_145 : i32
          %get3A_147 = arith.index_cast %add3A_146 : i32 to index
          %get3A_148 = tpu.vector_load %arg5[%get3A_147] {strides = array<i32>} : memref<12800xf32, #tpu.memory_space<vmem>>, vector<16xf32>,
          %max3A_149 = arith.maximumf %max3A_144, %get3A_148 : vector<16xf32>
          %add3A_150 = arith.constant 176 : i32
          %add3A_151 = arith.addi %mul3A_81, %add3A_150 : i32
          %get3A_152 = arith.index_cast %add3A_151 : i32 to index
          %get3A_153 = tpu.vector_load %arg5[%get3A_152] {strides = array<i32>} : memref<12800xf32, #tpu.memory_space<vmem>>, vector<16xf32>,
          %max3A_154 = arith.maximumf %max3A_149, %get3A_153 : vector<16xf32>
          %add3A_155 = arith.constant 192 : i32
          %add3A_156 = arith.addi %mul3A_81, %add3A_155 : i32
          %get3A_157 = arith.index_cast %add3A_156 : i32 to index
          %get3A_158 = tpu.vector_load %arg5[%get3A_157] {strides = array<i32>} : memref<12800xf32, #tpu.memory_space<vmem>>, vector<16xf32>,
          %max3A_159 = arith.maximumf %max3A_154, %get3A_158 : vector<16xf32>
          %add3A_160 = arith.constant 208 : i32
          %add3A_161 = arith.addi %mul3A_81, %add3A_160 : i32
          %get3A_162 = arith.index_cast %add3A_161 : i32 to index
          %get3A_163 = tpu.vector_load %arg5[%get3A_162] {strides = array<i32>} : memref<12800xf32, #tpu.memory_space<vmem>>, vector<16xf32>,
          %max3A_164 = arith.maximumf %max3A_159, %get3A_163 : vector<16xf32>
          %add3A_165 = arith.constant 224 : i32
          %add3A_166 = arith.addi %mul3A_81, %add3A_165 : i32
          %get3A_167 = arith.index_cast %add3A_166 : i32 to index
          %get3A_168 = tpu.vector_load %arg5[%get3A_167] {strides = array<i32>} : memref<12800xf32, #tpu.memory_space<vmem>>, vector<16xf32>,
          %max3A_169 = arith.maximumf %max3A_164, %get3A_168 : vector<16xf32>
          %add3A_170 = arith.constant 240 : i32
          %add3A_171 = arith.addi %mul3A_81, %add3A_170 : i32
          %get3A_172 = arith.index_cast %add3A_171 : i32 to index
          %get3A_173 = tpu.vector_load %arg5[%get3A_172] {strides = array<i32>} : memref<12800xf32, #tpu.memory_space<vmem>>, vector<16xf32>,
          %max3A_174 = arith.maximumf %max3A_169, %get3A_173 : vector<16xf32>
          %eq3A_175 = arith.cmpi eq, %squeeze3A, %scan3A_78 : i32
          %convert_element_type3A_176 = arith.extui %eq3A_175 : i1 to i32
          %cond3A_177 = arith.constant 0 : i32
          %cond3A_178 = arith.cmpi ne, %convert_element_type3A_176, %cond3A_177 : i32
          %cond3A_179:2 = scf.if %cond3A_178 -> (i32, vector<16xf32>) {
            %max3A_180 = arith.maximumf %scan3A_79, %max3A_174 : vector<16xf32>
            scf.yield %scan3A_78, %max3A_180 : i32, vector<16xf32>
          } else {
            %reduce_max3A_180 = arith.constant true
            %reduce_max3A_181 = vector.broadcast %reduce_max3A_180 : i1 to vector<16xi1>
            %reduce_max3A_182 = tpu.scan <max>, %scan3A_79 masked %reduce_max3A_181 : vector<16xf32>, vector<16xi1> -> vector<16xf32>
            %reduce_max3A_183 = vector.extract %reduce_max3A_182[15] : f32 from vector<16xf32>
            %broadcast_in_dim3A_184 = vector.broadcast %scan3A_78 : i32 to vector<16xi32>
            %broadcast_in_dim3A_185 = vector.broadcast %reduce_max3A_183 : f32 to vector<16xf32>
            %eq3A_186 = arith.constant 0 : i32
            %eq3A_187 = vector.broadcast %eq3A_186 : i32 to vector<16xi32>
            %eq3A_188 = arith.cmpi eq, %iota3A, %eq3A_187 : vector<16xi32>
            %gather3A_189 = tpu.vector_load_idx %arg9[%broadcast_in_dim3A_184] : memref<16400xf32, #tpu.memory_space<vmem>>[vector<16xi32>], vector<16xf32>,
            %max3A_190 = arith.maximumf %gather3A_189, %broadcast_in_dim3A_185 : vector<16xf32>
            tpu.vector_store_idx %arg9[%broadcast_in_dim3A_184], %max3A_190 masked %eq3A_188 : memref<16400xf32, #tpu.memory_space<vmem>>[vector<16xi32>], vector<16xf32>, vector<16xi1>
            scf.yield %squeeze3A, %max3A_174 : i32, vector<16xf32>
          }
          scf.yield %cond3A_179#0, %cond3A_179#1 : i32, vector<16xf32>
        } else {
          %reduce_max3A_99 = arith.constant true
          %reduce_max3A_100 = vector.broadcast %reduce_max3A_99 : i1 to vector<16xi1>
          %reduce_max3A_101 = tpu.scan <max>, %scan3A_79 masked %reduce_max3A_100 : vector<16xf32>, vector<16xi1> -> vector<16xf32>
          %reduce_max3A_102 = vector.extract %reduce_max3A_101[15] : f32 from vector<16xf32>
          %broadcast_in_dim3A_103 = vector.broadcast %scan3A_78 : i32 to vector<16xi32>
          %broadcast_in_dim3A_104 = vector.broadcast %reduce_max3A_102 : f32 to vector<16xf32>
          %eq3A_105 = arith.constant 0 : i32
          %eq3A_106 = vector.broadcast %eq3A_105 : i32 to vector<16xi32>
          %eq3A_107 = arith.cmpi eq, %iota3A, %eq3A_106 : vector<16xi32>
          %gather3A_108 = tpu.vector_load_idx %arg9[%broadcast_in_dim3A_103] : memref<16400xf32, #tpu.memory_space<vmem>>[vector<16xi32>], vector<16xf32>,
          %max3A_109 = arith.maximumf %gather3A_108, %broadcast_in_dim3A_104 : vector<16xf32>
          tpu.vector_store_idx %arg9[%broadcast_in_dim3A_103], %max3A_109 masked %eq3A_107 : memref<16400xf32, #tpu.memory_space<vmem>>[vector<16xi32>], vector<16xf32>, vector<16xi1>
          %broadcast_in_dim3A_110 = vector.broadcast %squeeze3A : i32 to vector<16xi32>
          %ne3A = arith.cmpi ne, %gather3A_91, %broadcast_in_dim3A_110 : vector<16xi32>
          %all_reduce_ffs3A = tpu.all_reduce %ne3A {dim = 0 : i64, kind = #tpu.reduction_kind<find_first_set>} : vector<16xi1> -> vector<16xi32>
          %slice3A_111 = vector.extract_strided_slice %all_reduce_ffs3A {offsets = [0], sizes = [1], strides = [1]} : vector<16xi32> to vector<1xi32>
          %squeeze3A_112 = vector.extract %slice3A_111[0] : i32 from vector<1xi32>
          %rev3A = arith.constant 15 : i32
          %rev3A_113 = vector.broadcast %rev3A : i32 to vector<16xi32>
          %rev3A_114 = tpu.iota {dimensions = array<i32: 0>} : vector<16xi32>
          %rev3A_115 = arith.subi %rev3A_113, %rev3A_114 : vector<16xi32>
          %rev3A_116 = tpu.dynamic_gather %gather3A_87[%rev3A_115] in [0] : vector<16xi32>, vector<16xi32> -> vector<16xi32>
          %broadcast_in_dim3A_117 = vector.broadcast %squeeze3A_93 : i32 to vector<16xi32>
          %ne3A_118 = arith.cmpi ne, %rev3A_116, %broadcast_in_dim3A_117 : vector<16xi32>
          %all_reduce_ffs3A_119 = tpu.all_reduce %ne3A_118 {dim = 0 : i64, kind = #tpu.reduction_kind<find_first_set>} : vector<16xi1> -> vector<16xi32>
          %slice3A_120 = vector.extract_strided_slice %all_reduce_ffs3A_119 {offsets = [0], sizes = [1], strides = [1]} : vector<16xi32> to vector<1xi32>
          %squeeze3A_121 = vector.extract %slice3A_120[0] : i32 from vector<1xi32>
          %sub3A = arith.constant 15 : i32
          %sub3A_122 = arith.subi %sub3A, %squeeze3A_121 : i32
          %broadcast_in_dim3A_123 = arith.constant 0xFF800000 : f32
          %broadcast_in_dim3A_124 = vector.broadcast %broadcast_in_dim3A_123 : f32 to vector<16xf32>
          %while3A = arith.constant 0 : i32
          %while3A_125 = arith.subi %squeeze3A_112, %while3A : i32
          %while3A_126 = arith.addi %while3A, %while3A_125 : i32
          %while3A_127 = arith.constant 1 : i32
          %while3A_128 = arith.divsi %while3A_125, %while3A_127 : i32
          %while3A_129 = arith.muli %while3A_128, %while3A_127 : i32
          %while3A_130 = arith.addi %while3A, %while3A_129 : i32
          %while3A_131 = arith.constant 1 : i32
          %while3A_132 = scf.for %while3A_172 = %while3A to %while3A_130 step %while3A_131 iter_args(%while3A_173 = %broadcast_in_dim3A_124) -> (vector<16xf32>)  : i32 {
            %mul3A_174 = arith.constant 16 : i32
            %mul3A_175 = arith.muli %while3A_172, %mul3A_174 : i32
            %add3A_176 = arith.addi %mul3A_81, %mul3A_175 : i32
            %get3A = arith.index_cast %add3A_176 : i32 to index
            %get3A_177 = tpu.vector_load %arg5[%get3A] {strides = array<i32>} : memref<12800xf32, #tpu.memory_space<vmem>>, vector<16xf32>,
            %max3A_178 = arith.maximumf %while3A_173, %get3A_177 : vector<16xf32>
            scf.yield %max3A_178 : vector<16xf32>
          }
          %while3A_133 = arith.constant 1 : i32
          %while3A_134 = scf.for %while3A_172 = %while3A_130 to %while3A_126 step %while3A_133 iter_args(%while3A_173 = %while3A_132) -> (vector<16xf32>)  : i32 {
            %mul3A_174 = arith.constant 16 : i32
            %mul3A_175 = arith.muli %while3A_172, %mul3A_174 : i32
            %add3A_176 = arith.addi %mul3A_81, %mul3A_175 : i32
            %get3A = arith.index_cast %add3A_176 : i32 to index
            %get3A_177 = tpu.vector_load %arg5[%get3A] {strides = array<i32>} : memref<12800xf32, #tpu.memory_space<vmem>>, vector<16xf32>,
            %max3A_178 = arith.maximumf %while3A_173, %get3A_177 : vector<16xf32>
            scf.yield %max3A_178 : vector<16xf32>
          }
          %reduce_max3A_135 = arith.constant true
          %reduce_max3A_136 = vector.broadcast %reduce_max3A_135 : i1 to vector<16xi1>
          %reduce_max3A_137 = tpu.scan <max>, %while3A_134 masked %reduce_max3A_136 : vector<16xf32>, vector<16xi1> -> vector<16xf32>
          %reduce_max3A_138 = vector.extract %reduce_max3A_137[15] : f32 from vector<16xf32>
          %broadcast_in_dim3A_139 = vector.broadcast %squeeze3A : i32 to vector<16xi32>
          %broadcast_in_dim3A_140 = vector.broadcast %reduce_max3A_138 : f32 to vector<16xf32>
          %eq3A_141 = arith.constant 0 : i32
          %eq3A_142 = vector.broadcast %eq3A_141 : i32 to vector<16xi32>
          %eq3A_143 = arith.cmpi eq, %iota3A, %eq3A_142 : vector<16xi32>
          %gather3A_144 = tpu.vector_load_idx %arg9[%broadcast_in_dim3A_139] : memref<16400xf32, #tpu.memory_space<vmem>>[vector<16xi32>], vector<16xf32>,
          %max3A_145 = arith.maximumf %gather3A_144, %broadcast_in_dim3A_140 : vector<16xf32>
          tpu.vector_store_idx %arg9[%broadcast_in_dim3A_139], %max3A_145 masked %eq3A_143 : memref<16400xf32, #tpu.memory_space<vmem>>[vector<16xi32>], vector<16xf32>, vector<16xi1>
          %add3A_146 = arith.constant 1 : i32
          %add3A_147 = arith.addi %sub3A_122, %add3A_146 : i32
          %while3A_148 = arith.constant 0 : i32
          %while3A_149 = arith.subi %add3A_147, %squeeze3A_112 : i32
          %while3A_150 = arith.addi %squeeze3A_112, %while3A_149 : i32
          %while3A_151 = arith.constant 1 : i32
          %while3A_152 = arith.divsi %while3A_149, %while3A_151 : i32
          %while3A_153 = arith.muli %while3A_152, %while3A_151 : i32
          %while3A_154 = arith.addi %squeeze3A_112, %while3A_153 : i32
          %while3A_155 = arith.constant 1 : i32
          scf.for %while3A_172 = %squeeze3A_112 to %while3A_154 step %while3A_155  : i32 {
            %mul3A_173 = arith.constant 16 : i32
            %mul3A_174 = arith.muli %while3A_172, %mul3A_173 : i32
            %add3A_175 = arith.addi %mul3A_81, %mul3A_174 : i32
            %get3A = arith.index_cast %add3A_175 : i32 to index
            %get3A_176 = tpu.vector_load %arg7[%get3A] {strides = array<i32>} : memref<12800xi32, #tpu.memory_space<vmem>>, vector<16xi32>,
            %get3A_177 = arith.index_cast %add3A_175 : i32 to index
            %get3A_178 = tpu.vector_load %arg5[%get3A_177] {strides = array<i32>} : memref<12800xf32, #tpu.memory_space<vmem>>, vector<16xf32>,
            %broadcast_in_dim3A_179 = vector.broadcast %add3A_175 : i32 to vector<16xi32>
            %ge3A = arith.constant 1 : i32
            %ge3A_180 = vector.broadcast %ge3A : i32 to vector<16xi32>
            %ge3A_181 = arith.cmpi sge, %iota3A, %ge3A_180 : vector<16xi32>
            %swap3A = arith.constant 0 : index
            %swap3A_182 = tpu.vector_load %arg10[%swap3A] {strides = array<i32>} : memref<16xf32, #tpu.memory_space<vmem>>, vector<16xf32>,
            tpu.vector_store %arg10[%swap3A], %get3A_178 {strides = array<i32>} : memref<16xf32, #tpu.memory_space<vmem>>, vector<16xf32>,
            %sub3A_183 = arith.constant 1 : i32
            %sub3A_184 = vector.broadcast %sub3A_183 : i32 to vector<16xi32>
            %sub3A_185 = arith.subi %iota3A, %sub3A_184 : vector<16xi32>
            %gather3A_186 = tpu.vector_load_idx %arg10[%sub3A_185] masked %ge3A_181 : memref<16xf32, #tpu.memory_space<vmem>>[vector<16xi32>], vector<16xf32>, vector<16xi1>
            %sub3A_187 = arith.constant 1 : i32
            %sub3A_188 = vector.broadcast %sub3A_187 : i32 to vector<16xi32>
            %sub3A_189 = arith.subi %iota3A, %sub3A_188 : vector<16xi32>
            %add3A_190 = arith.addi %broadcast_in_dim3A_179, %sub3A_189 : vector<16xi32>
            %gather3A_191 = tpu.vector_load_idx %arg7[%add3A_190] masked %ge3A_181 : memref<12800xi32, #tpu.memory_space<vmem>>[vector<16xi32>], vector<16xi32>, vector<16xi1>
            %eq3A_192 = arith.cmpi eq, %get3A_176, %gather3A_191 : vector<16xi32>
            %and3A = arith.andi %ge3A_181, %eq3A_192 : vector<16xi1>
            %max3A_193 = arith.maximumf %get3A_178, %gather3A_186 : vector<16xf32>
            %select_n3A = arith.select %and3A, %max3A_193, %get3A_178 : vector<16xi1>, vector<16xf32>
            %ge3A_194 = arith.constant 2 : i32
            %ge3A_195 = vector.broadcast %ge3A_194 : i32 to vector<16xi32>
            %ge3A_196 = arith.cmpi sge, %iota3A, %ge3A_195 : vector<16xi32>
            %swap3A_197 = arith.constant 0 : index
            %swap3A_198 = tpu.vector_load %arg10[%swap3A_197] {strides = array<i32>} : memref<16xf32, #tpu.memory_space<vmem>>, vector<16xf32>,
            tpu.vector_store %arg10[%swap3A_197], %select_n3A {strides = array<i32>} : memref<16xf32, #tpu.memory_space<vmem>>, vector<16xf32>,
            %sub3A_199 = arith.constant 2 : i32
            %sub3A_200 = vector.broadcast %sub3A_199 : i32 to vector<16xi32>
            %sub3A_201 = arith.subi %iota3A, %sub3A_200 : vector<16xi32>
            %gather3A_202 = tpu.vector_load_idx %arg10[%sub3A_201] masked %ge3A_196 : memref<16xf32, #tpu.memory_space<vmem>>[vector<16xi32>], vector<16xf32>, vector<16xi1>
            %sub3A_203 = arith.constant 2 : i32
            %sub3A_204 = vector.broadcast %sub3A_203 : i32 to vector<16xi32>
            %sub3A_205 = arith.subi %iota3A, %sub3A_204 : vector<16xi32>
            %add3A_206 = arith.addi %broadcast_in_dim3A_179, %sub3A_205 : vector<16xi32>
            %gather3A_207 = tpu.vector_load_idx %arg7[%add3A_206] masked %ge3A_196 : memref<12800xi32, #tpu.memory_space<vmem>>[vector<16xi32>], vector<16xi32>, vector<16xi1>
            %eq3A_208 = arith.cmpi eq, %get3A_176, %gather3A_207 : vector<16xi32>
            %and3A_209 = arith.andi %ge3A_196, %eq3A_208 : vector<16xi1>
            %max3A_210 = arith.maximumf %select_n3A, %gather3A_202 : vector<16xf32>
            %select_n3A_211 = arith.select %and3A_209, %max3A_210, %select_n3A : vector<16xi1>, vector<16xf32>
            %ge3A_212 = arith.constant 4 : i32
            %ge3A_213 = vector.broadcast %ge3A_212 : i32 to vector<16xi32>
            %ge3A_214 = arith.cmpi sge, %iota3A, %ge3A_213 : vector<16xi32>
            %swap3A_215 = arith.constant 0 : index
            %swap3A_216 = tpu.vector_load %arg10[%swap3A_215] {strides = array<i32>} : memref<16xf32, #tpu.memory_space<vmem>>, vector<16xf32>,
            tpu.vector_store %arg10[%swap3A_215], %select_n3A_211 {strides = array<i32>} : memref<16xf32, #tpu.memory_space<vmem>>, vector<16xf32>,
            %sub3A_217 = arith.constant 4 : i32
            %sub3A_218 = vector.broadcast %sub3A_217 : i32 to vector<16xi32>
            %sub3A_219 = arith.subi %iota3A, %sub3A_218 : vector<16xi32>
            %gather3A_220 = tpu.vector_load_idx %arg10[%sub3A_219] masked %ge3A_214 : memref<16xf32, #tpu.memory_space<vmem>>[vector<16xi32>], vector<16xf32>, vector<16xi1>
            %sub3A_221 = arith.constant 4 : i32
            %sub3A_222 = vector.broadcast %sub3A_221 : i32 to vector<16xi32>
            %sub3A_223 = arith.subi %iota3A, %sub3A_222 : vector<16xi32>
            %add3A_224 = arith.addi %broadcast_in_dim3A_179, %sub3A_223 : vector<16xi32>
            %gather3A_225 = tpu.vector_load_idx %arg7[%add3A_224] masked %ge3A_214 : memref<12800xi32, #tpu.memory_space<vmem>>[vector<16xi32>], vector<16xi32>, vector<16xi1>
            %eq3A_226 = arith.cmpi eq, %get3A_176, %gather3A_225 : vector<16xi32>
            %and3A_227 = arith.andi %ge3A_214, %eq3A_226 : vector<16xi1>
            %max3A_228 = arith.maximumf %select_n3A_211, %gather3A_220 : vector<16xf32>
            %select_n3A_229 = arith.select %and3A_227, %max3A_228, %select_n3A_211 : vector<16xi1>, vector<16xf32>
            %ge3A_230 = arith.constant 8 : i32
            %ge3A_231 = vector.broadcast %ge3A_230 : i32 to vector<16xi32>
            %ge3A_232 = arith.cmpi sge, %iota3A, %ge3A_231 : vector<16xi32>
            %swap3A_233 = arith.constant 0 : index
            %swap3A_234 = tpu.vector_load %arg10[%swap3A_233] {strides = array<i32>} : memref<16xf32, #tpu.memory_space<vmem>>, vector<16xf32>,
            tpu.vector_store %arg10[%swap3A_233], %select_n3A_229 {strides = array<i32>} : memref<16xf32, #tpu.memory_space<vmem>>, vector<16xf32>,
            %sub3A_235 = arith.constant 8 : i32
            %sub3A_236 = vector.broadcast %sub3A_235 : i32 to vector<16xi32>
            %sub3A_237 = arith.subi %iota3A, %sub3A_236 : vector<16xi32>
            %gather3A_238 = tpu.vector_load_idx %arg10[%sub3A_237] masked %ge3A_232 : memref<16xf32, #tpu.memory_space<vmem>>[vector<16xi32>], vector<16xf32>, vector<16xi1>
            %sub3A_239 = arith.constant 8 : i32
            %sub3A_240 = vector.broadcast %sub3A_239 : i32 to vector<16xi32>
            %sub3A_241 = arith.subi %iota3A, %sub3A_240 : vector<16xi32>
            %add3A_242 = arith.addi %broadcast_in_dim3A_179, %sub3A_241 : vector<16xi32>
            %gather3A_243 = tpu.vector_load_idx %arg7[%add3A_242] masked %ge3A_232 : memref<12800xi32, #tpu.memory_space<vmem>>[vector<16xi32>], vector<16xi32>, vector<16xi1>
            %eq3A_244 = arith.cmpi eq, %get3A_176, %gather3A_243 : vector<16xi32>
            %and3A_245 = arith.andi %ge3A_232, %eq3A_244 : vector<16xi1>
            %max3A_246 = arith.maximumf %select_n3A_229, %gather3A_238 : vector<16xf32>
            %select_n3A_247 = arith.select %and3A_245, %max3A_246, %select_n3A_229 : vector<16xi1>, vector<16xf32>
            %lt3A_248 = arith.constant 15 : i32
            %lt3A_249 = vector.broadcast %lt3A_248 : i32 to vector<16xi32>
            %lt3A_250 = arith.cmpi slt, %iota3A, %lt3A_249 : vector<16xi32>
            %add3A_251 = arith.constant 1 : i32
            %add3A_252 = vector.broadcast %add3A_251 : i32 to vector<16xi32>
            %add3A_253 = arith.addi %iota3A, %add3A_252 : vector<16xi32>
            %add3A_254 = arith.addi %broadcast_in_dim3A_179, %add3A_253 : vector<16xi32>
            %gather3A_255 = tpu.vector_load_idx %arg7[%add3A_254] masked %lt3A_250 : memref<12800xi32, #tpu.memory_space<vmem>>[vector<16xi32>], vector<16xi32>, vector<16xi1>
            %eq3A_256 = arith.constant 15 : i32
            %eq3A_257 = vector.broadcast %eq3A_256 : i32 to vector<16xi32>
            %eq3A_258 = arith.cmpi eq, %iota3A, %eq3A_257 : vector<16xi32>
            %ne3A_259 = arith.cmpi ne, %get3A_176, %gather3A_255 : vector<16xi32>
            %and3A_260 = arith.andi %lt3A_250, %ne3A_259 : vector<16xi1>
            %or3A = arith.ori %eq3A_258, %and3A_260 : vector<16xi1>
            %gather3A_261 = tpu.vector_load_idx %arg9[%get3A_176] : memref<16400xf32, #tpu.memory_space<vmem>>[vector<16xi32>], vector<16xf32>,
            %max3A_262 = arith.maximumf %gather3A_261, %select_n3A_247 : vector<16xf32>
            tpu.vector_store_idx %arg9[%get3A_176], %max3A_262 masked %or3A : memref<16400xf32, #tpu.memory_space<vmem>>[vector<16xi32>], vector<16xf32>, vector<16xi1>
          }
          %while3A_156 = arith.constant 1 : i32
          scf.for %while3A_172 = %while3A_154 to %while3A_150 step %while3A_156  : i32 {
            %mul3A_173 = arith.constant 16 : i32
            %mul3A_174 = arith.muli %while3A_172, %mul3A_173 : i32
            %add3A_175 = arith.addi %mul3A_81, %mul3A_174 : i32
            %get3A = arith.index_cast %add3A_175 : i32 to index
            %get3A_176 = tpu.vector_load %arg7[%get3A] {strides = array<i32>} : memref<12800xi32, #tpu.memory_space<vmem>>, vector<16xi32>,
            %get3A_177 = arith.index_cast %add3A_175 : i32 to index
            %get3A_178 = tpu.vector_load %arg5[%get3A_177] {strides = array<i32>} : memref<12800xf32, #tpu.memory_space<vmem>>, vector<16xf32>,
            %broadcast_in_dim3A_179 = vector.broadcast %add3A_175 : i32 to vector<16xi32>
            %ge3A = arith.constant 1 : i32
            %ge3A_180 = vector.broadcast %ge3A : i32 to vector<16xi32>
            %ge3A_181 = arith.cmpi sge, %iota3A, %ge3A_180 : vector<16xi32>
            %swap3A = arith.constant 0 : index
            %swap3A_182 = tpu.vector_load %arg10[%swap3A] {strides = array<i32>} : memref<16xf32, #tpu.memory_space<vmem>>, vector<16xf32>,
            tpu.vector_store %arg10[%swap3A], %get3A_178 {strides = array<i32>} : memref<16xf32, #tpu.memory_space<vmem>>, vector<16xf32>,
            %sub3A_183 = arith.constant 1 : i32
            %sub3A_184 = vector.broadcast %sub3A_183 : i32 to vector<16xi32>
            %sub3A_185 = arith.subi %iota3A, %sub3A_184 : vector<16xi32>
            %gather3A_186 = tpu.vector_load_idx %arg10[%sub3A_185] masked %ge3A_181 : memref<16xf32, #tpu.memory_space<vmem>>[vector<16xi32>], vector<16xf32>, vector<16xi1>
            %sub3A_187 = arith.constant 1 : i32
            %sub3A_188 = vector.broadcast %sub3A_187 : i32 to vector<16xi32>
            %sub3A_189 = arith.subi %iota3A, %sub3A_188 : vector<16xi32>
            %add3A_190 = arith.addi %broadcast_in_dim3A_179, %sub3A_189 : vector<16xi32>
            %gather3A_191 = tpu.vector_load_idx %arg7[%add3A_190] masked %ge3A_181 : memref<12800xi32, #tpu.memory_space<vmem>>[vector<16xi32>], vector<16xi32>, vector<16xi1>
            %eq3A_192 = arith.cmpi eq, %get3A_176, %gather3A_191 : vector<16xi32>
            %and3A = arith.andi %ge3A_181, %eq3A_192 : vector<16xi1>
            %max3A_193 = arith.maximumf %get3A_178, %gather3A_186 : vector<16xf32>
            %select_n3A = arith.select %and3A, %max3A_193, %get3A_178 : vector<16xi1>, vector<16xf32>
            %ge3A_194 = arith.constant 2 : i32
            %ge3A_195 = vector.broadcast %ge3A_194 : i32 to vector<16xi32>
            %ge3A_196 = arith.cmpi sge, %iota3A, %ge3A_195 : vector<16xi32>
            %swap3A_197 = arith.constant 0 : index
            %swap3A_198 = tpu.vector_load %arg10[%swap3A_197] {strides = array<i32>} : memref<16xf32, #tpu.memory_space<vmem>>, vector<16xf32>,
            tpu.vector_store %arg10[%swap3A_197], %select_n3A {strides = array<i32>} : memref<16xf32, #tpu.memory_space<vmem>>, vector<16xf32>,
            %sub3A_199 = arith.constant 2 : i32
            %sub3A_200 = vector.broadcast %sub3A_199 : i32 to vector<16xi32>
            %sub3A_201 = arith.subi %iota3A, %sub3A_200 : vector<16xi32>
            %gather3A_202 = tpu.vector_load_idx %arg10[%sub3A_201] masked %ge3A_196 : memref<16xf32, #tpu.memory_space<vmem>>[vector<16xi32>], vector<16xf32>, vector<16xi1>
            %sub3A_203 = arith.constant 2 : i32
            %sub3A_204 = vector.broadcast %sub3A_203 : i32 to vector<16xi32>
            %sub3A_205 = arith.subi %iota3A, %sub3A_204 : vector<16xi32>
            %add3A_206 = arith.addi %broadcast_in_dim3A_179, %sub3A_205 : vector<16xi32>
            %gather3A_207 = tpu.vector_load_idx %arg7[%add3A_206] masked %ge3A_196 : memref<12800xi32, #tpu.memory_space<vmem>>[vector<16xi32>], vector<16xi32>, vector<16xi1>
            %eq3A_208 = arith.cmpi eq, %get3A_176, %gather3A_207 : vector<16xi32>
            %and3A_209 = arith.andi %ge3A_196, %eq3A_208 : vector<16xi1>
            %max3A_210 = arith.maximumf %select_n3A, %gather3A_202 : vector<16xf32>
            %select_n3A_211 = arith.select %and3A_209, %max3A_210, %select_n3A : vector<16xi1>, vector<16xf32>
            %ge3A_212 = arith.constant 4 : i32
            %ge3A_213 = vector.broadcast %ge3A_212 : i32 to vector<16xi32>
            %ge3A_214 = arith.cmpi sge, %iota3A, %ge3A_213 : vector<16xi32>
            %swap3A_215 = arith.constant 0 : index
            %swap3A_216 = tpu.vector_load %arg10[%swap3A_215] {strides = array<i32>} : memref<16xf32, #tpu.memory_space<vmem>>, vector<16xf32>,
            tpu.vector_store %arg10[%swap3A_215], %select_n3A_211 {strides = array<i32>} : memref<16xf32, #tpu.memory_space<vmem>>, vector<16xf32>,
            %sub3A_217 = arith.constant 4 : i32
            %sub3A_218 = vector.broadcast %sub3A_217 : i32 to vector<16xi32>
            %sub3A_219 = arith.subi %iota3A, %sub3A_218 : vector<16xi32>
            %gather3A_220 = tpu.vector_load_idx %arg10[%sub3A_219] masked %ge3A_214 : memref<16xf32, #tpu.memory_space<vmem>>[vector<16xi32>], vector<16xf32>, vector<16xi1>
            %sub3A_221 = arith.constant 4 : i32
            %sub3A_222 = vector.broadcast %sub3A_221 : i32 to vector<16xi32>
            %sub3A_223 = arith.subi %iota3A, %sub3A_222 : vector<16xi32>
            %add3A_224 = arith.addi %broadcast_in_dim3A_179, %sub3A_223 : vector<16xi32>
            %gather3A_225 = tpu.vector_load_idx %arg7[%add3A_224] masked %ge3A_214 : memref<12800xi32, #tpu.memory_space<vmem>>[vector<16xi32>], vector<16xi32>, vector<16xi1>
            %eq3A_226 = arith.cmpi eq, %get3A_176, %gather3A_225 : vector<16xi32>
            %and3A_227 = arith.andi %ge3A_214, %eq3A_226 : vector<16xi1>
            %max3A_228 = arith.maximumf %select_n3A_211, %gather3A_220 : vector<16xf32>
            %select_n3A_229 = arith.select %and3A_227, %max3A_228, %select_n3A_211 : vector<16xi1>, vector<16xf32>
            %ge3A_230 = arith.constant 8 : i32
            %ge3A_231 = vector.broadcast %ge3A_230 : i32 to vector<16xi32>
            %ge3A_232 = arith.cmpi sge, %iota3A, %ge3A_231 : vector<16xi32>
            %swap3A_233 = arith.constant 0 : index
            %swap3A_234 = tpu.vector_load %arg10[%swap3A_233] {strides = array<i32>} : memref<16xf32, #tpu.memory_space<vmem>>, vector<16xf32>,
            tpu.vector_store %arg10[%swap3A_233], %select_n3A_229 {strides = array<i32>} : memref<16xf32, #tpu.memory_space<vmem>>, vector<16xf32>,
            %sub3A_235 = arith.constant 8 : i32
            %sub3A_236 = vector.broadcast %sub3A_235 : i32 to vector<16xi32>
            %sub3A_237 = arith.subi %iota3A, %sub3A_236 : vector<16xi32>
            %gather3A_238 = tpu.vector_load_idx %arg10[%sub3A_237] masked %ge3A_232 : memref<16xf32, #tpu.memory_space<vmem>>[vector<16xi32>], vector<16xf32>, vector<16xi1>
            %sub3A_239 = arith.constant 8 : i32
            %sub3A_240 = vector.broadcast %sub3A_239 : i32 to vector<16xi32>
            %sub3A_241 = arith.subi %iota3A, %sub3A_240 : vector<16xi32>
            %add3A_242 = arith.addi %broadcast_in_dim3A_179, %sub3A_241 : vector<16xi32>
            %gather3A_243 = tpu.vector_load_idx %arg7[%add3A_242] masked %ge3A_232 : memref<12800xi32, #tpu.memory_space<vmem>>[vector<16xi32>], vector<16xi32>, vector<16xi1>
            %eq3A_244 = arith.cmpi eq, %get3A_176, %gather3A_243 : vector<16xi32>
            %and3A_245 = arith.andi %ge3A_232, %eq3A_244 : vector<16xi1>
            %max3A_246 = arith.maximumf %select_n3A_229, %gather3A_238 : vector<16xf32>
            %select_n3A_247 = arith.select %and3A_245, %max3A_246, %select_n3A_229 : vector<16xi1>, vector<16xf32>
            %lt3A_248 = arith.constant 15 : i32
            %lt3A_249 = vector.broadcast %lt3A_248 : i32 to vector<16xi32>
            %lt3A_250 = arith.cmpi slt, %iota3A, %lt3A_249 : vector<16xi32>
            %add3A_251 = arith.constant 1 : i32
            %add3A_252 = vector.broadcast %add3A_251 : i32 to vector<16xi32>
            %add3A_253 = arith.addi %iota3A, %add3A_252 : vector<16xi32>
            %add3A_254 = arith.addi %broadcast_in_dim3A_179, %add3A_253 : vector<16xi32>
            %gather3A_255 = tpu.vector_load_idx %arg7[%add3A_254] masked %lt3A_250 : memref<12800xi32, #tpu.memory_space<vmem>>[vector<16xi32>], vector<16xi32>, vector<16xi1>
            %eq3A_256 = arith.constant 15 : i32
            %eq3A_257 = vector.broadcast %eq3A_256 : i32 to vector<16xi32>
            %eq3A_258 = arith.cmpi eq, %iota3A, %eq3A_257 : vector<16xi32>
            %ne3A_259 = arith.cmpi ne, %get3A_176, %gather3A_255 : vector<16xi32>
            %and3A_260 = arith.andi %lt3A_250, %ne3A_259 : vector<16xi1>
            %or3A = arith.ori %eq3A_258, %and3A_260 : vector<16xi1>
            %gather3A_261 = tpu.vector_load_idx %arg9[%get3A_176] : memref<16400xf32, #tpu.memory_space<vmem>>[vector<16xi32>], vector<16xf32>,
            %max3A_262 = arith.maximumf %gather3A_261, %select_n3A_247 : vector<16xf32>
            tpu.vector_store_idx %arg9[%get3A_176], %max3A_262 masked %or3A : memref<16400xf32, #tpu.memory_space<vmem>>[vector<16xi32>], vector<16xf32>, vector<16xi1>
          }
          %add3A_157 = arith.constant 1 : i32
          %add3A_158 = arith.addi %sub3A_122, %add3A_157 : i32
          %broadcast_in_dim3A_159 = arith.constant 0xFF800000 : f32
          %broadcast_in_dim3A_160 = vector.broadcast %broadcast_in_dim3A_159 : f32 to vector<16xf32>
          %while3A_161 = arith.constant 16 : i32
          %while3A_162 = arith.subi %while3A_161, %add3A_158 : i32
          %while3A_163 = arith.addi %add3A_158, %while3A_162 : i32
          %while3A_164 = arith.constant 1 : i32
          %while3A_165 = arith.divsi %while3A_162, %while3A_164 : i32
          %while3A_166 = arith.muli %while3A_165, %while3A_164 : i32
          %while3A_167 = arith.addi %add3A_158, %while3A_166 : i32
          %while3A_168 = arith.constant 1 : i32
          %while3A_169 = scf.for %while3A_172 = %add3A_158 to %while3A_167 step %while3A_168 iter_args(%while3A_173 = %broadcast_in_dim3A_160) -> (vector<16xf32>)  : i32 {
            %mul3A_174 = arith.constant 16 : i32
            %mul3A_175 = arith.muli %while3A_172, %mul3A_174 : i32
            %add3A_176 = arith.addi %mul3A_81, %mul3A_175 : i32
            %get3A = arith.index_cast %add3A_176 : i32 to index
            %get3A_177 = tpu.vector_load %arg5[%get3A] {strides = array<i32>} : memref<12800xf32, #tpu.memory_space<vmem>>, vector<16xf32>,
            %max3A_178 = arith.maximumf %while3A_173, %get3A_177 : vector<16xf32>
            scf.yield %max3A_178 : vector<16xf32>
          }
          %while3A_170 = arith.constant 1 : i32
          %while3A_171 = scf.for %while3A_172 = %while3A_167 to %while3A_163 step %while3A_170 iter_args(%while3A_173 = %while3A_169) -> (vector<16xf32>)  : i32 {
            %mul3A_174 = arith.constant 16 : i32
            %mul3A_175 = arith.muli %while3A_172, %mul3A_174 : i32
            %add3A_176 = arith.addi %mul3A_81, %mul3A_175 : i32
            %get3A = arith.index_cast %add3A_176 : i32 to index
            %get3A_177 = tpu.vector_load %arg5[%get3A] {strides = array<i32>} : memref<12800xf32, #tpu.memory_space<vmem>>, vector<16xf32>,
            %max3A_178 = arith.maximumf %while3A_173, %get3A_177 : vector<16xf32>
            scf.yield %max3A_178 : vector<16xf32>
          }
          scf.yield %squeeze3A_93, %while3A_171 : i32, vector<16xf32>
        }
        scf.yield %cond3A_98#0, %cond3A_98#1 : i32, vector<16xf32>
      }
      %scan3A_52 = arith.constant 50 : i32
      %mul3A_53 = arith.constant 2 : i32
      %mul3A_54 = arith.muli %scan3A_30, %mul3A_53 : i32
      %add3A_55 = arith.constant 1 : i32
      %add3A_56 = arith.addi %mul3A_54, %add3A_55 : i32
      %add3A_57 = arith.constant 1 : i32
      %add3A_58 = arith.addi %add3A_56, %add3A_57 : i32
      %lt3A_59 = arith.constant 40 : i32
      %lt3A_60 = arith.cmpi slt, %add3A_58, %lt3A_59 : i32
      %convert_element_type3A_61 = arith.extui %lt3A_60 : i1 to i32
      %cond3A_62 = arith.constant 0 : i32
      %cond3A_63 = arith.cmpi ne, %convert_element_type3A_61, %cond3A_62 : i32
      scf.if %cond3A_63 {
        %add3A_77 = arith.constant 1 : i32
        %add3A_78 = arith.addi %add3A_56, %add3A_77 : i32
        %mul3A_79 = arith.constant 12800 : i32
        %mul3A_80 = arith.muli %add3A_78, %mul3A_79 : i32
        %add3A_81 = arith.addi %mul3A_2, %mul3A_80 : i32
        %dma_start3A_82 = tpu.memref_slice %arg2[%add3A_81] : memref<16384000xf32, #tpu.memory_space<hbm>> -> memref<12800xf32, #tpu.memory_space<hbm>>
        %dma_start3A_83 = tpu.memref_slice %arg2[%add3A_81] : memref<16384000xf32, #tpu.memory_space<hbm>> -> memref<12800xf32, #tpu.memory_space<hbm>>
        tpu.enqueue_dma source(%dma_start3A_83 : memref<12800xf32, #tpu.memory_space<hbm>>) target(%arg5 : memref<12800xf32, #tpu.memory_space<vmem>>) target_semaphore(%arg11 : memref<!tpu.dma_semaphore, #tpu.memory_space<semaphore_mem>>)
        %dma_start3A_84 = tpu.memref_slice %arg3[%add3A_81] : memref<16384000xi32, #tpu.memory_space<hbm>> -> memref<12800xi32, #tpu.memory_space<hbm>>
        %dma_start3A_85 = tpu.memref_slice %arg3[%add3A_81] : memref<16384000xi32, #tpu.memory_space<hbm>> -> memref<12800xi32, #tpu.memory_space<hbm>>
        tpu.enqueue_dma source(%dma_start3A_85 : memref<12800xi32, #tpu.memory_space<hbm>>) target(%arg7 : memref<12800xi32, #tpu.memory_space<vmem>>) target_semaphore(%arg13 : memref<!tpu.dma_semaphore, #tpu.memory_space<semaphore_mem>>)
      } else {
      }
      %mul3A_64 = arith.constant 12800 : i32
      %mul3A_65 = arith.muli %add3A_56, %mul3A_64 : i32
      %add3A_66 = arith.addi %mul3A_2, %mul3A_65 : i32
      %dma_wait3A_67 = tpu.memref_slice %arg2[%add3A_66] : memref<16384000xf32, #tpu.memory_space<hbm>> -> memref<12800xf32, #tpu.memory_space<hbm>>
      %dma_wait3A_68 = tpu.memref_slice %arg2[%add3A_66] : memref<16384000xf32, #tpu.memory_space<hbm>> -> memref<12800xf32, #tpu.memory_space<hbm>>
      tpu.wait_dma2 semaphore(%arg12 : memref<!tpu.dma_semaphore, #tpu.memory_space<semaphore_mem>>) src(%dma_wait3A_68 : memref<12800xf32, #tpu.memory_space<hbm>>) dst(%arg6 : memref<12800xf32, #tpu.memory_space<vmem>>)
      %dma_wait3A_69 = tpu.memref_slice %arg3[%add3A_66] : memref<16384000xi32, #tpu.memory_space<hbm>> -> memref<12800xi32, #tpu.memory_space<hbm>>
      %dma_wait3A_70 = tpu.memref_slice %arg3[%add3A_66] : memref<16384000xi32, #tpu.memory_space<hbm>> -> memref<12800xi32, #tpu.memory_space<hbm>>
      tpu.wait_dma2 semaphore(%arg14 : memref<!tpu.dma_semaphore, #tpu.memory_space<semaphore_mem>>) src(%dma_wait3A_70 : memref<12800xi32, #tpu.memory_space<hbm>>) dst(%arg8 : memref<12800xi32, #tpu.memory_space<vmem>>)
      %scan3A_71 = arith.constant 0 : i32
      %scan3A_72 = arith.constant 50 : i32
      %scan3A_73 = arith.addi %scan3A_71, %scan3A_72 : i32
      %scan3A_74 = arith.constant 1 : i32
      %scan3A_75:2 = scf.for %scan3A_77 = %scan3A_71 to %scan3A_73 step %scan3A_74 iter_args(%scan3A_78 = %scan3A_51#0, %scan3A_79 = %scan3A_51#1) -> (i32, vector<16xf32>)  : i32 {
        %mul3A_80 = arith.constant 256 : i32
        %mul3A_81 = arith.muli %scan3A_77, %mul3A_80 : i32
        %broadcast_in_dim3A_82 = vector.broadcast %mul3A_81 : i32 to vector<16xi32>
        %mul3A_83 = arith.constant 16 : i32
        %mul3A_84 = vector.broadcast %mul3A_83 : i32 to vector<16xi32>
        %mul3A_85 = arith.muli %iota3A, %mul3A_84 : vector<16xi32>
        %add3A_86 = arith.addi %broadcast_in_dim3A_82, %mul3A_85 : vector<16xi32>
        %gather3A_87 = tpu.vector_load_idx %arg8[%add3A_86] : memref<12800xi32, #tpu.memory_space<vmem>>[vector<16xi32>], vector<16xi32>,
        %add3A_88 = arith.constant 15 : i32
        %add3A_89 = vector.broadcast %add3A_88 : i32 to vector<16xi32>
        %add3A_90 = arith.addi %add3A_86, %add3A_89 : vector<16xi32>
        %gather3A_91 = tpu.vector_load_idx %arg8[%add3A_90] : memref<12800xi32, #tpu.memory_space<vmem>>[vector<16xi32>], vector<16xi32>,
        %slice3A = vector.extract_strided_slice %gather3A_87 {offsets = [0], sizes = [1], strides = [1]} : vector<16xi32> to vector<1xi32>
        %squeeze3A = vector.extract %slice3A[0] : i32 from vector<1xi32>
        %slice3A_92 = vector.extract_strided_slice %gather3A_91 {offsets = [15], sizes = [1], strides = [1]} : vector<16xi32> to vector<1xi32>
        %squeeze3A_93 = vector.extract %slice3A_92[0] : i32 from vector<1xi32>
        %eq3A_94 = arith.cmpi eq, %squeeze3A, %squeeze3A_93 : i32
        %convert_element_type3A_95 = arith.extui %eq3A_94 : i1 to i32
        %cond3A_96 = arith.constant 0 : i32
        %cond3A_97 = arith.cmpi ne, %convert_element_type3A_95, %cond3A_96 : i32
        %cond3A_98:2 = scf.if %cond3A_97 -> (i32, vector<16xf32>) {
          %get3A = arith.index_cast %mul3A_81 : i32 to index
          %get3A_99 = tpu.vector_load %arg6[%get3A] {strides = array<i32>} : memref<12800xf32, #tpu.memory_space<vmem>>, vector<16xf32>,
          %add3A_100 = arith.constant 16 : i32
          %add3A_101 = arith.addi %mul3A_81, %add3A_100 : i32
          %get3A_102 = arith.index_cast %add3A_101 : i32 to index
          %get3A_103 = tpu.vector_load %arg6[%get3A_102] {strides = array<i32>} : memref<12800xf32, #tpu.memory_space<vmem>>, vector<16xf32>,
          %max3A_104 = arith.maximumf %get3A_99, %get3A_103 : vector<16xf32>
          %add3A_105 = arith.constant 32 : i32
          %add3A_106 = arith.addi %mul3A_81, %add3A_105 : i32
          %get3A_107 = arith.index_cast %add3A_106 : i32 to index
          %get3A_108 = tpu.vector_load %arg6[%get3A_107] {strides = array<i32>} : memref<12800xf32, #tpu.memory_space<vmem>>, vector<16xf32>,
          %max3A_109 = arith.maximumf %max3A_104, %get3A_108 : vector<16xf32>
          %add3A_110 = arith.constant 48 : i32
          %add3A_111 = arith.addi %mul3A_81, %add3A_110 : i32
          %get3A_112 = arith.index_cast %add3A_111 : i32 to index
          %get3A_113 = tpu.vector_load %arg6[%get3A_112] {strides = array<i32>} : memref<12800xf32, #tpu.memory_space<vmem>>, vector<16xf32>,
          %max3A_114 = arith.maximumf %max3A_109, %get3A_113 : vector<16xf32>
          %add3A_115 = arith.constant 64 : i32
          %add3A_116 = arith.addi %mul3A_81, %add3A_115 : i32
          %get3A_117 = arith.index_cast %add3A_116 : i32 to index
          %get3A_118 = tpu.vector_load %arg6[%get3A_117] {strides = array<i32>} : memref<12800xf32, #tpu.memory_space<vmem>>, vector<16xf32>,
          %max3A_119 = arith.maximumf %max3A_114, %get3A_118 : vector<16xf32>
          %add3A_120 = arith.constant 80 : i32
          %add3A_121 = arith.addi %mul3A_81, %add3A_120 : i32
          %get3A_122 = arith.index_cast %add3A_121 : i32 to index
          %get3A_123 = tpu.vector_load %arg6[%get3A_122] {strides = array<i32>} : memref<12800xf32, #tpu.memory_space<vmem>>, vector<16xf32>,
          %max3A_124 = arith.maximumf %max3A_119, %get3A_123 : vector<16xf32>
          %add3A_125 = arith.constant 96 : i32
          %add3A_126 = arith.addi %mul3A_81, %add3A_125 : i32
          %get3A_127 = arith.index_cast %add3A_126 : i32 to index
          %get3A_128 = tpu.vector_load %arg6[%get3A_127] {strides = array<i32>} : memref<12800xf32, #tpu.memory_space<vmem>>, vector<16xf32>,
          %max3A_129 = arith.maximumf %max3A_124, %get3A_128 : vector<16xf32>
          %add3A_130 = arith.constant 112 : i32
          %add3A_131 = arith.addi %mul3A_81, %add3A_130 : i32
          %get3A_132 = arith.index_cast %add3A_131 : i32 to index
          %get3A_133 = tpu.vector_load %arg6[%get3A_132] {strides = array<i32>} : memref<12800xf32, #tpu.memory_space<vmem>>, vector<16xf32>,
          %max3A_134 = arith.maximumf %max3A_129, %get3A_133 : vector<16xf32>
          %add3A_135 = arith.constant 128 : i32
          %add3A_136 = arith.addi %mul3A_81, %add3A_135 : i32
          %get3A_137 = arith.index_cast %add3A_136 : i32 to index
          %get3A_138 = tpu.vector_load %arg6[%get3A_137] {strides = array<i32>} : memref<12800xf32, #tpu.memory_space<vmem>>, vector<16xf32>,
          %max3A_139 = arith.maximumf %max3A_134, %get3A_138 : vector<16xf32>
          %add3A_140 = arith.constant 144 : i32
          %add3A_141 = arith.addi %mul3A_81, %add3A_140 : i32
          %get3A_142 = arith.index_cast %add3A_141 : i32 to index
          %get3A_143 = tpu.vector_load %arg6[%get3A_142] {strides = array<i32>} : memref<12800xf32, #tpu.memory_space<vmem>>, vector<16xf32>,
          %max3A_144 = arith.maximumf %max3A_139, %get3A_143 : vector<16xf32>
          %add3A_145 = arith.constant 160 : i32
          %add3A_146 = arith.addi %mul3A_81, %add3A_145 : i32
          %get3A_147 = arith.index_cast %add3A_146 : i32 to index
          %get3A_148 = tpu.vector_load %arg6[%get3A_147] {strides = array<i32>} : memref<12800xf32, #tpu.memory_space<vmem>>, vector<16xf32>,
          %max3A_149 = arith.maximumf %max3A_144, %get3A_148 : vector<16xf32>
          %add3A_150 = arith.constant 176 : i32
          %add3A_151 = arith.addi %mul3A_81, %add3A_150 : i32
          %get3A_152 = arith.index_cast %add3A_151 : i32 to index
          %get3A_153 = tpu.vector_load %arg6[%get3A_152] {strides = array<i32>} : memref<12800xf32, #tpu.memory_space<vmem>>, vector<16xf32>,
          %max3A_154 = arith.maximumf %max3A_149, %get3A_153 : vector<16xf32>
          %add3A_155 = arith.constant 192 : i32
          %add3A_156 = arith.addi %mul3A_81, %add3A_155 : i32
          %get3A_157 = arith.index_cast %add3A_156 : i32 to index
          %get3A_158 = tpu.vector_load %arg6[%get3A_157] {strides = array<i32>} : memref<12800xf32, #tpu.memory_space<vmem>>, vector<16xf32>,
          %max3A_159 = arith.maximumf %max3A_154, %get3A_158 : vector<16xf32>
          %add3A_160 = arith.constant 208 : i32
          %add3A_161 = arith.addi %mul3A_81, %add3A_160 : i32
          %get3A_162 = arith.index_cast %add3A_161 : i32 to index
          %get3A_163 = tpu.vector_load %arg6[%get3A_162] {strides = array<i32>} : memref<12800xf32, #tpu.memory_space<vmem>>, vector<16xf32>,
          %max3A_164 = arith.maximumf %max3A_159, %get3A_163 : vector<16xf32>
          %add3A_165 = arith.constant 224 : i32
          %add3A_166 = arith.addi %mul3A_81, %add3A_165 : i32
          %get3A_167 = arith.index_cast %add3A_166 : i32 to index
          %get3A_168 = tpu.vector_load %arg6[%get3A_167] {strides = array<i32>} : memref<12800xf32, #tpu.memory_space<vmem>>, vector<16xf32>,
          %max3A_169 = arith.maximumf %max3A_164, %get3A_168 : vector<16xf32>
          %add3A_170 = arith.constant 240 : i32
          %add3A_171 = arith.addi %mul3A_81, %add3A_170 : i32
          %get3A_172 = arith.index_cast %add3A_171 : i32 to index
          %get3A_173 = tpu.vector_load %arg6[%get3A_172] {strides = array<i32>} : memref<12800xf32, #tpu.memory_space<vmem>>, vector<16xf32>,
          %max3A_174 = arith.maximumf %max3A_169, %get3A_173 : vector<16xf32>
          %eq3A_175 = arith.cmpi eq, %squeeze3A, %scan3A_78 : i32
          %convert_element_type3A_176 = arith.extui %eq3A_175 : i1 to i32
          %cond3A_177 = arith.constant 0 : i32
          %cond3A_178 = arith.cmpi ne, %convert_element_type3A_176, %cond3A_177 : i32
          %cond3A_179:2 = scf.if %cond3A_178 -> (i32, vector<16xf32>) {
            %max3A_180 = arith.maximumf %scan3A_79, %max3A_174 : vector<16xf32>
            scf.yield %scan3A_78, %max3A_180 : i32, vector<16xf32>
          } else {
            %reduce_max3A_180 = arith.constant true
            %reduce_max3A_181 = vector.broadcast %reduce_max3A_180 : i1 to vector<16xi1>
            %reduce_max3A_182 = tpu.scan <max>, %scan3A_79 masked %reduce_max3A_181 : vector<16xf32>, vector<16xi1> -> vector<16xf32>
            %reduce_max3A_183 = vector.extract %reduce_max3A_182[15] : f32 from vector<16xf32>
            %broadcast_in_dim3A_184 = vector.broadcast %scan3A_78 : i32 to vector<16xi32>
            %broadcast_in_dim3A_185 = vector.broadcast %reduce_max3A_183 : f32 to vector<16xf32>
            %eq3A_186 = arith.constant 0 : i32
            %eq3A_187 = vector.broadcast %eq3A_186 : i32 to vector<16xi32>
            %eq3A_188 = arith.cmpi eq, %iota3A, %eq3A_187 : vector<16xi32>
            %gather3A_189 = tpu.vector_load_idx %arg9[%broadcast_in_dim3A_184] : memref<16400xf32, #tpu.memory_space<vmem>>[vector<16xi32>], vector<16xf32>,
            %max3A_190 = arith.maximumf %gather3A_189, %broadcast_in_dim3A_185 : vector<16xf32>
            tpu.vector_store_idx %arg9[%broadcast_in_dim3A_184], %max3A_190 masked %eq3A_188 : memref<16400xf32, #tpu.memory_space<vmem>>[vector<16xi32>], vector<16xf32>, vector<16xi1>
            scf.yield %squeeze3A, %max3A_174 : i32, vector<16xf32>
          }
          scf.yield %cond3A_179#0, %cond3A_179#1 : i32, vector<16xf32>
        } else {
          %reduce_max3A_99 = arith.constant true
          %reduce_max3A_100 = vector.broadcast %reduce_max3A_99 : i1 to vector<16xi1>
          %reduce_max3A_101 = tpu.scan <max>, %scan3A_79 masked %reduce_max3A_100 : vector<16xf32>, vector<16xi1> -> vector<16xf32>
          %reduce_max3A_102 = vector.extract %reduce_max3A_101[15] : f32 from vector<16xf32>
          %broadcast_in_dim3A_103 = vector.broadcast %scan3A_78 : i32 to vector<16xi32>
          %broadcast_in_dim3A_104 = vector.broadcast %reduce_max3A_102 : f32 to vector<16xf32>
          %eq3A_105 = arith.constant 0 : i32
          %eq3A_106 = vector.broadcast %eq3A_105 : i32 to vector<16xi32>
          %eq3A_107 = arith.cmpi eq, %iota3A, %eq3A_106 : vector<16xi32>
          %gather3A_108 = tpu.vector_load_idx %arg9[%broadcast_in_dim3A_103] : memref<16400xf32, #tpu.memory_space<vmem>>[vector<16xi32>], vector<16xf32>,
          %max3A_109 = arith.maximumf %gather3A_108, %broadcast_in_dim3A_104 : vector<16xf32>
          tpu.vector_store_idx %arg9[%broadcast_in_dim3A_103], %max3A_109 masked %eq3A_107 : memref<16400xf32, #tpu.memory_space<vmem>>[vector<16xi32>], vector<16xf32>, vector<16xi1>
          %broadcast_in_dim3A_110 = vector.broadcast %squeeze3A : i32 to vector<16xi32>
          %ne3A = arith.cmpi ne, %gather3A_91, %broadcast_in_dim3A_110 : vector<16xi32>
          %all_reduce_ffs3A = tpu.all_reduce %ne3A {dim = 0 : i64, kind = #tpu.reduction_kind<find_first_set>} : vector<16xi1> -> vector<16xi32>
          %slice3A_111 = vector.extract_strided_slice %all_reduce_ffs3A {offsets = [0], sizes = [1], strides = [1]} : vector<16xi32> to vector<1xi32>
          %squeeze3A_112 = vector.extract %slice3A_111[0] : i32 from vector<1xi32>
          %rev3A = arith.constant 15 : i32
          %rev3A_113 = vector.broadcast %rev3A : i32 to vector<16xi32>
          %rev3A_114 = tpu.iota {dimensions = array<i32: 0>} : vector<16xi32>
          %rev3A_115 = arith.subi %rev3A_113, %rev3A_114 : vector<16xi32>
          %rev3A_116 = tpu.dynamic_gather %gather3A_87[%rev3A_115] in [0] : vector<16xi32>, vector<16xi32> -> vector<16xi32>
          %broadcast_in_dim3A_117 = vector.broadcast %squeeze3A_93 : i32 to vector<16xi32>
          %ne3A_118 = arith.cmpi ne, %rev3A_116, %broadcast_in_dim3A_117 : vector<16xi32>
          %all_reduce_ffs3A_119 = tpu.all_reduce %ne3A_118 {dim = 0 : i64, kind = #tpu.reduction_kind<find_first_set>} : vector<16xi1> -> vector<16xi32>
          %slice3A_120 = vector.extract_strided_slice %all_reduce_ffs3A_119 {offsets = [0], sizes = [1], strides = [1]} : vector<16xi32> to vector<1xi32>
          %squeeze3A_121 = vector.extract %slice3A_120[0] : i32 from vector<1xi32>
          %sub3A = arith.constant 15 : i32
          %sub3A_122 = arith.subi %sub3A, %squeeze3A_121 : i32
          %broadcast_in_dim3A_123 = arith.constant 0xFF800000 : f32
          %broadcast_in_dim3A_124 = vector.broadcast %broadcast_in_dim3A_123 : f32 to vector<16xf32>
          %while3A = arith.constant 0 : i32
          %while3A_125 = arith.subi %squeeze3A_112, %while3A : i32
          %while3A_126 = arith.addi %while3A, %while3A_125 : i32
          %while3A_127 = arith.constant 1 : i32
          %while3A_128 = arith.divsi %while3A_125, %while3A_127 : i32
          %while3A_129 = arith.muli %while3A_128, %while3A_127 : i32
          %while3A_130 = arith.addi %while3A, %while3A_129 : i32
          %while3A_131 = arith.constant 1 : i32
          %while3A_132 = scf.for %while3A_172 = %while3A to %while3A_130 step %while3A_131 iter_args(%while3A_173 = %broadcast_in_dim3A_124) -> (vector<16xf32>)  : i32 {
            %mul3A_174 = arith.constant 16 : i32
            %mul3A_175 = arith.muli %while3A_172, %mul3A_174 : i32
            %add3A_176 = arith.addi %mul3A_81, %mul3A_175 : i32
            %get3A = arith.index_cast %add3A_176 : i32 to index
            %get3A_177 = tpu.vector_load %arg6[%get3A] {strides = array<i32>} : memref<12800xf32, #tpu.memory_space<vmem>>, vector<16xf32>,
            %max3A_178 = arith.maximumf %while3A_173, %get3A_177 : vector<16xf32>
            scf.yield %max3A_178 : vector<16xf32>
          }
          %while3A_133 = arith.constant 1 : i32
          %while3A_134 = scf.for %while3A_172 = %while3A_130 to %while3A_126 step %while3A_133 iter_args(%while3A_173 = %while3A_132) -> (vector<16xf32>)  : i32 {
            %mul3A_174 = arith.constant 16 : i32
            %mul3A_175 = arith.muli %while3A_172, %mul3A_174 : i32
            %add3A_176 = arith.addi %mul3A_81, %mul3A_175 : i32
            %get3A = arith.index_cast %add3A_176 : i32 to index
            %get3A_177 = tpu.vector_load %arg6[%get3A] {strides = array<i32>} : memref<12800xf32, #tpu.memory_space<vmem>>, vector<16xf32>,
            %max3A_178 = arith.maximumf %while3A_173, %get3A_177 : vector<16xf32>
            scf.yield %max3A_178 : vector<16xf32>
          }
          %reduce_max3A_135 = arith.constant true
          %reduce_max3A_136 = vector.broadcast %reduce_max3A_135 : i1 to vector<16xi1>
          %reduce_max3A_137 = tpu.scan <max>, %while3A_134 masked %reduce_max3A_136 : vector<16xf32>, vector<16xi1> -> vector<16xf32>
          %reduce_max3A_138 = vector.extract %reduce_max3A_137[15] : f32 from vector<16xf32>
          %broadcast_in_dim3A_139 = vector.broadcast %squeeze3A : i32 to vector<16xi32>
          %broadcast_in_dim3A_140 = vector.broadcast %reduce_max3A_138 : f32 to vector<16xf32>
          %eq3A_141 = arith.constant 0 : i32
          %eq3A_142 = vector.broadcast %eq3A_141 : i32 to vector<16xi32>
          %eq3A_143 = arith.cmpi eq, %iota3A, %eq3A_142 : vector<16xi32>
          %gather3A_144 = tpu.vector_load_idx %arg9[%broadcast_in_dim3A_139] : memref<16400xf32, #tpu.memory_space<vmem>>[vector<16xi32>], vector<16xf32>,
          %max3A_145 = arith.maximumf %gather3A_144, %broadcast_in_dim3A_140 : vector<16xf32>
          tpu.vector_store_idx %arg9[%broadcast_in_dim3A_139], %max3A_145 masked %eq3A_143 : memref<16400xf32, #tpu.memory_space<vmem>>[vector<16xi32>], vector<16xf32>, vector<16xi1>
          %add3A_146 = arith.constant 1 : i32
          %add3A_147 = arith.addi %sub3A_122, %add3A_146 : i32
          %while3A_148 = arith.constant 0 : i32
          %while3A_149 = arith.subi %add3A_147, %squeeze3A_112 : i32
          %while3A_150 = arith.addi %squeeze3A_112, %while3A_149 : i32
          %while3A_151 = arith.constant 1 : i32
          %while3A_152 = arith.divsi %while3A_149, %while3A_151 : i32
          %while3A_153 = arith.muli %while3A_152, %while3A_151 : i32
          %while3A_154 = arith.addi %squeeze3A_112, %while3A_153 : i32
          %while3A_155 = arith.constant 1 : i32
          scf.for %while3A_172 = %squeeze3A_112 to %while3A_154 step %while3A_155  : i32 {
            %mul3A_173 = arith.constant 16 : i32
            %mul3A_174 = arith.muli %while3A_172, %mul3A_173 : i32
            %add3A_175 = arith.addi %mul3A_81, %mul3A_174 : i32
            %get3A = arith.index_cast %add3A_175 : i32 to index
            %get3A_176 = tpu.vector_load %arg8[%get3A] {strides = array<i32>} : memref<12800xi32, #tpu.memory_space<vmem>>, vector<16xi32>,
            %get3A_177 = arith.index_cast %add3A_175 : i32 to index
            %get3A_178 = tpu.vector_load %arg6[%get3A_177] {strides = array<i32>} : memref<12800xf32, #tpu.memory_space<vmem>>, vector<16xf32>,
            %broadcast_in_dim3A_179 = vector.broadcast %add3A_175 : i32 to vector<16xi32>
            %ge3A = arith.constant 1 : i32
            %ge3A_180 = vector.broadcast %ge3A : i32 to vector<16xi32>
            %ge3A_181 = arith.cmpi sge, %iota3A, %ge3A_180 : vector<16xi32>
            %swap3A = arith.constant 0 : index
            %swap3A_182 = tpu.vector_load %arg10[%swap3A] {strides = array<i32>} : memref<16xf32, #tpu.memory_space<vmem>>, vector<16xf32>,
            tpu.vector_store %arg10[%swap3A], %get3A_178 {strides = array<i32>} : memref<16xf32, #tpu.memory_space<vmem>>, vector<16xf32>,
            %sub3A_183 = arith.constant 1 : i32
            %sub3A_184 = vector.broadcast %sub3A_183 : i32 to vector<16xi32>
            %sub3A_185 = arith.subi %iota3A, %sub3A_184 : vector<16xi32>
            %gather3A_186 = tpu.vector_load_idx %arg10[%sub3A_185] masked %ge3A_181 : memref<16xf32, #tpu.memory_space<vmem>>[vector<16xi32>], vector<16xf32>, vector<16xi1>
            %sub3A_187 = arith.constant 1 : i32
            %sub3A_188 = vector.broadcast %sub3A_187 : i32 to vector<16xi32>
            %sub3A_189 = arith.subi %iota3A, %sub3A_188 : vector<16xi32>
            %add3A_190 = arith.addi %broadcast_in_dim3A_179, %sub3A_189 : vector<16xi32>
            %gather3A_191 = tpu.vector_load_idx %arg8[%add3A_190] masked %ge3A_181 : memref<12800xi32, #tpu.memory_space<vmem>>[vector<16xi32>], vector<16xi32>, vector<16xi1>
            %eq3A_192 = arith.cmpi eq, %get3A_176, %gather3A_191 : vector<16xi32>
            %and3A = arith.andi %ge3A_181, %eq3A_192 : vector<16xi1>
            %max3A_193 = arith.maximumf %get3A_178, %gather3A_186 : vector<16xf32>
            %select_n3A = arith.select %and3A, %max3A_193, %get3A_178 : vector<16xi1>, vector<16xf32>
            %ge3A_194 = arith.constant 2 : i32
            %ge3A_195 = vector.broadcast %ge3A_194 : i32 to vector<16xi32>
            %ge3A_196 = arith.cmpi sge, %iota3A, %ge3A_195 : vector<16xi32>
            %swap3A_197 = arith.constant 0 : index
            %swap3A_198 = tpu.vector_load %arg10[%swap3A_197] {strides = array<i32>} : memref<16xf32, #tpu.memory_space<vmem>>, vector<16xf32>,
            tpu.vector_store %arg10[%swap3A_197], %select_n3A {strides = array<i32>} : memref<16xf32, #tpu.memory_space<vmem>>, vector<16xf32>,
            %sub3A_199 = arith.constant 2 : i32
            %sub3A_200 = vector.broadcast %sub3A_199 : i32 to vector<16xi32>
            %sub3A_201 = arith.subi %iota3A, %sub3A_200 : vector<16xi32>
            %gather3A_202 = tpu.vector_load_idx %arg10[%sub3A_201] masked %ge3A_196 : memref<16xf32, #tpu.memory_space<vmem>>[vector<16xi32>], vector<16xf32>, vector<16xi1>
            %sub3A_203 = arith.constant 2 : i32
            %sub3A_204 = vector.broadcast %sub3A_203 : i32 to vector<16xi32>
            %sub3A_205 = arith.subi %iota3A, %sub3A_204 : vector<16xi32>
            %add3A_206 = arith.addi %broadcast_in_dim3A_179, %sub3A_205 : vector<16xi32>
            %gather3A_207 = tpu.vector_load_idx %arg8[%add3A_206] masked %ge3A_196 : memref<12800xi32, #tpu.memory_space<vmem>>[vector<16xi32>], vector<16xi32>, vector<16xi1>
            %eq3A_208 = arith.cmpi eq, %get3A_176, %gather3A_207 : vector<16xi32>
            %and3A_209 = arith.andi %ge3A_196, %eq3A_208 : vector<16xi1>
            %max3A_210 = arith.maximumf %select_n3A, %gather3A_202 : vector<16xf32>
            %select_n3A_211 = arith.select %and3A_209, %max3A_210, %select_n3A : vector<16xi1>, vector<16xf32>
            %ge3A_212 = arith.constant 4 : i32
            %ge3A_213 = vector.broadcast %ge3A_212 : i32 to vector<16xi32>
            %ge3A_214 = arith.cmpi sge, %iota3A, %ge3A_213 : vector<16xi32>
            %swap3A_215 = arith.constant 0 : index
            %swap3A_216 = tpu.vector_load %arg10[%swap3A_215] {strides = array<i32>} : memref<16xf32, #tpu.memory_space<vmem>>, vector<16xf32>,
            tpu.vector_store %arg10[%swap3A_215], %select_n3A_211 {strides = array<i32>} : memref<16xf32, #tpu.memory_space<vmem>>, vector<16xf32>,
            %sub3A_217 = arith.constant 4 : i32
            %sub3A_218 = vector.broadcast %sub3A_217 : i32 to vector<16xi32>
            %sub3A_219 = arith.subi %iota3A, %sub3A_218 : vector<16xi32>
            %gather3A_220 = tpu.vector_load_idx %arg10[%sub3A_219] masked %ge3A_214 : memref<16xf32, #tpu.memory_space<vmem>>[vector<16xi32>], vector<16xf32>, vector<16xi1>
            %sub3A_221 = arith.constant 4 : i32
            %sub3A_222 = vector.broadcast %sub3A_221 : i32 to vector<16xi32>
            %sub3A_223 = arith.subi %iota3A, %sub3A_222 : vector<16xi32>
            %add3A_224 = arith.addi %broadcast_in_dim3A_179, %sub3A_223 : vector<16xi32>
            %gather3A_225 = tpu.vector_load_idx %arg8[%add3A_224] masked %ge3A_214 : memref<12800xi32, #tpu.memory_space<vmem>>[vector<16xi32>], vector<16xi32>, vector<16xi1>
            %eq3A_226 = arith.cmpi eq, %get3A_176, %gather3A_225 : vector<16xi32>
            %and3A_227 = arith.andi %ge3A_214, %eq3A_226 : vector<16xi1>
            %max3A_228 = arith.maximumf %select_n3A_211, %gather3A_220 : vector<16xf32>
            %select_n3A_229 = arith.select %and3A_227, %max3A_228, %select_n3A_211 : vector<16xi1>, vector<16xf32>
            %ge3A_230 = arith.constant 8 : i32
            %ge3A_231 = vector.broadcast %ge3A_230 : i32 to vector<16xi32>
            %ge3A_232 = arith.cmpi sge, %iota3A, %ge3A_231 : vector<16xi32>
            %swap3A_233 = arith.constant 0 : index
            %swap3A_234 = tpu.vector_load %arg10[%swap3A_233] {strides = array<i32>} : memref<16xf32, #tpu.memory_space<vmem>>, vector<16xf32>,
            tpu.vector_store %arg10[%swap3A_233], %select_n3A_229 {strides = array<i32>} : memref<16xf32, #tpu.memory_space<vmem>>, vector<16xf32>,
            %sub3A_235 = arith.constant 8 : i32
            %sub3A_236 = vector.broadcast %sub3A_235 : i32 to vector<16xi32>
            %sub3A_237 = arith.subi %iota3A, %sub3A_236 : vector<16xi32>
            %gather3A_238 = tpu.vector_load_idx %arg10[%sub3A_237] masked %ge3A_232 : memref<16xf32, #tpu.memory_space<vmem>>[vector<16xi32>], vector<16xf32>, vector<16xi1>
            %sub3A_239 = arith.constant 8 : i32
            %sub3A_240 = vector.broadcast %sub3A_239 : i32 to vector<16xi32>
            %sub3A_241 = arith.subi %iota3A, %sub3A_240 : vector<16xi32>
            %add3A_242 = arith.addi %broadcast_in_dim3A_179, %sub3A_241 : vector<16xi32>
            %gather3A_243 = tpu.vector_load_idx %arg8[%add3A_242] masked %ge3A_232 : memref<12800xi32, #tpu.memory_space<vmem>>[vector<16xi32>], vector<16xi32>, vector<16xi1>
            %eq3A_244 = arith.cmpi eq, %get3A_176, %gather3A_243 : vector<16xi32>
            %and3A_245 = arith.andi %ge3A_232, %eq3A_244 : vector<16xi1>
            %max3A_246 = arith.maximumf %select_n3A_229, %gather3A_238 : vector<16xf32>
            %select_n3A_247 = arith.select %and3A_245, %max3A_246, %select_n3A_229 : vector<16xi1>, vector<16xf32>
            %lt3A_248 = arith.constant 15 : i32
            %lt3A_249 = vector.broadcast %lt3A_248 : i32 to vector<16xi32>
            %lt3A_250 = arith.cmpi slt, %iota3A, %lt3A_249 : vector<16xi32>
            %add3A_251 = arith.constant 1 : i32
            %add3A_252 = vector.broadcast %add3A_251 : i32 to vector<16xi32>
            %add3A_253 = arith.addi %iota3A, %add3A_252 : vector<16xi32>
            %add3A_254 = arith.addi %broadcast_in_dim3A_179, %add3A_253 : vector<16xi32>
            %gather3A_255 = tpu.vector_load_idx %arg8[%add3A_254] masked %lt3A_250 : memref<12800xi32, #tpu.memory_space<vmem>>[vector<16xi32>], vector<16xi32>, vector<16xi1>
            %eq3A_256 = arith.constant 15 : i32
            %eq3A_257 = vector.broadcast %eq3A_256 : i32 to vector<16xi32>
            %eq3A_258 = arith.cmpi eq, %iota3A, %eq3A_257 : vector<16xi32>
            %ne3A_259 = arith.cmpi ne, %get3A_176, %gather3A_255 : vector<16xi32>
            %and3A_260 = arith.andi %lt3A_250, %ne3A_259 : vector<16xi1>
            %or3A = arith.ori %eq3A_258, %and3A_260 : vector<16xi1>
            %gather3A_261 = tpu.vector_load_idx %arg9[%get3A_176] : memref<16400xf32, #tpu.memory_space<vmem>>[vector<16xi32>], vector<16xf32>,
            %max3A_262 = arith.maximumf %gather3A_261, %select_n3A_247 : vector<16xf32>
            tpu.vector_store_idx %arg9[%get3A_176], %max3A_262 masked %or3A : memref<16400xf32, #tpu.memory_space<vmem>>[vector<16xi32>], vector<16xf32>, vector<16xi1>
          }
          %while3A_156 = arith.constant 1 : i32
          scf.for %while3A_172 = %while3A_154 to %while3A_150 step %while3A_156  : i32 {
            %mul3A_173 = arith.constant 16 : i32
            %mul3A_174 = arith.muli %while3A_172, %mul3A_173 : i32
            %add3A_175 = arith.addi %mul3A_81, %mul3A_174 : i32
            %get3A = arith.index_cast %add3A_175 : i32 to index
            %get3A_176 = tpu.vector_load %arg8[%get3A] {strides = array<i32>} : memref<12800xi32, #tpu.memory_space<vmem>>, vector<16xi32>,
            %get3A_177 = arith.index_cast %add3A_175 : i32 to index
            %get3A_178 = tpu.vector_load %arg6[%get3A_177] {strides = array<i32>} : memref<12800xf32, #tpu.memory_space<vmem>>, vector<16xf32>,
            %broadcast_in_dim3A_179 = vector.broadcast %add3A_175 : i32 to vector<16xi32>
            %ge3A = arith.constant 1 : i32
            %ge3A_180 = vector.broadcast %ge3A : i32 to vector<16xi32>
            %ge3A_181 = arith.cmpi sge, %iota3A, %ge3A_180 : vector<16xi32>
            %swap3A = arith.constant 0 : index
            %swap3A_182 = tpu.vector_load %arg10[%swap3A] {strides = array<i32>} : memref<16xf32, #tpu.memory_space<vmem>>, vector<16xf32>,
            tpu.vector_store %arg10[%swap3A], %get3A_178 {strides = array<i32>} : memref<16xf32, #tpu.memory_space<vmem>>, vector<16xf32>,
            %sub3A_183 = arith.constant 1 : i32
            %sub3A_184 = vector.broadcast %sub3A_183 : i32 to vector<16xi32>
            %sub3A_185 = arith.subi %iota3A, %sub3A_184 : vector<16xi32>
            %gather3A_186 = tpu.vector_load_idx %arg10[%sub3A_185] masked %ge3A_181 : memref<16xf32, #tpu.memory_space<vmem>>[vector<16xi32>], vector<16xf32>, vector<16xi1>
            %sub3A_187 = arith.constant 1 : i32
            %sub3A_188 = vector.broadcast %sub3A_187 : i32 to vector<16xi32>
            %sub3A_189 = arith.subi %iota3A, %sub3A_188 : vector<16xi32>
            %add3A_190 = arith.addi %broadcast_in_dim3A_179, %sub3A_189 : vector<16xi32>
            %gather3A_191 = tpu.vector_load_idx %arg8[%add3A_190] masked %ge3A_181 : memref<12800xi32, #tpu.memory_space<vmem>>[vector<16xi32>], vector<16xi32>, vector<16xi1>
            %eq3A_192 = arith.cmpi eq, %get3A_176, %gather3A_191 : vector<16xi32>
            %and3A = arith.andi %ge3A_181, %eq3A_192 : vector<16xi1>
            %max3A_193 = arith.maximumf %get3A_178, %gather3A_186 : vector<16xf32>
            %select_n3A = arith.select %and3A, %max3A_193, %get3A_178 : vector<16xi1>, vector<16xf32>
            %ge3A_194 = arith.constant 2 : i32
            %ge3A_195 = vector.broadcast %ge3A_194 : i32 to vector<16xi32>
            %ge3A_196 = arith.cmpi sge, %iota3A, %ge3A_195 : vector<16xi32>
            %swap3A_197 = arith.constant 0 : index
            %swap3A_198 = tpu.vector_load %arg10[%swap3A_197] {strides = array<i32>} : memref<16xf32, #tpu.memory_space<vmem>>, vector<16xf32>,
            tpu.vector_store %arg10[%swap3A_197], %select_n3A {strides = array<i32>} : memref<16xf32, #tpu.memory_space<vmem>>, vector<16xf32>,
            %sub3A_199 = arith.constant 2 : i32
            %sub3A_200 = vector.broadcast %sub3A_199 : i32 to vector<16xi32>
            %sub3A_201 = arith.subi %iota3A, %sub3A_200 : vector<16xi32>
            %gather3A_202 = tpu.vector_load_idx %arg10[%sub3A_201] masked %ge3A_196 : memref<16xf32, #tpu.memory_space<vmem>>[vector<16xi32>], vector<16xf32>, vector<16xi1>
            %sub3A_203 = arith.constant 2 : i32
            %sub3A_204 = vector.broadcast %sub3A_203 : i32 to vector<16xi32>
            %sub3A_205 = arith.subi %iota3A, %sub3A_204 : vector<16xi32>
            %add3A_206 = arith.addi %broadcast_in_dim3A_179, %sub3A_205 : vector<16xi32>
            %gather3A_207 = tpu.vector_load_idx %arg8[%add3A_206] masked %ge3A_196 : memref<12800xi32, #tpu.memory_space<vmem>>[vector<16xi32>], vector<16xi32>, vector<16xi1>
            %eq3A_208 = arith.cmpi eq, %get3A_176, %gather3A_207 : vector<16xi32>
            %and3A_209 = arith.andi %ge3A_196, %eq3A_208 : vector<16xi1>
            %max3A_210 = arith.maximumf %select_n3A, %gather3A_202 : vector<16xf32>
            %select_n3A_211 = arith.select %and3A_209, %max3A_210, %select_n3A : vector<16xi1>, vector<16xf32>
            %ge3A_212 = arith.constant 4 : i32
            %ge3A_213 = vector.broadcast %ge3A_212 : i32 to vector<16xi32>
            %ge3A_214 = arith.cmpi sge, %iota3A, %ge3A_213 : vector<16xi32>
            %swap3A_215 = arith.constant 0 : index
            %swap3A_216 = tpu.vector_load %arg10[%swap3A_215] {strides = array<i32>} : memref<16xf32, #tpu.memory_space<vmem>>, vector<16xf32>,
            tpu.vector_store %arg10[%swap3A_215], %select_n3A_211 {strides = array<i32>} : memref<16xf32, #tpu.memory_space<vmem>>, vector<16xf32>,
            %sub3A_217 = arith.constant 4 : i32
            %sub3A_218 = vector.broadcast %sub3A_217 : i32 to vector<16xi32>
            %sub3A_219 = arith.subi %iota3A, %sub3A_218 : vector<16xi32>
            %gather3A_220 = tpu.vector_load_idx %arg10[%sub3A_219] masked %ge3A_214 : memref<16xf32, #tpu.memory_space<vmem>>[vector<16xi32>], vector<16xf32>, vector<16xi1>
            %sub3A_221 = arith.constant 4 : i32
            %sub3A_222 = vector.broadcast %sub3A_221 : i32 to vector<16xi32>
            %sub3A_223 = arith.subi %iota3A, %sub3A_222 : vector<16xi32>
            %add3A_224 = arith.addi %broadcast_in_dim3A_179, %sub3A_223 : vector<16xi32>
            %gather3A_225 = tpu.vector_load_idx %arg8[%add3A_224] masked %ge3A_214 : memref<12800xi32, #tpu.memory_space<vmem>>[vector<16xi32>], vector<16xi32>, vector<16xi1>
            %eq3A_226 = arith.cmpi eq, %get3A_176, %gather3A_225 : vector<16xi32>
            %and3A_227 = arith.andi %ge3A_214, %eq3A_226 : vector<16xi1>
            %max3A_228 = arith.maximumf %select_n3A_211, %gather3A_220 : vector<16xf32>
            %select_n3A_229 = arith.select %and3A_227, %max3A_228, %select_n3A_211 : vector<16xi1>, vector<16xf32>
            %ge3A_230 = arith.constant 8 : i32
            %ge3A_231 = vector.broadcast %ge3A_230 : i32 to vector<16xi32>
            %ge3A_232 = arith.cmpi sge, %iota3A, %ge3A_231 : vector<16xi32>
            %swap3A_233 = arith.constant 0 : index
            %swap3A_234 = tpu.vector_load %arg10[%swap3A_233] {strides = array<i32>} : memref<16xf32, #tpu.memory_space<vmem>>, vector<16xf32>,
            tpu.vector_store %arg10[%swap3A_233], %select_n3A_229 {strides = array<i32>} : memref<16xf32, #tpu.memory_space<vmem>>, vector<16xf32>,
            %sub3A_235 = arith.constant 8 : i32
            %sub3A_236 = vector.broadcast %sub3A_235 : i32 to vector<16xi32>
            %sub3A_237 = arith.subi %iota3A, %sub3A_236 : vector<16xi32>
            %gather3A_238 = tpu.vector_load_idx %arg10[%sub3A_237] masked %ge3A_232 : memref<16xf32, #tpu.memory_space<vmem>>[vector<16xi32>], vector<16xf32>, vector<16xi1>
            %sub3A_239 = arith.constant 8 : i32
            %sub3A_240 = vector.broadcast %sub3A_239 : i32 to vector<16xi32>
            %sub3A_241 = arith.subi %iota3A, %sub3A_240 : vector<16xi32>
            %add3A_242 = arith.addi %broadcast_in_dim3A_179, %sub3A_241 : vector<16xi32>
            %gather3A_243 = tpu.vector_load_idx %arg8[%add3A_242] masked %ge3A_232 : memref<12800xi32, #tpu.memory_space<vmem>>[vector<16xi32>], vector<16xi32>, vector<16xi1>
            %eq3A_244 = arith.cmpi eq, %get3A_176, %gather3A_243 : vector<16xi32>
            %and3A_245 = arith.andi %ge3A_232, %eq3A_244 : vector<16xi1>
            %max3A_246 = arith.maximumf %select_n3A_229, %gather3A_238 : vector<16xf32>
            %select_n3A_247 = arith.select %and3A_245, %max3A_246, %select_n3A_229 : vector<16xi1>, vector<16xf32>
            %lt3A_248 = arith.constant 15 : i32
            %lt3A_249 = vector.broadcast %lt3A_248 : i32 to vector<16xi32>
            %lt3A_250 = arith.cmpi slt, %iota3A, %lt3A_249 : vector<16xi32>
            %add3A_251 = arith.constant 1 : i32
            %add3A_252 = vector.broadcast %add3A_251 : i32 to vector<16xi32>
            %add3A_253 = arith.addi %iota3A, %add3A_252 : vector<16xi32>
            %add3A_254 = arith.addi %broadcast_in_dim3A_179, %add3A_253 : vector<16xi32>
            %gather3A_255 = tpu.vector_load_idx %arg8[%add3A_254] masked %lt3A_250 : memref<12800xi32, #tpu.memory_space<vmem>>[vector<16xi32>], vector<16xi32>, vector<16xi1>
            %eq3A_256 = arith.constant 15 : i32
            %eq3A_257 = vector.broadcast %eq3A_256 : i32 to vector<16xi32>
            %eq3A_258 = arith.cmpi eq, %iota3A, %eq3A_257 : vector<16xi32>
            %ne3A_259 = arith.cmpi ne, %get3A_176, %gather3A_255 : vector<16xi32>
            %and3A_260 = arith.andi %lt3A_250, %ne3A_259 : vector<16xi1>
            %or3A = arith.ori %eq3A_258, %and3A_260 : vector<16xi1>
            %gather3A_261 = tpu.vector_load_idx %arg9[%get3A_176] : memref<16400xf32, #tpu.memory_space<vmem>>[vector<16xi32>], vector<16xf32>,
            %max3A_262 = arith.maximumf %gather3A_261, %select_n3A_247 : vector<16xf32>
            tpu.vector_store_idx %arg9[%get3A_176], %max3A_262 masked %or3A : memref<16400xf32, #tpu.memory_space<vmem>>[vector<16xi32>], vector<16xf32>, vector<16xi1>
          }
          %add3A_157 = arith.constant 1 : i32
          %add3A_158 = arith.addi %sub3A_122, %add3A_157 : i32
          %broadcast_in_dim3A_159 = arith.constant 0xFF800000 : f32
          %broadcast_in_dim3A_160 = vector.broadcast %broadcast_in_dim3A_159 : f32 to vector<16xf32>
          %while3A_161 = arith.constant 16 : i32
          %while3A_162 = arith.subi %while3A_161, %add3A_158 : i32
          %while3A_163 = arith.addi %add3A_158, %while3A_162 : i32
          %while3A_164 = arith.constant 1 : i32
          %while3A_165 = arith.divsi %while3A_162, %while3A_164 : i32
          %while3A_166 = arith.muli %while3A_165, %while3A_164 : i32
          %while3A_167 = arith.addi %add3A_158, %while3A_166 : i32
          %while3A_168 = arith.constant 1 : i32
          %while3A_169 = scf.for %while3A_172 = %add3A_158 to %while3A_167 step %while3A_168 iter_args(%while3A_173 = %broadcast_in_dim3A_160) -> (vector<16xf32>)  : i32 {
            %mul3A_174 = arith.constant 16 : i32
            %mul3A_175 = arith.muli %while3A_172, %mul3A_174 : i32
            %add3A_176 = arith.addi %mul3A_81, %mul3A_175 : i32
            %get3A = arith.index_cast %add3A_176 : i32 to index
            %get3A_177 = tpu.vector_load %arg6[%get3A] {strides = array<i32>} : memref<12800xf32, #tpu.memory_space<vmem>>, vector<16xf32>,
            %max3A_178 = arith.maximumf %while3A_173, %get3A_177 : vector<16xf32>
            scf.yield %max3A_178 : vector<16xf32>
          }
          %while3A_170 = arith.constant 1 : i32
          %while3A_171 = scf.for %while3A_172 = %while3A_167 to %while3A_163 step %while3A_170 iter_args(%while3A_173 = %while3A_169) -> (vector<16xf32>)  : i32 {
            %mul3A_174 = arith.constant 16 : i32
            %mul3A_175 = arith.muli %while3A_172, %mul3A_174 : i32
            %add3A_176 = arith.addi %mul3A_81, %mul3A_175 : i32
            %get3A = arith.index_cast %add3A_176 : i32 to index
            %get3A_177 = tpu.vector_load %arg6[%get3A] {strides = array<i32>} : memref<12800xf32, #tpu.memory_space<vmem>>, vector<16xf32>,
            %max3A_178 = arith.maximumf %while3A_173, %get3A_177 : vector<16xf32>
            scf.yield %max3A_178 : vector<16xf32>
          }
          scf.yield %squeeze3A_93, %while3A_171 : i32, vector<16xf32>
        }
        scf.yield %cond3A_98#0, %cond3A_98#1 : i32, vector<16xf32>
      }
      %scan3A_76 = arith.constant 50 : i32
      scf.yield %scan3A_75#0, %scan3A_75#1 : i32, vector<16xf32>
    }
    %scan3A_20 = arith.constant 20 : i32
    %reduce_max3A = arith.constant true
    %reduce_max3A_21 = vector.broadcast %reduce_max3A : i1 to vector<16xi1>
    %reduce_max3A_22 = tpu.scan <max>, %scan3A_19#1 masked %reduce_max3A_21 : vector<16xf32>, vector<16xi1> -> vector<16xf32>
    %reduce_max3A_23 = vector.extract %reduce_max3A_22[15] : f32 from vector<16xf32>
    %broadcast_in_dim3A_24 = vector.broadcast %scan3A_19#0 : i32 to vector<16xi32>
    %broadcast_in_dim3A_25 = vector.broadcast %reduce_max3A_23 : f32 to vector<16xf32>
    %eq3A = arith.constant 0 : i32
    %eq3A_26 = vector.broadcast %eq3A : i32 to vector<16xi32>
    %eq3A_27 = arith.cmpi eq, %iota3A, %eq3A_26 : vector<16xi32>
    %gather3A = tpu.vector_load_idx %arg9[%broadcast_in_dim3A_24] : memref<16400xf32, #tpu.memory_space<vmem>>[vector<16xi32>], vector<16xf32>,
    %max3A = arith.maximumf %gather3A, %broadcast_in_dim3A_25 : vector<16xf32>
    tpu.vector_store_idx %arg9[%broadcast_in_dim3A_24], %max3A masked %eq3A_27 : memref<16400xf32, #tpu.memory_space<vmem>>[vector<16xi32>], vector<16xf32>, vector<16xi1>
    %mul3A_28 = arith.constant 16384 : i32
    %mul3A_29 = arith.muli %add3A, %mul3A_28 : i32
    "tpu.region"() ({
      %run_scoped3A = tpu.sem_alloc : memref<!tpu.dma_semaphore, #tpu.memory_space<semaphore_mem>>
      %dma_start3A_30 = arith.constant 0 : i32
      %dma_start3A_31 = tpu.memref_slice %arg9[%dma_start3A_30] : memref<16400xf32, #tpu.memory_space<vmem>> -> memref<16384xf32, #tpu.memory_space<vmem>>
      %dma_start3A_32 = tpu.memref_slice %arg4[%mul3A_29] : memref<524288xf32, #tpu.memory_space<hbm>> -> memref<16384xf32, #tpu.memory_space<hbm>>
      %dma_start3A_33 = tpu.memref_slice %arg4[%mul3A_29] : memref<524288xf32, #tpu.memory_space<hbm>> -> memref<16384xf32, #tpu.memory_space<hbm>>
      %dma_start3A_34 = arith.constant 0 : i32
      %dma_start3A_35 = tpu.memref_slice %arg9[%dma_start3A_34] : memref<16400xf32, #tpu.memory_space<vmem>> -> memref<16384xf32, #tpu.memory_space<vmem>>
      tpu.enqueue_dma source(%dma_start3A_35 : memref<16384xf32, #tpu.memory_space<vmem>>) target(%dma_start3A_33 : memref<16384xf32, #tpu.memory_space<hbm>>) target_semaphore(%run_scoped3A : memref<!tpu.dma_semaphore, #tpu.memory_space<semaphore_mem>>)
      %dma_wait3A = arith.constant 0 : i32
      %dma_wait3A_36 = tpu.memref_slice %arg9[%dma_wait3A] : memref<16400xf32, #tpu.memory_space<vmem>> -> memref<16384xf32, #tpu.memory_space<vmem>>
      %dma_wait3A_37 = tpu.memref_slice %arg4[%mul3A_29] : memref<524288xf32, #tpu.memory_space<hbm>> -> memref<16384xf32, #tpu.memory_space<hbm>>
      %dma_wait3A_38 = tpu.memref_slice %arg4[%mul3A_29] : memref<524288xf32, #tpu.memory_space<hbm>> -> memref<16384xf32, #tpu.memory_space<hbm>>
      %dma_wait3A_39 = arith.constant 0 : i32
      %dma_wait3A_40 = tpu.memref_slice %arg9[%dma_wait3A_39] : memref<16400xf32, #tpu.memory_space<vmem>> -> memref<16384xf32, #tpu.memory_space<vmem>>
      tpu.wait_dma2 semaphore(%run_scoped3A : memref<!tpu.dma_semaphore, #tpu.memory_space<semaphore_mem>>) src(%dma_wait3A_40 : memref<16384xf32, #tpu.memory_space<vmem>>) dst(%dma_wait3A_38 : memref<16384xf32, #tpu.memory_space<hbm>>)
      tpu.yield
    }) : () -> ()
    return
  }
}

#map = affine_map<(d0, d1) -> (0)>
module attributes {stable_mosaic.version = 14 : i64} {
  func.func @_compare_body(%arg0: i32, %arg1: i32, %arg2: memref<16384000xf32, #tpu.memory_space<hbm>>, %arg3: memref<16384000xi32, #tpu.memory_space<hbm>>, %arg4: memref<16384xf32, #tpu.memory_space<hbm>>, %arg5: memref<16384000xf32, #tpu.memory_space<hbm>>, %arg6: memref<12800xf32, #tpu.memory_space<vmem>>, %arg7: memref<12800xf32, #tpu.memory_space<vmem>>, %arg8: memref<12800xi32, #tpu.memory_space<vmem>>, %arg9: memref<12800xi32, #tpu.memory_space<vmem>>, %arg10: memref<12800xf32, #tpu.memory_space<vmem>>, %arg11: memref<12800xf32, #tpu.memory_space<vmem>>, %arg12: memref<16384xf32, #tpu.memory_space<vmem>>, %arg13: memref<!tpu.dma_semaphore, #tpu.memory_space<semaphore_mem>>, %arg14: memref<!tpu.dma_semaphore, #tpu.memory_space<semaphore_mem>>, %arg15: memref<!tpu.dma_semaphore, #tpu.memory_space<semaphore_mem>>, %arg16: memref<!tpu.dma_semaphore, #tpu.memory_space<semaphore_mem>>, %arg17: memref<!tpu.dma_semaphore, #tpu.memory_space<semaphore_mem>>, %arg18: memref<!tpu.dma_semaphore, #tpu.memory_space<semaphore_mem>>) attributes {dimension_semantics = [#tpu.dimension_semantics<core_parallel>, #tpu.dimension_semantics<subcore_parallel>], iteration_bounds = array<i64: 2, 16>, scalar_prefetch = 0 : i64, scratch_operands = 13 : i64, tpu.core_type = #tpu.core_type<sc_vector_subcore>, window_params = [{transform_indices = #map}, {transform_indices = #map}, {transform_indices = #map}, {transform_indices = #map}]} {
    %mul3A = arith.constant 16 : i32
    %mul3A_0 = arith.muli %arg0, %mul3A : i32
    %add3A = arith.addi %mul3A_0, %arg1 : i32
    %mul3A_1 = arith.constant 512000 : i32
    %mul3A_2 = arith.muli %add3A, %mul3A_1 : i32
    "tpu.region"() ({
      %run_scoped3A = tpu.sem_alloc : memref<!tpu.dma_semaphore, #tpu.memory_space<semaphore_mem>>
      tpu.enqueue_dma source(%arg4 : memref<16384xf32, #tpu.memory_space<hbm>>) target(%arg12 : memref<16384xf32, #tpu.memory_space<vmem>>) target_semaphore(%run_scoped3A : memref<!tpu.dma_semaphore, #tpu.memory_space<semaphore_mem>>)
      tpu.wait_dma2 semaphore(%run_scoped3A : memref<!tpu.dma_semaphore, #tpu.memory_space<semaphore_mem>>) src(%arg4 : memref<16384xf32, #tpu.memory_space<hbm>>) dst(%arg12 : memref<16384xf32, #tpu.memory_space<vmem>>)
      tpu.yield
    }) : () -> ()
    %broadcast_in_dim3A = arith.constant 1.000000e+00 : f32
    %broadcast_in_dim3A_3 = vector.broadcast %broadcast_in_dim3A : f32 to vector<16xf32>
    %broadcast_in_dim3A_4 = arith.constant 0.000000e+00 : f32
    %broadcast_in_dim3A_5 = vector.broadcast %broadcast_in_dim3A_4 : f32 to vector<16xf32>
    %add3A_6 = arith.constant 0 : i32
    %add3A_7 = arith.addi %mul3A_2, %add3A_6 : i32
    %dma_start3A = tpu.memref_slice %arg2[%add3A_7] : memref<16384000xf32, #tpu.memory_space<hbm>> -> memref<12800xf32, #tpu.memory_space<hbm>>
    %dma_start3A_8 = tpu.memref_slice %arg2[%add3A_7] : memref<16384000xf32, #tpu.memory_space<hbm>> -> memref<12800xf32, #tpu.memory_space<hbm>>
    tpu.enqueue_dma source(%dma_start3A_8 : memref<12800xf32, #tpu.memory_space<hbm>>) target(%arg6 : memref<12800xf32, #tpu.memory_space<vmem>>) target_semaphore(%arg13 : memref<!tpu.dma_semaphore, #tpu.memory_space<semaphore_mem>>)
    %dma_start3A_9 = tpu.memref_slice %arg3[%add3A_7] : memref<16384000xi32, #tpu.memory_space<hbm>> -> memref<12800xi32, #tpu.memory_space<hbm>>
    %dma_start3A_10 = tpu.memref_slice %arg3[%add3A_7] : memref<16384000xi32, #tpu.memory_space<hbm>> -> memref<12800xi32, #tpu.memory_space<hbm>>
    tpu.enqueue_dma source(%dma_start3A_10 : memref<12800xi32, #tpu.memory_space<hbm>>) target(%arg8 : memref<12800xi32, #tpu.memory_space<vmem>>) target_semaphore(%arg15 : memref<!tpu.dma_semaphore, #tpu.memory_space<semaphore_mem>>)
    %scan3A = arith.constant 0 : i32
    %scan3A_11 = arith.constant 0 : i32
    %scan3A_12 = arith.constant 20 : i32
    %scan3A_13 = arith.addi %scan3A_11, %scan3A_12 : i32
    %scan3A_14 = arith.constant 1 : i32
    scf.for %scan3A_23 = %scan3A_11 to %scan3A_13 step %scan3A_14  : i32 {
      %mul3A_24 = arith.constant 2 : i32
      %mul3A_25 = arith.muli %scan3A_23, %mul3A_24 : i32
      %add3A_26 = arith.constant 0 : i32
      %add3A_27 = arith.addi %mul3A_25, %add3A_26 : i32
      %add3A_28 = arith.constant 1 : i32
      %add3A_29 = arith.addi %add3A_27, %add3A_28 : i32
      %lt3A = arith.constant 40 : i32
      %lt3A_30 = arith.cmpi slt, %add3A_29, %lt3A : i32
      %convert_element_type3A = arith.extui %lt3A_30 : i1 to i32
      %cond3A = arith.constant 0 : i32
      %cond3A_31 = arith.cmpi ne, %convert_element_type3A, %cond3A : i32
      scf.if %cond3A_31 {
        %add3A_89 = arith.constant 1 : i32
        %add3A_90 = arith.addi %add3A_27, %add3A_89 : i32
        %mul3A_91 = arith.constant 12800 : i32
        %mul3A_92 = arith.muli %add3A_90, %mul3A_91 : i32
        %add3A_93 = arith.addi %mul3A_2, %mul3A_92 : i32
        %dma_start3A_94 = tpu.memref_slice %arg2[%add3A_93] : memref<16384000xf32, #tpu.memory_space<hbm>> -> memref<12800xf32, #tpu.memory_space<hbm>>
        %dma_start3A_95 = tpu.memref_slice %arg2[%add3A_93] : memref<16384000xf32, #tpu.memory_space<hbm>> -> memref<12800xf32, #tpu.memory_space<hbm>>
        tpu.enqueue_dma source(%dma_start3A_95 : memref<12800xf32, #tpu.memory_space<hbm>>) target(%arg7 : memref<12800xf32, #tpu.memory_space<vmem>>) target_semaphore(%arg14 : memref<!tpu.dma_semaphore, #tpu.memory_space<semaphore_mem>>)
        %dma_start3A_96 = tpu.memref_slice %arg3[%add3A_93] : memref<16384000xi32, #tpu.memory_space<hbm>> -> memref<12800xi32, #tpu.memory_space<hbm>>
        %dma_start3A_97 = tpu.memref_slice %arg3[%add3A_93] : memref<16384000xi32, #tpu.memory_space<hbm>> -> memref<12800xi32, #tpu.memory_space<hbm>>
        tpu.enqueue_dma source(%dma_start3A_97 : memref<12800xi32, #tpu.memory_space<hbm>>) target(%arg9 : memref<12800xi32, #tpu.memory_space<vmem>>) target_semaphore(%arg16 : memref<!tpu.dma_semaphore, #tpu.memory_space<semaphore_mem>>)
      } else {
      }
      %mul3A_32 = arith.constant 12800 : i32
      %mul3A_33 = arith.muli %add3A_27, %mul3A_32 : i32
      %add3A_34 = arith.addi %mul3A_2, %mul3A_33 : i32
      %dma_wait3A_35 = tpu.memref_slice %arg2[%add3A_34] : memref<16384000xf32, #tpu.memory_space<hbm>> -> memref<12800xf32, #tpu.memory_space<hbm>>
      %dma_wait3A_36 = tpu.memref_slice %arg2[%add3A_34] : memref<16384000xf32, #tpu.memory_space<hbm>> -> memref<12800xf32, #tpu.memory_space<hbm>>
      tpu.wait_dma2 semaphore(%arg13 : memref<!tpu.dma_semaphore, #tpu.memory_space<semaphore_mem>>) src(%dma_wait3A_36 : memref<12800xf32, #tpu.memory_space<hbm>>) dst(%arg6 : memref<12800xf32, #tpu.memory_space<vmem>>)
      %dma_wait3A_37 = tpu.memref_slice %arg3[%add3A_34] : memref<16384000xi32, #tpu.memory_space<hbm>> -> memref<12800xi32, #tpu.memory_space<hbm>>
      %dma_wait3A_38 = tpu.memref_slice %arg3[%add3A_34] : memref<16384000xi32, #tpu.memory_space<hbm>> -> memref<12800xi32, #tpu.memory_space<hbm>>
      tpu.wait_dma2 semaphore(%arg15 : memref<!tpu.dma_semaphore, #tpu.memory_space<semaphore_mem>>) src(%dma_wait3A_38 : memref<12800xi32, #tpu.memory_space<hbm>>) dst(%arg8 : memref<12800xi32, #tpu.memory_space<vmem>>)
      %ge3A = arith.constant 2 : i32
      %ge3A_39 = arith.cmpi sge, %add3A_27, %ge3A : i32
      %convert_element_type3A_40 = arith.extui %ge3A_39 : i1 to i32
      %cond3A_41 = arith.constant 0 : i32
      %cond3A_42 = arith.cmpi ne, %convert_element_type3A_40, %cond3A_41 : i32
      scf.if %cond3A_42 {
        %sub3A = arith.constant 2 : i32
        %sub3A_89 = arith.subi %add3A_27, %sub3A : i32
        %mul3A_90 = arith.constant 12800 : i32
        %mul3A_91 = arith.muli %sub3A_89, %mul3A_90 : i32
        %add3A_92 = arith.addi %mul3A_2, %mul3A_91 : i32
        %dma_wait3A_93 = tpu.memref_slice %arg5[%add3A_92] : memref<16384000xf32, #tpu.memory_space<hbm>> -> memref<12800xf32, #tpu.memory_space<hbm>>
        %dma_wait3A_94 = tpu.memref_slice %arg5[%add3A_92] : memref<16384000xf32, #tpu.memory_space<hbm>> -> memref<12800xf32, #tpu.memory_space<hbm>>
        tpu.wait_dma2 semaphore(%arg17 : memref<!tpu.dma_semaphore, #tpu.memory_space<semaphore_mem>>) src(%arg10 : memref<12800xf32, #tpu.memory_space<vmem>>) dst(%dma_wait3A_94 : memref<12800xf32, #tpu.memory_space<hbm>>)
      } else {
      }
      %iota3A = tpu.iota {dimensions = array<i32: 0>} : vector<16xi32>
      %scan3A_43 = arith.constant 0 : i32
      %scan3A_44 = arith.constant 0 : i32
      %scan3A_45 = arith.constant 50 : i32
      %scan3A_46 = arith.addi %scan3A_44, %scan3A_45 : i32
      %scan3A_47 = arith.constant 1 : i32
      scf.for %scan3A_89 = %scan3A_44 to %scan3A_46 step %scan3A_47  : i32 {
        %mul3A_90 = arith.constant 256 : i32
        %mul3A_91 = arith.muli %scan3A_89, %mul3A_90 : i32
        %broadcast_in_dim3A_92 = vector.broadcast %mul3A_91 : i32 to vector<16xi32>
        %mul3A_93 = arith.constant 16 : i32
        %mul3A_94 = vector.broadcast %mul3A_93 : i32 to vector<16xi32>
        %mul3A_95 = arith.muli %iota3A, %mul3A_94 : vector<16xi32>
        %add3A_96 = arith.addi %broadcast_in_dim3A_92, %mul3A_95 : vector<16xi32>
        %gather3A = tpu.vector_load_idx %arg8[%add3A_96] : memref<12800xi32, #tpu.memory_space<vmem>>[vector<16xi32>], vector<16xi32>,
        %add3A_97 = arith.constant 15 : i32
        %add3A_98 = vector.broadcast %add3A_97 : i32 to vector<16xi32>
        %add3A_99 = arith.addi %add3A_96, %add3A_98 : vector<16xi32>
        %gather3A_100 = tpu.vector_load_idx %arg8[%add3A_99] : memref<12800xi32, #tpu.memory_space<vmem>>[vector<16xi32>], vector<16xi32>,
        %slice3A = vector.extract_strided_slice %gather3A {offsets = [0], sizes = [1], strides = [1]} : vector<16xi32> to vector<1xi32>
        %squeeze3A = vector.extract %slice3A[0] : i32 from vector<1xi32>
        %slice3A_101 = vector.extract_strided_slice %gather3A_100 {offsets = [15], sizes = [1], strides = [1]} : vector<16xi32> to vector<1xi32>
        %squeeze3A_102 = vector.extract %slice3A_101[0] : i32 from vector<1xi32>
        %eq3A = arith.cmpi eq, %squeeze3A, %squeeze3A_102 : i32
        %convert_element_type3A_103 = arith.extui %eq3A : i1 to i32
        %cond3A_104 = arith.constant 0 : i32
        %cond3A_105 = arith.cmpi ne, %convert_element_type3A_103, %cond3A_104 : i32
        scf.if %cond3A_105 {
          %gather3A_106 = tpu.vector_load_idx %arg12[%gather3A] : memref<16384xf32, #tpu.memory_space<vmem>>[vector<16xi32>], vector<16xf32>,
          %add3A_107 = arith.constant 0 : i32
          %add3A_108 = arith.addi %mul3A_91, %add3A_107 : i32
          %get3A = arith.index_cast %add3A_108 : i32 to index
          %get3A_109 = tpu.vector_load %arg6[%get3A] {strides = array<i32>} : memref<12800xf32, #tpu.memory_space<vmem>>, vector<16xf32>,
          %eq3A_110 = arith.cmpf oeq, %get3A_109, %gather3A_106 : vector<16xf32>
          %select_n3A = arith.select %eq3A_110, %broadcast_in_dim3A_3, %broadcast_in_dim3A_5 : vector<16xi1>, vector<16xf32>
          %swap3A = arith.index_cast %add3A_108 : i32 to index
          %swap3A_111 = tpu.vector_load %arg10[%swap3A] {strides = array<i32>} : memref<12800xf32, #tpu.memory_space<vmem>>, vector<16xf32>,
          tpu.vector_store %arg10[%swap3A], %select_n3A {strides = array<i32>} : memref<12800xf32, #tpu.memory_space<vmem>>, vector<16xf32>,
          %add3A_112 = arith.constant 16 : i32
          %add3A_113 = arith.addi %mul3A_91, %add3A_112 : i32
          %get3A_114 = arith.index_cast %add3A_113 : i32 to index
          %get3A_115 = tpu.vector_load %arg6[%get3A_114] {strides = array<i32>} : memref<12800xf32, #tpu.memory_space<vmem>>, vector<16xf32>,
          %eq3A_116 = arith.cmpf oeq, %get3A_115, %gather3A_106 : vector<16xf32>
          %select_n3A_117 = arith.select %eq3A_116, %broadcast_in_dim3A_3, %broadcast_in_dim3A_5 : vector<16xi1>, vector<16xf32>
          %swap3A_118 = arith.index_cast %add3A_113 : i32 to index
          %swap3A_119 = tpu.vector_load %arg10[%swap3A_118] {strides = array<i32>} : memref<12800xf32, #tpu.memory_space<vmem>>, vector<16xf32>,
          tpu.vector_store %arg10[%swap3A_118], %select_n3A_117 {strides = array<i32>} : memref<12800xf32, #tpu.memory_space<vmem>>, vector<16xf32>,
          %add3A_120 = arith.constant 32 : i32
          %add3A_121 = arith.addi %mul3A_91, %add3A_120 : i32
          %get3A_122 = arith.index_cast %add3A_121 : i32 to index
          %get3A_123 = tpu.vector_load %arg6[%get3A_122] {strides = array<i32>} : memref<12800xf32, #tpu.memory_space<vmem>>, vector<16xf32>,
          %eq3A_124 = arith.cmpf oeq, %get3A_123, %gather3A_106 : vector<16xf32>
          %select_n3A_125 = arith.select %eq3A_124, %broadcast_in_dim3A_3, %broadcast_in_dim3A_5 : vector<16xi1>, vector<16xf32>
          %swap3A_126 = arith.index_cast %add3A_121 : i32 to index
          %swap3A_127 = tpu.vector_load %arg10[%swap3A_126] {strides = array<i32>} : memref<12800xf32, #tpu.memory_space<vmem>>, vector<16xf32>,
          tpu.vector_store %arg10[%swap3A_126], %select_n3A_125 {strides = array<i32>} : memref<12800xf32, #tpu.memory_space<vmem>>, vector<16xf32>,
          %add3A_128 = arith.constant 48 : i32
          %add3A_129 = arith.addi %mul3A_91, %add3A_128 : i32
          %get3A_130 = arith.index_cast %add3A_129 : i32 to index
          %get3A_131 = tpu.vector_load %arg6[%get3A_130] {strides = array<i32>} : memref<12800xf32, #tpu.memory_space<vmem>>, vector<16xf32>,
          %eq3A_132 = arith.cmpf oeq, %get3A_131, %gather3A_106 : vector<16xf32>
          %select_n3A_133 = arith.select %eq3A_132, %broadcast_in_dim3A_3, %broadcast_in_dim3A_5 : vector<16xi1>, vector<16xf32>
          %swap3A_134 = arith.index_cast %add3A_129 : i32 to index
          %swap3A_135 = tpu.vector_load %arg10[%swap3A_134] {strides = array<i32>} : memref<12800xf32, #tpu.memory_space<vmem>>, vector<16xf32>,
          tpu.vector_store %arg10[%swap3A_134], %select_n3A_133 {strides = array<i32>} : memref<12800xf32, #tpu.memory_space<vmem>>, vector<16xf32>,
          %add3A_136 = arith.constant 64 : i32
          %add3A_137 = arith.addi %mul3A_91, %add3A_136 : i32
          %get3A_138 = arith.index_cast %add3A_137 : i32 to index
          %get3A_139 = tpu.vector_load %arg6[%get3A_138] {strides = array<i32>} : memref<12800xf32, #tpu.memory_space<vmem>>, vector<16xf32>,
          %eq3A_140 = arith.cmpf oeq, %get3A_139, %gather3A_106 : vector<16xf32>
          %select_n3A_141 = arith.select %eq3A_140, %broadcast_in_dim3A_3, %broadcast_in_dim3A_5 : vector<16xi1>, vector<16xf32>
          %swap3A_142 = arith.index_cast %add3A_137 : i32 to index
          %swap3A_143 = tpu.vector_load %arg10[%swap3A_142] {strides = array<i32>} : memref<12800xf32, #tpu.memory_space<vmem>>, vector<16xf32>,
          tpu.vector_store %arg10[%swap3A_142], %select_n3A_141 {strides = array<i32>} : memref<12800xf32, #tpu.memory_space<vmem>>, vector<16xf32>,
          %add3A_144 = arith.constant 80 : i32
          %add3A_145 = arith.addi %mul3A_91, %add3A_144 : i32
          %get3A_146 = arith.index_cast %add3A_145 : i32 to index
          %get3A_147 = tpu.vector_load %arg6[%get3A_146] {strides = array<i32>} : memref<12800xf32, #tpu.memory_space<vmem>>, vector<16xf32>,
          %eq3A_148 = arith.cmpf oeq, %get3A_147, %gather3A_106 : vector<16xf32>
          %select_n3A_149 = arith.select %eq3A_148, %broadcast_in_dim3A_3, %broadcast_in_dim3A_5 : vector<16xi1>, vector<16xf32>
          %swap3A_150 = arith.index_cast %add3A_145 : i32 to index
          %swap3A_151 = tpu.vector_load %arg10[%swap3A_150] {strides = array<i32>} : memref<12800xf32, #tpu.memory_space<vmem>>, vector<16xf32>,
          tpu.vector_store %arg10[%swap3A_150], %select_n3A_149 {strides = array<i32>} : memref<12800xf32, #tpu.memory_space<vmem>>, vector<16xf32>,
          %add3A_152 = arith.constant 96 : i32
          %add3A_153 = arith.addi %mul3A_91, %add3A_152 : i32
          %get3A_154 = arith.index_cast %add3A_153 : i32 to index
          %get3A_155 = tpu.vector_load %arg6[%get3A_154] {strides = array<i32>} : memref<12800xf32, #tpu.memory_space<vmem>>, vector<16xf32>,
          %eq3A_156 = arith.cmpf oeq, %get3A_155, %gather3A_106 : vector<16xf32>
          %select_n3A_157 = arith.select %eq3A_156, %broadcast_in_dim3A_3, %broadcast_in_dim3A_5 : vector<16xi1>, vector<16xf32>
          %swap3A_158 = arith.index_cast %add3A_153 : i32 to index
          %swap3A_159 = tpu.vector_load %arg10[%swap3A_158] {strides = array<i32>} : memref<12800xf32, #tpu.memory_space<vmem>>, vector<16xf32>,
          tpu.vector_store %arg10[%swap3A_158], %select_n3A_157 {strides = array<i32>} : memref<12800xf32, #tpu.memory_space<vmem>>, vector<16xf32>,
          %add3A_160 = arith.constant 112 : i32
          %add3A_161 = arith.addi %mul3A_91, %add3A_160 : i32
          %get3A_162 = arith.index_cast %add3A_161 : i32 to index
          %get3A_163 = tpu.vector_load %arg6[%get3A_162] {strides = array<i32>} : memref<12800xf32, #tpu.memory_space<vmem>>, vector<16xf32>,
          %eq3A_164 = arith.cmpf oeq, %get3A_163, %gather3A_106 : vector<16xf32>
          %select_n3A_165 = arith.select %eq3A_164, %broadcast_in_dim3A_3, %broadcast_in_dim3A_5 : vector<16xi1>, vector<16xf32>
          %swap3A_166 = arith.index_cast %add3A_161 : i32 to index
          %swap3A_167 = tpu.vector_load %arg10[%swap3A_166] {strides = array<i32>} : memref<12800xf32, #tpu.memory_space<vmem>>, vector<16xf32>,
          tpu.vector_store %arg10[%swap3A_166], %select_n3A_165 {strides = array<i32>} : memref<12800xf32, #tpu.memory_space<vmem>>, vector<16xf32>,
          %add3A_168 = arith.constant 128 : i32
          %add3A_169 = arith.addi %mul3A_91, %add3A_168 : i32
          %get3A_170 = arith.index_cast %add3A_169 : i32 to index
          %get3A_171 = tpu.vector_load %arg6[%get3A_170] {strides = array<i32>} : memref<12800xf32, #tpu.memory_space<vmem>>, vector<16xf32>,
          %eq3A_172 = arith.cmpf oeq, %get3A_171, %gather3A_106 : vector<16xf32>
          %select_n3A_173 = arith.select %eq3A_172, %broadcast_in_dim3A_3, %broadcast_in_dim3A_5 : vector<16xi1>, vector<16xf32>
          %swap3A_174 = arith.index_cast %add3A_169 : i32 to index
          %swap3A_175 = tpu.vector_load %arg10[%swap3A_174] {strides = array<i32>} : memref<12800xf32, #tpu.memory_space<vmem>>, vector<16xf32>,
          tpu.vector_store %arg10[%swap3A_174], %select_n3A_173 {strides = array<i32>} : memref<12800xf32, #tpu.memory_space<vmem>>, vector<16xf32>,
          %add3A_176 = arith.constant 144 : i32
          %add3A_177 = arith.addi %mul3A_91, %add3A_176 : i32
          %get3A_178 = arith.index_cast %add3A_177 : i32 to index
          %get3A_179 = tpu.vector_load %arg6[%get3A_178] {strides = array<i32>} : memref<12800xf32, #tpu.memory_space<vmem>>, vector<16xf32>,
          %eq3A_180 = arith.cmpf oeq, %get3A_179, %gather3A_106 : vector<16xf32>
          %select_n3A_181 = arith.select %eq3A_180, %broadcast_in_dim3A_3, %broadcast_in_dim3A_5 : vector<16xi1>, vector<16xf32>
          %swap3A_182 = arith.index_cast %add3A_177 : i32 to index
          %swap3A_183 = tpu.vector_load %arg10[%swap3A_182] {strides = array<i32>} : memref<12800xf32, #tpu.memory_space<vmem>>, vector<16xf32>,
          tpu.vector_store %arg10[%swap3A_182], %select_n3A_181 {strides = array<i32>} : memref<12800xf32, #tpu.memory_space<vmem>>, vector<16xf32>,
          %add3A_184 = arith.constant 160 : i32
          %add3A_185 = arith.addi %mul3A_91, %add3A_184 : i32
          %get3A_186 = arith.index_cast %add3A_185 : i32 to index
          %get3A_187 = tpu.vector_load %arg6[%get3A_186] {strides = array<i32>} : memref<12800xf32, #tpu.memory_space<vmem>>, vector<16xf32>,
          %eq3A_188 = arith.cmpf oeq, %get3A_187, %gather3A_106 : vector<16xf32>
          %select_n3A_189 = arith.select %eq3A_188, %broadcast_in_dim3A_3, %broadcast_in_dim3A_5 : vector<16xi1>, vector<16xf32>
          %swap3A_190 = arith.index_cast %add3A_185 : i32 to index
          %swap3A_191 = tpu.vector_load %arg10[%swap3A_190] {strides = array<i32>} : memref<12800xf32, #tpu.memory_space<vmem>>, vector<16xf32>,
          tpu.vector_store %arg10[%swap3A_190], %select_n3A_189 {strides = array<i32>} : memref<12800xf32, #tpu.memory_space<vmem>>, vector<16xf32>,
          %add3A_192 = arith.constant 176 : i32
          %add3A_193 = arith.addi %mul3A_91, %add3A_192 : i32
          %get3A_194 = arith.index_cast %add3A_193 : i32 to index
          %get3A_195 = tpu.vector_load %arg6[%get3A_194] {strides = array<i32>} : memref<12800xf32, #tpu.memory_space<vmem>>, vector<16xf32>,
          %eq3A_196 = arith.cmpf oeq, %get3A_195, %gather3A_106 : vector<16xf32>
          %select_n3A_197 = arith.select %eq3A_196, %broadcast_in_dim3A_3, %broadcast_in_dim3A_5 : vector<16xi1>, vector<16xf32>
          %swap3A_198 = arith.index_cast %add3A_193 : i32 to index
          %swap3A_199 = tpu.vector_load %arg10[%swap3A_198] {strides = array<i32>} : memref<12800xf32, #tpu.memory_space<vmem>>, vector<16xf32>,
          tpu.vector_store %arg10[%swap3A_198], %select_n3A_197 {strides = array<i32>} : memref<12800xf32, #tpu.memory_space<vmem>>, vector<16xf32>,
          %add3A_200 = arith.constant 192 : i32
          %add3A_201 = arith.addi %mul3A_91, %add3A_200 : i32
          %get3A_202 = arith.index_cast %add3A_201 : i32 to index
          %get3A_203 = tpu.vector_load %arg6[%get3A_202] {strides = array<i32>} : memref<12800xf32, #tpu.memory_space<vmem>>, vector<16xf32>,
          %eq3A_204 = arith.cmpf oeq, %get3A_203, %gather3A_106 : vector<16xf32>
          %select_n3A_205 = arith.select %eq3A_204, %broadcast_in_dim3A_3, %broadcast_in_dim3A_5 : vector<16xi1>, vector<16xf32>
          %swap3A_206 = arith.index_cast %add3A_201 : i32 to index
          %swap3A_207 = tpu.vector_load %arg10[%swap3A_206] {strides = array<i32>} : memref<12800xf32, #tpu.memory_space<vmem>>, vector<16xf32>,
          tpu.vector_store %arg10[%swap3A_206], %select_n3A_205 {strides = array<i32>} : memref<12800xf32, #tpu.memory_space<vmem>>, vector<16xf32>,
          %add3A_208 = arith.constant 208 : i32
          %add3A_209 = arith.addi %mul3A_91, %add3A_208 : i32
          %get3A_210 = arith.index_cast %add3A_209 : i32 to index
          %get3A_211 = tpu.vector_load %arg6[%get3A_210] {strides = array<i32>} : memref<12800xf32, #tpu.memory_space<vmem>>, vector<16xf32>,
          %eq3A_212 = arith.cmpf oeq, %get3A_211, %gather3A_106 : vector<16xf32>
          %select_n3A_213 = arith.select %eq3A_212, %broadcast_in_dim3A_3, %broadcast_in_dim3A_5 : vector<16xi1>, vector<16xf32>
          %swap3A_214 = arith.index_cast %add3A_209 : i32 to index
          %swap3A_215 = tpu.vector_load %arg10[%swap3A_214] {strides = array<i32>} : memref<12800xf32, #tpu.memory_space<vmem>>, vector<16xf32>,
          tpu.vector_store %arg10[%swap3A_214], %select_n3A_213 {strides = array<i32>} : memref<12800xf32, #tpu.memory_space<vmem>>, vector<16xf32>,
          %add3A_216 = arith.constant 224 : i32
          %add3A_217 = arith.addi %mul3A_91, %add3A_216 : i32
          %get3A_218 = arith.index_cast %add3A_217 : i32 to index
          %get3A_219 = tpu.vector_load %arg6[%get3A_218] {strides = array<i32>} : memref<12800xf32, #tpu.memory_space<vmem>>, vector<16xf32>,
          %eq3A_220 = arith.cmpf oeq, %get3A_219, %gather3A_106 : vector<16xf32>
          %select_n3A_221 = arith.select %eq3A_220, %broadcast_in_dim3A_3, %broadcast_in_dim3A_5 : vector<16xi1>, vector<16xf32>
          %swap3A_222 = arith.index_cast %add3A_217 : i32 to index
          %swap3A_223 = tpu.vector_load %arg10[%swap3A_222] {strides = array<i32>} : memref<12800xf32, #tpu.memory_space<vmem>>, vector<16xf32>,
          tpu.vector_store %arg10[%swap3A_222], %select_n3A_221 {strides = array<i32>} : memref<12800xf32, #tpu.memory_space<vmem>>, vector<16xf32>,
          %add3A_224 = arith.constant 240 : i32
          %add3A_225 = arith.addi %mul3A_91, %add3A_224 : i32
          %get3A_226 = arith.index_cast %add3A_225 : i32 to index
          %get3A_227 = tpu.vector_load %arg6[%get3A_226] {strides = array<i32>} : memref<12800xf32, #tpu.memory_space<vmem>>, vector<16xf32>,
          %eq3A_228 = arith.cmpf oeq, %get3A_227, %gather3A_106 : vector<16xf32>
          %select_n3A_229 = arith.select %eq3A_228, %broadcast_in_dim3A_3, %broadcast_in_dim3A_5 : vector<16xi1>, vector<16xf32>
          %swap3A_230 = arith.index_cast %add3A_225 : i32 to index
          %swap3A_231 = tpu.vector_load %arg10[%swap3A_230] {strides = array<i32>} : memref<12800xf32, #tpu.memory_space<vmem>>, vector<16xf32>,
          tpu.vector_store %arg10[%swap3A_230], %select_n3A_229 {strides = array<i32>} : memref<12800xf32, #tpu.memory_space<vmem>>, vector<16xf32>,
        } else {
          %broadcast_in_dim3A_106 = vector.broadcast %squeeze3A : i32 to vector<16xi32>
          %ne3A = arith.cmpi ne, %gather3A_100, %broadcast_in_dim3A_106 : vector<16xi32>
          %all_reduce_ffs3A = tpu.all_reduce %ne3A {dim = 0 : i64, kind = #tpu.reduction_kind<find_first_set>} : vector<16xi1> -> vector<16xi32>
          %slice3A_107 = vector.extract_strided_slice %all_reduce_ffs3A {offsets = [0], sizes = [1], strides = [1]} : vector<16xi32> to vector<1xi32>
          %squeeze3A_108 = vector.extract %slice3A_107[0] : i32 from vector<1xi32>
          %rev3A = arith.constant 15 : i32
          %rev3A_109 = vector.broadcast %rev3A : i32 to vector<16xi32>
          %rev3A_110 = tpu.iota {dimensions = array<i32: 0>} : vector<16xi32>
          %rev3A_111 = arith.subi %rev3A_109, %rev3A_110 : vector<16xi32>
          %rev3A_112 = tpu.dynamic_gather %gather3A[%rev3A_111] in [0] : vector<16xi32>, vector<16xi32> -> vector<16xi32>
          %broadcast_in_dim3A_113 = vector.broadcast %squeeze3A_102 : i32 to vector<16xi32>
          %ne3A_114 = arith.cmpi ne, %rev3A_112, %broadcast_in_dim3A_113 : vector<16xi32>
          %all_reduce_ffs3A_115 = tpu.all_reduce %ne3A_114 {dim = 0 : i64, kind = #tpu.reduction_kind<find_first_set>} : vector<16xi1> -> vector<16xi32>
          %slice3A_116 = vector.extract_strided_slice %all_reduce_ffs3A_115 {offsets = [0], sizes = [1], strides = [1]} : vector<16xi32> to vector<1xi32>
          %squeeze3A_117 = vector.extract %slice3A_116[0] : i32 from vector<1xi32>
          %sub3A = arith.constant 15 : i32
          %sub3A_118 = arith.subi %sub3A, %squeeze3A_117 : i32
          %broadcast_in_dim3A_119 = vector.broadcast %squeeze3A : i32 to vector<16xi32>
          %gather3A_120 = tpu.vector_load_idx %arg12[%broadcast_in_dim3A_119] : memref<16384xf32, #tpu.memory_space<vmem>>[vector<16xi32>], vector<16xf32>,
          %while3A = arith.constant 0 : i32
          %while3A_121 = arith.constant 0 : i32
          %while3A_122 = arith.subi %squeeze3A_108, %while3A_121 : i32
          %while3A_123 = arith.addi %while3A_121, %while3A_122 : i32
          %while3A_124 = arith.constant 1 : i32
          %while3A_125 = arith.divsi %while3A_122, %while3A_124 : i32
          %while3A_126 = arith.muli %while3A_125, %while3A_124 : i32
          %while3A_127 = arith.addi %while3A_121, %while3A_126 : i32
          %while3A_128 = arith.constant 1 : i32
          scf.for %while3A_155 = %while3A_121 to %while3A_127 step %while3A_128  : i32 {
            %mul3A_156 = arith.constant 16 : i32
            %mul3A_157 = arith.muli %while3A_155, %mul3A_156 : i32
            %add3A_158 = arith.addi %mul3A_91, %mul3A_157 : i32
            %get3A = arith.index_cast %add3A_158 : i32 to index
            %get3A_159 = tpu.vector_load %arg6[%get3A] {strides = array<i32>} : memref<12800xf32, #tpu.memory_space<vmem>>, vector<16xf32>,
            %eq3A_160 = arith.cmpf oeq, %get3A_159, %gather3A_120 : vector<16xf32>
            %select_n3A = arith.select %eq3A_160, %broadcast_in_dim3A_3, %broadcast_in_dim3A_5 : vector<16xi1>, vector<16xf32>
            %swap3A = arith.index_cast %add3A_158 : i32 to index
            %swap3A_161 = tpu.vector_load %arg10[%swap3A] {strides = array<i32>} : memref<12800xf32, #tpu.memory_space<vmem>>, vector<16xf32>,
            tpu.vector_store %arg10[%swap3A], %select_n3A {strides = array<i32>} : memref<12800xf32, #tpu.memory_space<vmem>>, vector<16xf32>,
          }
          %while3A_129 = arith.constant 1 : i32
          scf.for %while3A_155 = %while3A_127 to %while3A_123 step %while3A_129  : i32 {
            %mul3A_156 = arith.constant 16 : i32
            %mul3A_157 = arith.muli %while3A_155, %mul3A_156 : i32
            %add3A_158 = arith.addi %mul3A_91, %mul3A_157 : i32
            %get3A = arith.index_cast %add3A_158 : i32 to index
            %get3A_159 = tpu.vector_load %arg6[%get3A] {strides = array<i32>} : memref<12800xf32, #tpu.memory_space<vmem>>, vector<16xf32>,
            %eq3A_160 = arith.cmpf oeq, %get3A_159, %gather3A_120 : vector<16xf32>
            %select_n3A = arith.select %eq3A_160, %broadcast_in_dim3A_3, %broadcast_in_dim3A_5 : vector<16xi1>, vector<16xf32>
            %swap3A = arith.index_cast %add3A_158 : i32 to index
            %swap3A_161 = tpu.vector_load %arg10[%swap3A] {strides = array<i32>} : memref<12800xf32, #tpu.memory_space<vmem>>, vector<16xf32>,
            tpu.vector_store %arg10[%swap3A], %select_n3A {strides = array<i32>} : memref<12800xf32, #tpu.memory_space<vmem>>, vector<16xf32>,
          }
          %add3A_130 = arith.constant 1 : i32
          %add3A_131 = arith.addi %sub3A_118, %add3A_130 : i32
          %while3A_132 = arith.constant 0 : i32
          %while3A_133 = arith.subi %add3A_131, %squeeze3A_108 : i32
          %while3A_134 = arith.addi %squeeze3A_108, %while3A_133 : i32
          %while3A_135 = arith.constant 1 : i32
          %while3A_136 = arith.divsi %while3A_133, %while3A_135 : i32
          %while3A_137 = arith.muli %while3A_136, %while3A_135 : i32
          %while3A_138 = arith.addi %squeeze3A_108, %while3A_137 : i32
          %while3A_139 = arith.constant 1 : i32
          scf.for %while3A_155 = %squeeze3A_108 to %while3A_138 step %while3A_139  : i32 {
            %mul3A_156 = arith.constant 16 : i32
            %mul3A_157 = arith.muli %while3A_155, %mul3A_156 : i32
            %add3A_158 = arith.addi %mul3A_91, %mul3A_157 : i32
            %get3A = arith.index_cast %add3A_158 : i32 to index
            %get3A_159 = tpu.vector_load %arg8[%get3A] {strides = array<i32>} : memref<12800xi32, #tpu.memory_space<vmem>>, vector<16xi32>,
            %gather3A_160 = tpu.vector_load_idx %arg12[%get3A_159] : memref<16384xf32, #tpu.memory_space<vmem>>[vector<16xi32>], vector<16xf32>,
            %get3A_161 = arith.index_cast %add3A_158 : i32 to index
            %get3A_162 = tpu.vector_load %arg6[%get3A_161] {strides = array<i32>} : memref<12800xf32, #tpu.memory_space<vmem>>, vector<16xf32>,
            %eq3A_163 = arith.cmpf oeq, %get3A_162, %gather3A_160 : vector<16xf32>
            %select_n3A = arith.select %eq3A_163, %broadcast_in_dim3A_3, %broadcast_in_dim3A_5 : vector<16xi1>, vector<16xf32>
            %swap3A = arith.index_cast %add3A_158 : i32 to index
            %swap3A_164 = tpu.vector_load %arg10[%swap3A] {strides = array<i32>} : memref<12800xf32, #tpu.memory_space<vmem>>, vector<16xf32>,
            tpu.vector_store %arg10[%swap3A], %select_n3A {strides = array<i32>} : memref<12800xf32, #tpu.memory_space<vmem>>, vector<16xf32>,
          }
          %while3A_140 = arith.constant 1 : i32
          scf.for %while3A_155 = %while3A_138 to %while3A_134 step %while3A_140  : i32 {
            %mul3A_156 = arith.constant 16 : i32
            %mul3A_157 = arith.muli %while3A_155, %mul3A_156 : i32
            %add3A_158 = arith.addi %mul3A_91, %mul3A_157 : i32
            %get3A = arith.index_cast %add3A_158 : i32 to index
            %get3A_159 = tpu.vector_load %arg8[%get3A] {strides = array<i32>} : memref<12800xi32, #tpu.memory_space<vmem>>, vector<16xi32>,
            %gather3A_160 = tpu.vector_load_idx %arg12[%get3A_159] : memref<16384xf32, #tpu.memory_space<vmem>>[vector<16xi32>], vector<16xf32>,
            %get3A_161 = arith.index_cast %add3A_158 : i32 to index
            %get3A_162 = tpu.vector_load %arg6[%get3A_161] {strides = array<i32>} : memref<12800xf32, #tpu.memory_space<vmem>>, vector<16xf32>,
            %eq3A_163 = arith.cmpf oeq, %get3A_162, %gather3A_160 : vector<16xf32>
            %select_n3A = arith.select %eq3A_163, %broadcast_in_dim3A_3, %broadcast_in_dim3A_5 : vector<16xi1>, vector<16xf32>
            %swap3A = arith.index_cast %add3A_158 : i32 to index
            %swap3A_164 = tpu.vector_load %arg10[%swap3A] {strides = array<i32>} : memref<12800xf32, #tpu.memory_space<vmem>>, vector<16xf32>,
            tpu.vector_store %arg10[%swap3A], %select_n3A {strides = array<i32>} : memref<12800xf32, #tpu.memory_space<vmem>>, vector<16xf32>,
          }
          %add3A_141 = arith.constant 1 : i32
          %add3A_142 = arith.addi %sub3A_118, %add3A_141 : i32
          %broadcast_in_dim3A_143 = vector.broadcast %squeeze3A_102 : i32 to vector<16xi32>
          %gather3A_144 = tpu.vector_load_idx %arg12[%broadcast_in_dim3A_143] : memref<16384xf32, #tpu.memory_space<vmem>>[vector<16xi32>], vector<16xf32>,
          %while3A_145 = arith.constant 0 : i32
          %while3A_146 = arith.constant 16 : i32
          %while3A_147 = arith.subi %while3A_146, %add3A_142 : i32
          %while3A_148 = arith.addi %add3A_142, %while3A_147 : i32
          %while3A_149 = arith.constant 1 : i32
          %while3A_150 = arith.divsi %while3A_147, %while3A_149 : i32
          %while3A_151 = arith.muli %while3A_150, %while3A_149 : i32
          %while3A_152 = arith.addi %add3A_142, %while3A_151 : i32
          %while3A_153 = arith.constant 1 : i32
          scf.for %while3A_155 = %add3A_142 to %while3A_152 step %while3A_153  : i32 {
            %mul3A_156 = arith.constant 16 : i32
            %mul3A_157 = arith.muli %while3A_155, %mul3A_156 : i32
            %add3A_158 = arith.addi %mul3A_91, %mul3A_157 : i32
            %get3A = arith.index_cast %add3A_158 : i32 to index
            %get3A_159 = tpu.vector_load %arg6[%get3A] {strides = array<i32>} : memref<12800xf32, #tpu.memory_space<vmem>>, vector<16xf32>,
            %eq3A_160 = arith.cmpf oeq, %get3A_159, %gather3A_144 : vector<16xf32>
            %select_n3A = arith.select %eq3A_160, %broadcast_in_dim3A_3, %broadcast_in_dim3A_5 : vector<16xi1>, vector<16xf32>
            %swap3A = arith.index_cast %add3A_158 : i32 to index
            %swap3A_161 = tpu.vector_load %arg10[%swap3A] {strides = array<i32>} : memref<12800xf32, #tpu.memory_space<vmem>>, vector<16xf32>,
            tpu.vector_store %arg10[%swap3A], %select_n3A {strides = array<i32>} : memref<12800xf32, #tpu.memory_space<vmem>>, vector<16xf32>,
          }
          %while3A_154 = arith.constant 1 : i32
          scf.for %while3A_155 = %while3A_152 to %while3A_148 step %while3A_154  : i32 {
            %mul3A_156 = arith.constant 16 : i32
            %mul3A_157 = arith.muli %while3A_155, %mul3A_156 : i32
            %add3A_158 = arith.addi %mul3A_91, %mul3A_157 : i32
            %get3A = arith.index_cast %add3A_158 : i32 to index
            %get3A_159 = tpu.vector_load %arg6[%get3A] {strides = array<i32>} : memref<12800xf32, #tpu.memory_space<vmem>>, vector<16xf32>,
            %eq3A_160 = arith.cmpf oeq, %get3A_159, %gather3A_144 : vector<16xf32>
            %select_n3A = arith.select %eq3A_160, %broadcast_in_dim3A_3, %broadcast_in_dim3A_5 : vector<16xi1>, vector<16xf32>
            %swap3A = arith.index_cast %add3A_158 : i32 to index
            %swap3A_161 = tpu.vector_load %arg10[%swap3A] {strides = array<i32>} : memref<12800xf32, #tpu.memory_space<vmem>>, vector<16xf32>,
            tpu.vector_store %arg10[%swap3A], %select_n3A {strides = array<i32>} : memref<12800xf32, #tpu.memory_space<vmem>>, vector<16xf32>,
          }
        }
      }
      %scan3A_48 = arith.constant 50 : i32
      %mul3A_49 = arith.constant 12800 : i32
      %mul3A_50 = arith.muli %add3A_27, %mul3A_49 : i32
      %add3A_51 = arith.addi %mul3A_2, %mul3A_50 : i32
      %dma_start3A_52 = tpu.memref_slice %arg5[%add3A_51] : memref<16384000xf32, #tpu.memory_space<hbm>> -> memref<12800xf32, #tpu.memory_space<hbm>>
      %dma_start3A_53 = tpu.memref_slice %arg5[%add3A_51] : memref<16384000xf32, #tpu.memory_space<hbm>> -> memref<12800xf32, #tpu.memory_space<hbm>>
      tpu.enqueue_dma source(%arg10 : memref<12800xf32, #tpu.memory_space<vmem>>) target(%dma_start3A_53 : memref<12800xf32, #tpu.memory_space<hbm>>) target_semaphore(%arg17 : memref<!tpu.dma_semaphore, #tpu.memory_space<semaphore_mem>>)
      %mul3A_54 = arith.constant 2 : i32
      %mul3A_55 = arith.muli %scan3A_23, %mul3A_54 : i32
      %add3A_56 = arith.constant 1 : i32
      %add3A_57 = arith.addi %mul3A_55, %add3A_56 : i32
      %add3A_58 = arith.constant 1 : i32
      %add3A_59 = arith.addi %add3A_57, %add3A_58 : i32
      %lt3A_60 = arith.constant 40 : i32
      %lt3A_61 = arith.cmpi slt, %add3A_59, %lt3A_60 : i32
      %convert_element_type3A_62 = arith.extui %lt3A_61 : i1 to i32
      %cond3A_63 = arith.constant 0 : i32
      %cond3A_64 = arith.cmpi ne, %convert_element_type3A_62, %cond3A_63 : i32
      scf.if %cond3A_64 {
        %add3A_89 = arith.constant 1 : i32
        %add3A_90 = arith.addi %add3A_57, %add3A_89 : i32
        %mul3A_91 = arith.constant 12800 : i32
        %mul3A_92 = arith.muli %add3A_90, %mul3A_91 : i32
        %add3A_93 = arith.addi %mul3A_2, %mul3A_92 : i32
        %dma_start3A_94 = tpu.memref_slice %arg2[%add3A_93] : memref<16384000xf32, #tpu.memory_space<hbm>> -> memref<12800xf32, #tpu.memory_space<hbm>>
        %dma_start3A_95 = tpu.memref_slice %arg2[%add3A_93] : memref<16384000xf32, #tpu.memory_space<hbm>> -> memref<12800xf32, #tpu.memory_space<hbm>>
        tpu.enqueue_dma source(%dma_start3A_95 : memref<12800xf32, #tpu.memory_space<hbm>>) target(%arg6 : memref<12800xf32, #tpu.memory_space<vmem>>) target_semaphore(%arg13 : memref<!tpu.dma_semaphore, #tpu.memory_space<semaphore_mem>>)
        %dma_start3A_96 = tpu.memref_slice %arg3[%add3A_93] : memref<16384000xi32, #tpu.memory_space<hbm>> -> memref<12800xi32, #tpu.memory_space<hbm>>
        %dma_start3A_97 = tpu.memref_slice %arg3[%add3A_93] : memref<16384000xi32, #tpu.memory_space<hbm>> -> memref<12800xi32, #tpu.memory_space<hbm>>
        tpu.enqueue_dma source(%dma_start3A_97 : memref<12800xi32, #tpu.memory_space<hbm>>) target(%arg8 : memref<12800xi32, #tpu.memory_space<vmem>>) target_semaphore(%arg15 : memref<!tpu.dma_semaphore, #tpu.memory_space<semaphore_mem>>)
      } else {
      }
      %mul3A_65 = arith.constant 12800 : i32
      %mul3A_66 = arith.muli %add3A_57, %mul3A_65 : i32
      %add3A_67 = arith.addi %mul3A_2, %mul3A_66 : i32
      %dma_wait3A_68 = tpu.memref_slice %arg2[%add3A_67] : memref<16384000xf32, #tpu.memory_space<hbm>> -> memref<12800xf32, #tpu.memory_space<hbm>>
      %dma_wait3A_69 = tpu.memref_slice %arg2[%add3A_67] : memref<16384000xf32, #tpu.memory_space<hbm>> -> memref<12800xf32, #tpu.memory_space<hbm>>
      tpu.wait_dma2 semaphore(%arg14 : memref<!tpu.dma_semaphore, #tpu.memory_space<semaphore_mem>>) src(%dma_wait3A_69 : memref<12800xf32, #tpu.memory_space<hbm>>) dst(%arg7 : memref<12800xf32, #tpu.memory_space<vmem>>)
      %dma_wait3A_70 = tpu.memref_slice %arg3[%add3A_67] : memref<16384000xi32, #tpu.memory_space<hbm>> -> memref<12800xi32, #tpu.memory_space<hbm>>
      %dma_wait3A_71 = tpu.memref_slice %arg3[%add3A_67] : memref<16384000xi32, #tpu.memory_space<hbm>> -> memref<12800xi32, #tpu.memory_space<hbm>>
      tpu.wait_dma2 semaphore(%arg16 : memref<!tpu.dma_semaphore, #tpu.memory_space<semaphore_mem>>) src(%dma_wait3A_71 : memref<12800xi32, #tpu.memory_space<hbm>>) dst(%arg9 : memref<12800xi32, #tpu.memory_space<vmem>>)
      %ge3A_72 = arith.constant 2 : i32
      %ge3A_73 = arith.cmpi sge, %add3A_57, %ge3A_72 : i32
      %convert_element_type3A_74 = arith.extui %ge3A_73 : i1 to i32
      %cond3A_75 = arith.constant 0 : i32
      %cond3A_76 = arith.cmpi ne, %convert_element_type3A_74, %cond3A_75 : i32
      scf.if %cond3A_76 {
        %sub3A = arith.constant 2 : i32
        %sub3A_89 = arith.subi %add3A_57, %sub3A : i32
        %mul3A_90 = arith.constant 12800 : i32
        %mul3A_91 = arith.muli %sub3A_89, %mul3A_90 : i32
        %add3A_92 = arith.addi %mul3A_2, %mul3A_91 : i32
        %dma_wait3A_93 = tpu.memref_slice %arg5[%add3A_92] : memref<16384000xf32, #tpu.memory_space<hbm>> -> memref<12800xf32, #tpu.memory_space<hbm>>
        %dma_wait3A_94 = tpu.memref_slice %arg5[%add3A_92] : memref<16384000xf32, #tpu.memory_space<hbm>> -> memref<12800xf32, #tpu.memory_space<hbm>>
        tpu.wait_dma2 semaphore(%arg18 : memref<!tpu.dma_semaphore, #tpu.memory_space<semaphore_mem>>) src(%arg11 : memref<12800xf32, #tpu.memory_space<vmem>>) dst(%dma_wait3A_94 : memref<12800xf32, #tpu.memory_space<hbm>>)
      } else {
      }
      %iota3A_77 = tpu.iota {dimensions = array<i32: 0>} : vector<16xi32>
      %scan3A_78 = arith.constant 0 : i32
      %scan3A_79 = arith.constant 0 : i32
      %scan3A_80 = arith.constant 50 : i32
      %scan3A_81 = arith.addi %scan3A_79, %scan3A_80 : i32
      %scan3A_82 = arith.constant 1 : i32
      scf.for %scan3A_89 = %scan3A_79 to %scan3A_81 step %scan3A_82  : i32 {
        %mul3A_90 = arith.constant 256 : i32
        %mul3A_91 = arith.muli %scan3A_89, %mul3A_90 : i32
        %broadcast_in_dim3A_92 = vector.broadcast %mul3A_91 : i32 to vector<16xi32>
        %mul3A_93 = arith.constant 16 : i32
        %mul3A_94 = vector.broadcast %mul3A_93 : i32 to vector<16xi32>
        %mul3A_95 = arith.muli %iota3A_77, %mul3A_94 : vector<16xi32>
        %add3A_96 = arith.addi %broadcast_in_dim3A_92, %mul3A_95 : vector<16xi32>
        %gather3A = tpu.vector_load_idx %arg9[%add3A_96] : memref<12800xi32, #tpu.memory_space<vmem>>[vector<16xi32>], vector<16xi32>,
        %add3A_97 = arith.constant 15 : i32
        %add3A_98 = vector.broadcast %add3A_97 : i32 to vector<16xi32>
        %add3A_99 = arith.addi %add3A_96, %add3A_98 : vector<16xi32>
        %gather3A_100 = tpu.vector_load_idx %arg9[%add3A_99] : memref<12800xi32, #tpu.memory_space<vmem>>[vector<16xi32>], vector<16xi32>,
        %slice3A = vector.extract_strided_slice %gather3A {offsets = [0], sizes = [1], strides = [1]} : vector<16xi32> to vector<1xi32>
        %squeeze3A = vector.extract %slice3A[0] : i32 from vector<1xi32>
        %slice3A_101 = vector.extract_strided_slice %gather3A_100 {offsets = [15], sizes = [1], strides = [1]} : vector<16xi32> to vector<1xi32>
        %squeeze3A_102 = vector.extract %slice3A_101[0] : i32 from vector<1xi32>
        %eq3A = arith.cmpi eq, %squeeze3A, %squeeze3A_102 : i32
        %convert_element_type3A_103 = arith.extui %eq3A : i1 to i32
        %cond3A_104 = arith.constant 0 : i32
        %cond3A_105 = arith.cmpi ne, %convert_element_type3A_103, %cond3A_104 : i32
        scf.if %cond3A_105 {
          %gather3A_106 = tpu.vector_load_idx %arg12[%gather3A] : memref<16384xf32, #tpu.memory_space<vmem>>[vector<16xi32>], vector<16xf32>,
          %add3A_107 = arith.constant 0 : i32
          %add3A_108 = arith.addi %mul3A_91, %add3A_107 : i32
          %get3A = arith.index_cast %add3A_108 : i32 to index
          %get3A_109 = tpu.vector_load %arg7[%get3A] {strides = array<i32>} : memref<12800xf32, #tpu.memory_space<vmem>>, vector<16xf32>,
          %eq3A_110 = arith.cmpf oeq, %get3A_109, %gather3A_106 : vector<16xf32>
          %select_n3A = arith.select %eq3A_110, %broadcast_in_dim3A_3, %broadcast_in_dim3A_5 : vector<16xi1>, vector<16xf32>
          %swap3A = arith.index_cast %add3A_108 : i32 to index
          %swap3A_111 = tpu.vector_load %arg11[%swap3A] {strides = array<i32>} : memref<12800xf32, #tpu.memory_space<vmem>>, vector<16xf32>,
          tpu.vector_store %arg11[%swap3A], %select_n3A {strides = array<i32>} : memref<12800xf32, #tpu.memory_space<vmem>>, vector<16xf32>,
          %add3A_112 = arith.constant 16 : i32
          %add3A_113 = arith.addi %mul3A_91, %add3A_112 : i32
          %get3A_114 = arith.index_cast %add3A_113 : i32 to index
          %get3A_115 = tpu.vector_load %arg7[%get3A_114] {strides = array<i32>} : memref<12800xf32, #tpu.memory_space<vmem>>, vector<16xf32>,
          %eq3A_116 = arith.cmpf oeq, %get3A_115, %gather3A_106 : vector<16xf32>
          %select_n3A_117 = arith.select %eq3A_116, %broadcast_in_dim3A_3, %broadcast_in_dim3A_5 : vector<16xi1>, vector<16xf32>
          %swap3A_118 = arith.index_cast %add3A_113 : i32 to index
          %swap3A_119 = tpu.vector_load %arg11[%swap3A_118] {strides = array<i32>} : memref<12800xf32, #tpu.memory_space<vmem>>, vector<16xf32>,
          tpu.vector_store %arg11[%swap3A_118], %select_n3A_117 {strides = array<i32>} : memref<12800xf32, #tpu.memory_space<vmem>>, vector<16xf32>,
          %add3A_120 = arith.constant 32 : i32
          %add3A_121 = arith.addi %mul3A_91, %add3A_120 : i32
          %get3A_122 = arith.index_cast %add3A_121 : i32 to index
          %get3A_123 = tpu.vector_load %arg7[%get3A_122] {strides = array<i32>} : memref<12800xf32, #tpu.memory_space<vmem>>, vector<16xf32>,
          %eq3A_124 = arith.cmpf oeq, %get3A_123, %gather3A_106 : vector<16xf32>
          %select_n3A_125 = arith.select %eq3A_124, %broadcast_in_dim3A_3, %broadcast_in_dim3A_5 : vector<16xi1>, vector<16xf32>
          %swap3A_126 = arith.index_cast %add3A_121 : i32 to index
          %swap3A_127 = tpu.vector_load %arg11[%swap3A_126] {strides = array<i32>} : memref<12800xf32, #tpu.memory_space<vmem>>, vector<16xf32>,
          tpu.vector_store %arg11[%swap3A_126], %select_n3A_125 {strides = array<i32>} : memref<12800xf32, #tpu.memory_space<vmem>>, vector<16xf32>,
          %add3A_128 = arith.constant 48 : i32
          %add3A_129 = arith.addi %mul3A_91, %add3A_128 : i32
          %get3A_130 = arith.index_cast %add3A_129 : i32 to index
          %get3A_131 = tpu.vector_load %arg7[%get3A_130] {strides = array<i32>} : memref<12800xf32, #tpu.memory_space<vmem>>, vector<16xf32>,
          %eq3A_132 = arith.cmpf oeq, %get3A_131, %gather3A_106 : vector<16xf32>
          %select_n3A_133 = arith.select %eq3A_132, %broadcast_in_dim3A_3, %broadcast_in_dim3A_5 : vector<16xi1>, vector<16xf32>
          %swap3A_134 = arith.index_cast %add3A_129 : i32 to index
          %swap3A_135 = tpu.vector_load %arg11[%swap3A_134] {strides = array<i32>} : memref<12800xf32, #tpu.memory_space<vmem>>, vector<16xf32>,
          tpu.vector_store %arg11[%swap3A_134], %select_n3A_133 {strides = array<i32>} : memref<12800xf32, #tpu.memory_space<vmem>>, vector<16xf32>,
          %add3A_136 = arith.constant 64 : i32
          %add3A_137 = arith.addi %mul3A_91, %add3A_136 : i32
          %get3A_138 = arith.index_cast %add3A_137 : i32 to index
          %get3A_139 = tpu.vector_load %arg7[%get3A_138] {strides = array<i32>} : memref<12800xf32, #tpu.memory_space<vmem>>, vector<16xf32>,
          %eq3A_140 = arith.cmpf oeq, %get3A_139, %gather3A_106 : vector<16xf32>
          %select_n3A_141 = arith.select %eq3A_140, %broadcast_in_dim3A_3, %broadcast_in_dim3A_5 : vector<16xi1>, vector<16xf32>
          %swap3A_142 = arith.index_cast %add3A_137 : i32 to index
          %swap3A_143 = tpu.vector_load %arg11[%swap3A_142] {strides = array<i32>} : memref<12800xf32, #tpu.memory_space<vmem>>, vector<16xf32>,
          tpu.vector_store %arg11[%swap3A_142], %select_n3A_141 {strides = array<i32>} : memref<12800xf32, #tpu.memory_space<vmem>>, vector<16xf32>,
          %add3A_144 = arith.constant 80 : i32
          %add3A_145 = arith.addi %mul3A_91, %add3A_144 : i32
          %get3A_146 = arith.index_cast %add3A_145 : i32 to index
          %get3A_147 = tpu.vector_load %arg7[%get3A_146] {strides = array<i32>} : memref<12800xf32, #tpu.memory_space<vmem>>, vector<16xf32>,
          %eq3A_148 = arith.cmpf oeq, %get3A_147, %gather3A_106 : vector<16xf32>
          %select_n3A_149 = arith.select %eq3A_148, %broadcast_in_dim3A_3, %broadcast_in_dim3A_5 : vector<16xi1>, vector<16xf32>
          %swap3A_150 = arith.index_cast %add3A_145 : i32 to index
          %swap3A_151 = tpu.vector_load %arg11[%swap3A_150] {strides = array<i32>} : memref<12800xf32, #tpu.memory_space<vmem>>, vector<16xf32>,
          tpu.vector_store %arg11[%swap3A_150], %select_n3A_149 {strides = array<i32>} : memref<12800xf32, #tpu.memory_space<vmem>>, vector<16xf32>,
          %add3A_152 = arith.constant 96 : i32
          %add3A_153 = arith.addi %mul3A_91, %add3A_152 : i32
          %get3A_154 = arith.index_cast %add3A_153 : i32 to index
          %get3A_155 = tpu.vector_load %arg7[%get3A_154] {strides = array<i32>} : memref<12800xf32, #tpu.memory_space<vmem>>, vector<16xf32>,
          %eq3A_156 = arith.cmpf oeq, %get3A_155, %gather3A_106 : vector<16xf32>
          %select_n3A_157 = arith.select %eq3A_156, %broadcast_in_dim3A_3, %broadcast_in_dim3A_5 : vector<16xi1>, vector<16xf32>
          %swap3A_158 = arith.index_cast %add3A_153 : i32 to index
          %swap3A_159 = tpu.vector_load %arg11[%swap3A_158] {strides = array<i32>} : memref<12800xf32, #tpu.memory_space<vmem>>, vector<16xf32>,
          tpu.vector_store %arg11[%swap3A_158], %select_n3A_157 {strides = array<i32>} : memref<12800xf32, #tpu.memory_space<vmem>>, vector<16xf32>,
          %add3A_160 = arith.constant 112 : i32
          %add3A_161 = arith.addi %mul3A_91, %add3A_160 : i32
          %get3A_162 = arith.index_cast %add3A_161 : i32 to index
          %get3A_163 = tpu.vector_load %arg7[%get3A_162] {strides = array<i32>} : memref<12800xf32, #tpu.memory_space<vmem>>, vector<16xf32>,
          %eq3A_164 = arith.cmpf oeq, %get3A_163, %gather3A_106 : vector<16xf32>
          %select_n3A_165 = arith.select %eq3A_164, %broadcast_in_dim3A_3, %broadcast_in_dim3A_5 : vector<16xi1>, vector<16xf32>
          %swap3A_166 = arith.index_cast %add3A_161 : i32 to index
          %swap3A_167 = tpu.vector_load %arg11[%swap3A_166] {strides = array<i32>} : memref<12800xf32, #tpu.memory_space<vmem>>, vector<16xf32>,
          tpu.vector_store %arg11[%swap3A_166], %select_n3A_165 {strides = array<i32>} : memref<12800xf32, #tpu.memory_space<vmem>>, vector<16xf32>,
          %add3A_168 = arith.constant 128 : i32
          %add3A_169 = arith.addi %mul3A_91, %add3A_168 : i32
          %get3A_170 = arith.index_cast %add3A_169 : i32 to index
          %get3A_171 = tpu.vector_load %arg7[%get3A_170] {strides = array<i32>} : memref<12800xf32, #tpu.memory_space<vmem>>, vector<16xf32>,
          %eq3A_172 = arith.cmpf oeq, %get3A_171, %gather3A_106 : vector<16xf32>
          %select_n3A_173 = arith.select %eq3A_172, %broadcast_in_dim3A_3, %broadcast_in_dim3A_5 : vector<16xi1>, vector<16xf32>
          %swap3A_174 = arith.index_cast %add3A_169 : i32 to index
          %swap3A_175 = tpu.vector_load %arg11[%swap3A_174] {strides = array<i32>} : memref<12800xf32, #tpu.memory_space<vmem>>, vector<16xf32>,
          tpu.vector_store %arg11[%swap3A_174], %select_n3A_173 {strides = array<i32>} : memref<12800xf32, #tpu.memory_space<vmem>>, vector<16xf32>,
          %add3A_176 = arith.constant 144 : i32
          %add3A_177 = arith.addi %mul3A_91, %add3A_176 : i32
          %get3A_178 = arith.index_cast %add3A_177 : i32 to index
          %get3A_179 = tpu.vector_load %arg7[%get3A_178] {strides = array<i32>} : memref<12800xf32, #tpu.memory_space<vmem>>, vector<16xf32>,
          %eq3A_180 = arith.cmpf oeq, %get3A_179, %gather3A_106 : vector<16xf32>
          %select_n3A_181 = arith.select %eq3A_180, %broadcast_in_dim3A_3, %broadcast_in_dim3A_5 : vector<16xi1>, vector<16xf32>
          %swap3A_182 = arith.index_cast %add3A_177 : i32 to index
          %swap3A_183 = tpu.vector_load %arg11[%swap3A_182] {strides = array<i32>} : memref<12800xf32, #tpu.memory_space<vmem>>, vector<16xf32>,
          tpu.vector_store %arg11[%swap3A_182], %select_n3A_181 {strides = array<i32>} : memref<12800xf32, #tpu.memory_space<vmem>>, vector<16xf32>,
          %add3A_184 = arith.constant 160 : i32
          %add3A_185 = arith.addi %mul3A_91, %add3A_184 : i32
          %get3A_186 = arith.index_cast %add3A_185 : i32 to index
          %get3A_187 = tpu.vector_load %arg7[%get3A_186] {strides = array<i32>} : memref<12800xf32, #tpu.memory_space<vmem>>, vector<16xf32>,
          %eq3A_188 = arith.cmpf oeq, %get3A_187, %gather3A_106 : vector<16xf32>
          %select_n3A_189 = arith.select %eq3A_188, %broadcast_in_dim3A_3, %broadcast_in_dim3A_5 : vector<16xi1>, vector<16xf32>
          %swap3A_190 = arith.index_cast %add3A_185 : i32 to index
          %swap3A_191 = tpu.vector_load %arg11[%swap3A_190] {strides = array<i32>} : memref<12800xf32, #tpu.memory_space<vmem>>, vector<16xf32>,
          tpu.vector_store %arg11[%swap3A_190], %select_n3A_189 {strides = array<i32>} : memref<12800xf32, #tpu.memory_space<vmem>>, vector<16xf32>,
          %add3A_192 = arith.constant 176 : i32
          %add3A_193 = arith.addi %mul3A_91, %add3A_192 : i32
          %get3A_194 = arith.index_cast %add3A_193 : i32 to index
          %get3A_195 = tpu.vector_load %arg7[%get3A_194] {strides = array<i32>} : memref<12800xf32, #tpu.memory_space<vmem>>, vector<16xf32>,
          %eq3A_196 = arith.cmpf oeq, %get3A_195, %gather3A_106 : vector<16xf32>
          %select_n3A_197 = arith.select %eq3A_196, %broadcast_in_dim3A_3, %broadcast_in_dim3A_5 : vector<16xi1>, vector<16xf32>
          %swap3A_198 = arith.index_cast %add3A_193 : i32 to index
          %swap3A_199 = tpu.vector_load %arg11[%swap3A_198] {strides = array<i32>} : memref<12800xf32, #tpu.memory_space<vmem>>, vector<16xf32>,
          tpu.vector_store %arg11[%swap3A_198], %select_n3A_197 {strides = array<i32>} : memref<12800xf32, #tpu.memory_space<vmem>>, vector<16xf32>,
          %add3A_200 = arith.constant 192 : i32
          %add3A_201 = arith.addi %mul3A_91, %add3A_200 : i32
          %get3A_202 = arith.index_cast %add3A_201 : i32 to index
          %get3A_203 = tpu.vector_load %arg7[%get3A_202] {strides = array<i32>} : memref<12800xf32, #tpu.memory_space<vmem>>, vector<16xf32>,
          %eq3A_204 = arith.cmpf oeq, %get3A_203, %gather3A_106 : vector<16xf32>
          %select_n3A_205 = arith.select %eq3A_204, %broadcast_in_dim3A_3, %broadcast_in_dim3A_5 : vector<16xi1>, vector<16xf32>
          %swap3A_206 = arith.index_cast %add3A_201 : i32 to index
          %swap3A_207 = tpu.vector_load %arg11[%swap3A_206] {strides = array<i32>} : memref<12800xf32, #tpu.memory_space<vmem>>, vector<16xf32>,
          tpu.vector_store %arg11[%swap3A_206], %select_n3A_205 {strides = array<i32>} : memref<12800xf32, #tpu.memory_space<vmem>>, vector<16xf32>,
          %add3A_208 = arith.constant 208 : i32
          %add3A_209 = arith.addi %mul3A_91, %add3A_208 : i32
          %get3A_210 = arith.index_cast %add3A_209 : i32 to index
          %get3A_211 = tpu.vector_load %arg7[%get3A_210] {strides = array<i32>} : memref<12800xf32, #tpu.memory_space<vmem>>, vector<16xf32>,
          %eq3A_212 = arith.cmpf oeq, %get3A_211, %gather3A_106 : vector<16xf32>
          %select_n3A_213 = arith.select %eq3A_212, %broadcast_in_dim3A_3, %broadcast_in_dim3A_5 : vector<16xi1>, vector<16xf32>
          %swap3A_214 = arith.index_cast %add3A_209 : i32 to index
          %swap3A_215 = tpu.vector_load %arg11[%swap3A_214] {strides = array<i32>} : memref<12800xf32, #tpu.memory_space<vmem>>, vector<16xf32>,
          tpu.vector_store %arg11[%swap3A_214], %select_n3A_213 {strides = array<i32>} : memref<12800xf32, #tpu.memory_space<vmem>>, vector<16xf32>,
          %add3A_216 = arith.constant 224 : i32
          %add3A_217 = arith.addi %mul3A_91, %add3A_216 : i32
          %get3A_218 = arith.index_cast %add3A_217 : i32 to index
          %get3A_219 = tpu.vector_load %arg7[%get3A_218] {strides = array<i32>} : memref<12800xf32, #tpu.memory_space<vmem>>, vector<16xf32>,
          %eq3A_220 = arith.cmpf oeq, %get3A_219, %gather3A_106 : vector<16xf32>
          %select_n3A_221 = arith.select %eq3A_220, %broadcast_in_dim3A_3, %broadcast_in_dim3A_5 : vector<16xi1>, vector<16xf32>
          %swap3A_222 = arith.index_cast %add3A_217 : i32 to index
          %swap3A_223 = tpu.vector_load %arg11[%swap3A_222] {strides = array<i32>} : memref<12800xf32, #tpu.memory_space<vmem>>, vector<16xf32>,
          tpu.vector_store %arg11[%swap3A_222], %select_n3A_221 {strides = array<i32>} : memref<12800xf32, #tpu.memory_space<vmem>>, vector<16xf32>,
          %add3A_224 = arith.constant 240 : i32
          %add3A_225 = arith.addi %mul3A_91, %add3A_224 : i32
          %get3A_226 = arith.index_cast %add3A_225 : i32 to index
          %get3A_227 = tpu.vector_load %arg7[%get3A_226] {strides = array<i32>} : memref<12800xf32, #tpu.memory_space<vmem>>, vector<16xf32>,
          %eq3A_228 = arith.cmpf oeq, %get3A_227, %gather3A_106 : vector<16xf32>
          %select_n3A_229 = arith.select %eq3A_228, %broadcast_in_dim3A_3, %broadcast_in_dim3A_5 : vector<16xi1>, vector<16xf32>
          %swap3A_230 = arith.index_cast %add3A_225 : i32 to index
          %swap3A_231 = tpu.vector_load %arg11[%swap3A_230] {strides = array<i32>} : memref<12800xf32, #tpu.memory_space<vmem>>, vector<16xf32>,
          tpu.vector_store %arg11[%swap3A_230], %select_n3A_229 {strides = array<i32>} : memref<12800xf32, #tpu.memory_space<vmem>>, vector<16xf32>,
        } else {
          %broadcast_in_dim3A_106 = vector.broadcast %squeeze3A : i32 to vector<16xi32>
          %ne3A = arith.cmpi ne, %gather3A_100, %broadcast_in_dim3A_106 : vector<16xi32>
          %all_reduce_ffs3A = tpu.all_reduce %ne3A {dim = 0 : i64, kind = #tpu.reduction_kind<find_first_set>} : vector<16xi1> -> vector<16xi32>
          %slice3A_107 = vector.extract_strided_slice %all_reduce_ffs3A {offsets = [0], sizes = [1], strides = [1]} : vector<16xi32> to vector<1xi32>
          %squeeze3A_108 = vector.extract %slice3A_107[0] : i32 from vector<1xi32>
          %rev3A = arith.constant 15 : i32
          %rev3A_109 = vector.broadcast %rev3A : i32 to vector<16xi32>
          %rev3A_110 = tpu.iota {dimensions = array<i32: 0>} : vector<16xi32>
          %rev3A_111 = arith.subi %rev3A_109, %rev3A_110 : vector<16xi32>
          %rev3A_112 = tpu.dynamic_gather %gather3A[%rev3A_111] in [0] : vector<16xi32>, vector<16xi32> -> vector<16xi32>
          %broadcast_in_dim3A_113 = vector.broadcast %squeeze3A_102 : i32 to vector<16xi32>
          %ne3A_114 = arith.cmpi ne, %rev3A_112, %broadcast_in_dim3A_113 : vector<16xi32>
          %all_reduce_ffs3A_115 = tpu.all_reduce %ne3A_114 {dim = 0 : i64, kind = #tpu.reduction_kind<find_first_set>} : vector<16xi1> -> vector<16xi32>
          %slice3A_116 = vector.extract_strided_slice %all_reduce_ffs3A_115 {offsets = [0], sizes = [1], strides = [1]} : vector<16xi32> to vector<1xi32>
          %squeeze3A_117 = vector.extract %slice3A_116[0] : i32 from vector<1xi32>
          %sub3A = arith.constant 15 : i32
          %sub3A_118 = arith.subi %sub3A, %squeeze3A_117 : i32
          %broadcast_in_dim3A_119 = vector.broadcast %squeeze3A : i32 to vector<16xi32>
          %gather3A_120 = tpu.vector_load_idx %arg12[%broadcast_in_dim3A_119] : memref<16384xf32, #tpu.memory_space<vmem>>[vector<16xi32>], vector<16xf32>,
          %while3A = arith.constant 0 : i32
          %while3A_121 = arith.constant 0 : i32
          %while3A_122 = arith.subi %squeeze3A_108, %while3A_121 : i32
          %while3A_123 = arith.addi %while3A_121, %while3A_122 : i32
          %while3A_124 = arith.constant 1 : i32
          %while3A_125 = arith.divsi %while3A_122, %while3A_124 : i32
          %while3A_126 = arith.muli %while3A_125, %while3A_124 : i32
          %while3A_127 = arith.addi %while3A_121, %while3A_126 : i32
          %while3A_128 = arith.constant 1 : i32
          scf.for %while3A_155 = %while3A_121 to %while3A_127 step %while3A_128  : i32 {
            %mul3A_156 = arith.constant 16 : i32
            %mul3A_157 = arith.muli %while3A_155, %mul3A_156 : i32
            %add3A_158 = arith.addi %mul3A_91, %mul3A_157 : i32
            %get3A = arith.index_cast %add3A_158 : i32 to index
            %get3A_159 = tpu.vector_load %arg7[%get3A] {strides = array<i32>} : memref<12800xf32, #tpu.memory_space<vmem>>, vector<16xf32>,
            %eq3A_160 = arith.cmpf oeq, %get3A_159, %gather3A_120 : vector<16xf32>
            %select_n3A = arith.select %eq3A_160, %broadcast_in_dim3A_3, %broadcast_in_dim3A_5 : vector<16xi1>, vector<16xf32>
            %swap3A = arith.index_cast %add3A_158 : i32 to index
            %swap3A_161 = tpu.vector_load %arg11[%swap3A] {strides = array<i32>} : memref<12800xf32, #tpu.memory_space<vmem>>, vector<16xf32>,
            tpu.vector_store %arg11[%swap3A], %select_n3A {strides = array<i32>} : memref<12800xf32, #tpu.memory_space<vmem>>, vector<16xf32>,
          }
          %while3A_129 = arith.constant 1 : i32
          scf.for %while3A_155 = %while3A_127 to %while3A_123 step %while3A_129  : i32 {
            %mul3A_156 = arith.constant 16 : i32
            %mul3A_157 = arith.muli %while3A_155, %mul3A_156 : i32
            %add3A_158 = arith.addi %mul3A_91, %mul3A_157 : i32
            %get3A = arith.index_cast %add3A_158 : i32 to index
            %get3A_159 = tpu.vector_load %arg7[%get3A] {strides = array<i32>} : memref<12800xf32, #tpu.memory_space<vmem>>, vector<16xf32>,
            %eq3A_160 = arith.cmpf oeq, %get3A_159, %gather3A_120 : vector<16xf32>
            %select_n3A = arith.select %eq3A_160, %broadcast_in_dim3A_3, %broadcast_in_dim3A_5 : vector<16xi1>, vector<16xf32>
            %swap3A = arith.index_cast %add3A_158 : i32 to index
            %swap3A_161 = tpu.vector_load %arg11[%swap3A] {strides = array<i32>} : memref<12800xf32, #tpu.memory_space<vmem>>, vector<16xf32>,
            tpu.vector_store %arg11[%swap3A], %select_n3A {strides = array<i32>} : memref<12800xf32, #tpu.memory_space<vmem>>, vector<16xf32>,
          }
          %add3A_130 = arith.constant 1 : i32
          %add3A_131 = arith.addi %sub3A_118, %add3A_130 : i32
          %while3A_132 = arith.constant 0 : i32
          %while3A_133 = arith.subi %add3A_131, %squeeze3A_108 : i32
          %while3A_134 = arith.addi %squeeze3A_108, %while3A_133 : i32
          %while3A_135 = arith.constant 1 : i32
          %while3A_136 = arith.divsi %while3A_133, %while3A_135 : i32
          %while3A_137 = arith.muli %while3A_136, %while3A_135 : i32
          %while3A_138 = arith.addi %squeeze3A_108, %while3A_137 : i32
          %while3A_139 = arith.constant 1 : i32
          scf.for %while3A_155 = %squeeze3A_108 to %while3A_138 step %while3A_139  : i32 {
            %mul3A_156 = arith.constant 16 : i32
            %mul3A_157 = arith.muli %while3A_155, %mul3A_156 : i32
            %add3A_158 = arith.addi %mul3A_91, %mul3A_157 : i32
            %get3A = arith.index_cast %add3A_158 : i32 to index
            %get3A_159 = tpu.vector_load %arg9[%get3A] {strides = array<i32>} : memref<12800xi32, #tpu.memory_space<vmem>>, vector<16xi32>,
            %gather3A_160 = tpu.vector_load_idx %arg12[%get3A_159] : memref<16384xf32, #tpu.memory_space<vmem>>[vector<16xi32>], vector<16xf32>,
            %get3A_161 = arith.index_cast %add3A_158 : i32 to index
            %get3A_162 = tpu.vector_load %arg7[%get3A_161] {strides = array<i32>} : memref<12800xf32, #tpu.memory_space<vmem>>, vector<16xf32>,
            %eq3A_163 = arith.cmpf oeq, %get3A_162, %gather3A_160 : vector<16xf32>
            %select_n3A = arith.select %eq3A_163, %broadcast_in_dim3A_3, %broadcast_in_dim3A_5 : vector<16xi1>, vector<16xf32>
            %swap3A = arith.index_cast %add3A_158 : i32 to index
            %swap3A_164 = tpu.vector_load %arg11[%swap3A] {strides = array<i32>} : memref<12800xf32, #tpu.memory_space<vmem>>, vector<16xf32>,
            tpu.vector_store %arg11[%swap3A], %select_n3A {strides = array<i32>} : memref<12800xf32, #tpu.memory_space<vmem>>, vector<16xf32>,
          }
          %while3A_140 = arith.constant 1 : i32
          scf.for %while3A_155 = %while3A_138 to %while3A_134 step %while3A_140  : i32 {
            %mul3A_156 = arith.constant 16 : i32
            %mul3A_157 = arith.muli %while3A_155, %mul3A_156 : i32
            %add3A_158 = arith.addi %mul3A_91, %mul3A_157 : i32
            %get3A = arith.index_cast %add3A_158 : i32 to index
            %get3A_159 = tpu.vector_load %arg9[%get3A] {strides = array<i32>} : memref<12800xi32, #tpu.memory_space<vmem>>, vector<16xi32>,
            %gather3A_160 = tpu.vector_load_idx %arg12[%get3A_159] : memref<16384xf32, #tpu.memory_space<vmem>>[vector<16xi32>], vector<16xf32>,
            %get3A_161 = arith.index_cast %add3A_158 : i32 to index
            %get3A_162 = tpu.vector_load %arg7[%get3A_161] {strides = array<i32>} : memref<12800xf32, #tpu.memory_space<vmem>>, vector<16xf32>,
            %eq3A_163 = arith.cmpf oeq, %get3A_162, %gather3A_160 : vector<16xf32>
            %select_n3A = arith.select %eq3A_163, %broadcast_in_dim3A_3, %broadcast_in_dim3A_5 : vector<16xi1>, vector<16xf32>
            %swap3A = arith.index_cast %add3A_158 : i32 to index
            %swap3A_164 = tpu.vector_load %arg11[%swap3A] {strides = array<i32>} : memref<12800xf32, #tpu.memory_space<vmem>>, vector<16xf32>,
            tpu.vector_store %arg11[%swap3A], %select_n3A {strides = array<i32>} : memref<12800xf32, #tpu.memory_space<vmem>>, vector<16xf32>,
          }
          %add3A_141 = arith.constant 1 : i32
          %add3A_142 = arith.addi %sub3A_118, %add3A_141 : i32
          %broadcast_in_dim3A_143 = vector.broadcast %squeeze3A_102 : i32 to vector<16xi32>
          %gather3A_144 = tpu.vector_load_idx %arg12[%broadcast_in_dim3A_143] : memref<16384xf32, #tpu.memory_space<vmem>>[vector<16xi32>], vector<16xf32>,
          %while3A_145 = arith.constant 0 : i32
          %while3A_146 = arith.constant 16 : i32
          %while3A_147 = arith.subi %while3A_146, %add3A_142 : i32
          %while3A_148 = arith.addi %add3A_142, %while3A_147 : i32
          %while3A_149 = arith.constant 1 : i32
          %while3A_150 = arith.divsi %while3A_147, %while3A_149 : i32
          %while3A_151 = arith.muli %while3A_150, %while3A_149 : i32
          %while3A_152 = arith.addi %add3A_142, %while3A_151 : i32
          %while3A_153 = arith.constant 1 : i32
          scf.for %while3A_155 = %add3A_142 to %while3A_152 step %while3A_153  : i32 {
            %mul3A_156 = arith.constant 16 : i32
            %mul3A_157 = arith.muli %while3A_155, %mul3A_156 : i32
            %add3A_158 = arith.addi %mul3A_91, %mul3A_157 : i32
            %get3A = arith.index_cast %add3A_158 : i32 to index
            %get3A_159 = tpu.vector_load %arg7[%get3A] {strides = array<i32>} : memref<12800xf32, #tpu.memory_space<vmem>>, vector<16xf32>,
            %eq3A_160 = arith.cmpf oeq, %get3A_159, %gather3A_144 : vector<16xf32>
            %select_n3A = arith.select %eq3A_160, %broadcast_in_dim3A_3, %broadcast_in_dim3A_5 : vector<16xi1>, vector<16xf32>
            %swap3A = arith.index_cast %add3A_158 : i32 to index
            %swap3A_161 = tpu.vector_load %arg11[%swap3A] {strides = array<i32>} : memref<12800xf32, #tpu.memory_space<vmem>>, vector<16xf32>,
            tpu.vector_store %arg11[%swap3A], %select_n3A {strides = array<i32>} : memref<12800xf32, #tpu.memory_space<vmem>>, vector<16xf32>,
          }
          %while3A_154 = arith.constant 1 : i32
          scf.for %while3A_155 = %while3A_152 to %while3A_148 step %while3A_154  : i32 {
            %mul3A_156 = arith.constant 16 : i32
            %mul3A_157 = arith.muli %while3A_155, %mul3A_156 : i32
            %add3A_158 = arith.addi %mul3A_91, %mul3A_157 : i32
            %get3A = arith.index_cast %add3A_158 : i32 to index
            %get3A_159 = tpu.vector_load %arg7[%get3A] {strides = array<i32>} : memref<12800xf32, #tpu.memory_space<vmem>>, vector<16xf32>,
            %eq3A_160 = arith.cmpf oeq, %get3A_159, %gather3A_144 : vector<16xf32>
            %select_n3A = arith.select %eq3A_160, %broadcast_in_dim3A_3, %broadcast_in_dim3A_5 : vector<16xi1>, vector<16xf32>
            %swap3A = arith.index_cast %add3A_158 : i32 to index
            %swap3A_161 = tpu.vector_load %arg11[%swap3A] {strides = array<i32>} : memref<12800xf32, #tpu.memory_space<vmem>>, vector<16xf32>,
            tpu.vector_store %arg11[%swap3A], %select_n3A {strides = array<i32>} : memref<12800xf32, #tpu.memory_space<vmem>>, vector<16xf32>,
          }
        }
      }
      %scan3A_83 = arith.constant 50 : i32
      %mul3A_84 = arith.constant 12800 : i32
      %mul3A_85 = arith.muli %add3A_57, %mul3A_84 : i32
      %add3A_86 = arith.addi %mul3A_2, %mul3A_85 : i32
      %dma_start3A_87 = tpu.memref_slice %arg5[%add3A_86] : memref<16384000xf32, #tpu.memory_space<hbm>> -> memref<12800xf32, #tpu.memory_space<hbm>>
      %dma_start3A_88 = tpu.memref_slice %arg5[%add3A_86] : memref<16384000xf32, #tpu.memory_space<hbm>> -> memref<12800xf32, #tpu.memory_space<hbm>>
      tpu.enqueue_dma source(%arg11 : memref<12800xf32, #tpu.memory_space<vmem>>) target(%dma_start3A_88 : memref<12800xf32, #tpu.memory_space<hbm>>) target_semaphore(%arg18 : memref<!tpu.dma_semaphore, #tpu.memory_space<semaphore_mem>>)
    }
    %scan3A_15 = arith.constant 20 : i32
    %add3A_16 = arith.constant 486400 : i32
    %add3A_17 = arith.addi %mul3A_2, %add3A_16 : i32
    %dma_wait3A = tpu.memref_slice %arg5[%add3A_17] : memref<16384000xf32, #tpu.memory_space<hbm>> -> memref<12800xf32, #tpu.memory_space<hbm>>
    %dma_wait3A_18 = tpu.memref_slice %arg5[%add3A_17] : memref<16384000xf32, #tpu.memory_space<hbm>> -> memref<12800xf32, #tpu.memory_space<hbm>>
    tpu.wait_dma2 semaphore(%arg17 : memref<!tpu.dma_semaphore, #tpu.memory_space<semaphore_mem>>) src(%arg10 : memref<12800xf32, #tpu.memory_space<vmem>>) dst(%dma_wait3A_18 : memref<12800xf32, #tpu.memory_space<hbm>>)
    %add3A_19 = arith.constant 499200 : i32
    %add3A_20 = arith.addi %mul3A_2, %add3A_19 : i32
    %dma_wait3A_21 = tpu.memref_slice %arg5[%add3A_20] : memref<16384000xf32, #tpu.memory_space<hbm>> -> memref<12800xf32, #tpu.memory_space<hbm>>
    %dma_wait3A_22 = tpu.memref_slice %arg5[%add3A_20] : memref<16384000xf32, #tpu.memory_space<hbm>> -> memref<12800xf32, #tpu.memory_space<hbm>>
    tpu.wait_dma2 semaphore(%arg18 : memref<!tpu.dma_semaphore, #tpu.memory_space<semaphore_mem>>) src(%arg11 : memref<12800xf32, #tpu.memory_space<vmem>>) dst(%dma_wait3A_22 : memref<12800xf32, #tpu.memory_space<hbm>>)
    return
  }
}

</mosaic_0001>

<sc_bundles>
// kernel: kernel.10.cloned.1.call-start
scs
__scs_entry_jumppad:
0x0: {  	(pc) =	sbr.rel $0x88, $3  }
0x1: {  	(tag) =	ssettag $0x0;
	lr =	simm.s32 $0x1  }
0x2: {  	[smem:$0x3F9F] =	sst lr;
	_ =	strace $0xD0000000  }
0x3: {  	_ = 	snop  }
0x4: {  	_ = 	snop  }
0x5: {  	_ = 	snop  }
0x6: {  	_ = 	snop  }
0x7: {  	_ = 	snop  }
__scs_overlays_trampoline_lowered:
0x8: {  	[smem:$0x3FAE] =	sst s0  }
0x9: {  	[smem:$0x3FAF] =	sst s1  }
0xa: {  	[smem:$0x3FB0] =	sst s2  }
0xb: {  	[smem:$0x3FB1] =	sst s3  }
0xc: {  	[smem:$0x3FB2] =	sst s4  }
0xd: {  	[smem:$0x3FB3] =	sst s5  }
0xe: {  	[smem:$0x3FB4] =	sst s6  }
0xf: {  	[smem:$0x3FB5] =	sst s7  }
0x10: {  	[smem:$0x3FB6] =	sst s8  }
0x11: {  	[smem:$0x3FB7] =	sst s9;
	s0 =	simm.s32 @!p0 $0x0  }
0x12: {  	s1 =	sld [smem:$0x3F9D];
	s0 =	simm.s32 @p0 $0x1  }
0x13: {  	[smem:$0x3FB8] =	sst s0;
	s0 =	simm.s32 @!p1 $0x0  }
0x14: {  	s2 =	sld [smem:$0x3F9C];
	s0 =	simm.s32 @p1 $0x1  }
0x15: {  	[smem:$0x3FB9] =	sst s0;
	s0 =	simm.s32 @!p2 $0x0  }
0x16: {  	s3 =	sld [smem:$0x3FDB];
	s0 =	simm.s32 @p2 $0x1  }
0x17: {  	s4 =	simm.s32 $0x1BF5;
	[smem:$0x3FBB] =	sst s0  }
0x18: {  	s0 =	sld [smem:$0x3F9E];
	_ =	swait.ge [sflag:s4], $0x0  }
0x19: {  	s7 =	sld [smem:$0x3F9F]  }
0x1a: {  	s8 =	sadd.s32 $0xFFFFE003, lr  }
0x1b: {  	s9 =	sadd.s32 $0xFFFFFEF7, lr;
	s5 =	simm.s32 $0xFFFFFFFF;
	p2 =	slt.u32 s8, $0xFFFFF086  }
0x1c: {  	p1 =	slt.u32 s9, $0xF7A;
	s5 =	simm.s32 @!p2 $0x0  }
0x1d: {  	s5 =	simm.s32 @p1 $0x1;
	p0 =	seq.s32 s7, s2  }
0x1e: {  	s7 =	smul.u32 @!p0 $0xF7A, s2;
	p2 =	seq.s32 @!p0 s5, $0x0  }
0x1f: {  	s9 =	smul.u32 $0xF7A, s1;
	s8 =	simm.s32 @!p0 $0x1BF5;
	p2 =	por !p2, p0  }
0x20: {  	[sflag:s8] =	ssyncset.s32 @!p0 $0xFFFFF086;
	s6 =	sadd.s32 @!p0 s3, s7;
	s7 =	simm.s32 @!p0 $0x108  }
0x21: {  	s3 =	sadd.s32 s3, s9;
	s6 =	sadd.s32 @!p0 $0x88, s6;
	s7 =	simm.s32 @p2 $0x1082  }
0x22: {  	[simem:s7], [sflag:s8] =	dma.local @!p0 [hbm:s6], $0xF7A  }
0x23: {  	s9 =	sor.u32 $0xD0000000, s2;
	s6 =	simm.s32 $0x108;
	_ =	swait.ge @!p0 [sflag:s8], $0x0  }
0x24: {  	s3 =	sadd.s32 $0x88, s3;
	s6 =	simm.s32 @!p1 $0x1082;
	[sflag:s4] =	ssyncset.s32 $0xFFFFF086  }
0x25: {  	[simem:s6], [sflag:s4] =	dma.local [hbm:s3], $0xF7A  }
0x26: {  	[smem:$0x3F9F] =	sst s1;
	(tag) =	ssettag s2;
	_ =	strace s9  }
0x27: {  	s1 =	sld [smem:$0x3FAF]  }
0x28: {  	s2 =	sld [smem:$0x3FB0]  }
0x29: {  	s4 =	sld [smem:$0x3FB2]  }
0x2a: {  	p0 =	seq.s32 s5, $0x0;
	s5 =	sld [smem:$0x3FB3]  }
0x2b: {  	s6 =	sld [smem:$0x3FB4]  }
0x2c: {  	s7 =	sld [smem:$0x3FB5]  }
0x2d: {  	s3 =	simm.s32 $0x108;
	s8 =	sld [smem:$0x3FB6]  }
0x2e: {  	s3 =	simm.s32 @!p0 $0x1082;
	s9 =	sld [smem:$0x3FB7]  }
0x2f: {  	lr =	sadd.s32 s0, s3;
	s0 =	sld [smem:$0x3FAE]  }
0x30: {  	s3 =	sld [smem:$0x3FB1]  }
0x31: {  	[smem:$0x3FBA] =	sst s10  }
0x32: {  	s10 =	sld [smem:$0x3FB8];
	_ =	sdelay $0x3  }
0x33: {  	p0 =	seq.s32 s10, $0x1;
	s10 =	sld [smem:$0x3FBA];
	_ =	sdelay $0x3  }
0x34: {  	[smem:$0x3FBA] =	sst s10  }
0x35: {  	s10 =	sld [smem:$0x3FB9];
	_ =	sdelay $0x3  }
0x36: {  	p1 =	seq.s32 s10, $0x1;
	s10 =	sld [smem:$0x3FBA];
	_ =	sdelay $0x3  }
0x37: {  	[smem:$0x3FBA] =	sst s10  }
0x38: {  	s10 =	sld [smem:$0x3FBB]  }
0x39: {  	_ = 	snop;
	(pc) =	sbr.ind lr, $3  }
0x3a: {  	_ = 	snop  }
0x3b: {  	_ = 	snop  }
0x3c: {  	p2 =	seq.s32 s10, $0x1;
	s10 =	sld [smem:$0x3FBA]  }
0x3d: {  	_ =	shalt  }
0x3e: {  	_ =	shalt  }
0x3f: {  	_ =	shalt  }
0x40: {  	_ =	shalt  }
0x41: {  	_ =	shalt  }
0x42: {  	_ =	shalt  }
0x43: {  	_ =	shalt  }
0x44: {  	_ =	shalt  }
0x45: {  	_ =	shalt  }
0x46: {  	_ =	shalt  }
0x47: {  	_ =	shalt  }
0x48: {  	_ =	shalt  }
0x49: {  	_ =	shalt  }
0x4a: {  	_ =	shalt  }
0x4b: {  	_ =	shalt  }
0x4c: {  	_ =	shalt  }
0x4d: {  	_ =	shalt  }
0x4e: {  	_ =	shalt  }
0x4f: {  	_ =	shalt  }
0x50: {  	_ =	shalt  }
0x51: {  	_ =	shalt  }
0x52: {  	_ =	shalt  }
0x53: {  	_ =	shalt  }
0x54: {  	_ =	shalt  }
0x55: {  	_ =	shalt  }
0x56: {  	_ =	shalt  }
0x57: {  	_ =	shalt  }
0x58: {  	_ =	shalt  }
0x59: {  	_ =	shalt  }
0x5a: {  	_ =	shalt  }
0x5b: {  	_ =	shalt  }
0x5c: {  	_ =	shalt  }
0x5d: {  	_ =	shalt  }
0x5e: {  	_ =	shalt  }
0x5f: {  	_ =	shalt  }
0x60: {  	_ =	shalt  }
0x61: {  	_ =	shalt  }
0x62: {  	_ =	shalt  }
0x63: {  	_ =	shalt  }
0x64: {  	_ =	shalt  }
0x65: {  	_ =	shalt  }
0x66: {  	_ =	shalt  }
0x67: {  	_ =	shalt  }
0x68: {  	_ =	shalt  }
0x69: {  	_ =	shalt  }
0x6a: {  	_ =	shalt  }
0x6b: {  	_ =	shalt  }
0x6c: {  	_ =	shalt  }
0x6d: {  	_ =	shalt  }
0x6e: {  	_ =	shalt  }
0x6f: {  	_ =	shalt  }
0x70: {  	_ =	shalt  }
0x71: {  	_ =	shalt  }
0x72: {  	_ =	shalt  }
0x73: {  	_ =	shalt  }
0x74: {  	_ =	shalt  }
0x75: {  	_ =	shalt  }
0x76: {  	_ =	shalt  }
0x77: {  	_ =	shalt  }
0x78: {  	_ =	shalt  }
0x79: {  	_ =	shalt  }
0x7a: {  	_ =	shalt  }
0x7b: {  	_ =	shalt  }
0x7c: {  	_ =	shalt  }
0x7d: {  	_ =	shalt  }
0x7e: {  	_ =	shalt  }
0x7f: {  	_ =	shalt  }
0x80: {  	_ =	shalt  }
0x81: {  	_ =	shalt  }
0x82: {  	_ =	shalt  }
0x83: {  	_ =	shalt  }
0x84: {  	_ =	shalt  }
0x85: {  	_ =	shalt  }
0x86: {  	_ =	shalt  }
0x87: {  	_ =	shalt  }
.Lfunc_end0:
.L_simem_size_0:
called_computation.1_lowered:
.L_overlay_start_0:
0x88: {  	s2 =	sld [smem:$0x3FD9]  }
0x89: {  	s3 =	sld [smem:$0x3FFE];
	_ =	sdelay $0x1  }
0x8a: {  	s1 =	srdreg.scid  }
0x8b: {  	s0 =	sand.u32 $0x1, s1  }
0x8c: {  	s17 =	sshll.u32 s0, $0xA;
	s2 =	sadd.s32 s3, s2  }
0x8d: {  	s2 =	sadd.s32 s2, s17  }
0x8e: {  	[smem:$0x3FC6] =	sst s2  }
0x8f: {  	_ = 	snop  }
0x90: {  	s2 =	sld [smem:$0x3FD0];
	(tm) =	ssettm $0x1  }
0x91: {  	s18 =	sld [smem:$0x3FFB];
	_ =	sdelay $0x3  }
0x92: {  	_ =	strace s18  }
0x93: {  	s3 =	sld [smem:$0x3FFC];
	_ =	sdelay $0x3  }
0x94: {  	_ =	strace s3  }
0x95: {  	s3 =	sld [smem:$0x3FFD];
	_ =	sdelay $0x3  }
0x96: {  	_ =	strace s3  }
0x97: {  	_ =	strace $0x8FFFFFFF  }
0x98: {  	s19 =	sld [smem:$0x3FDB];
	_ =	sdelay $0x1  }
0x99: {  	s4 =	simm.s32 $_scs_section_size  }
0x9a: {  	s5 =	simm.s32 $_size__tile_overlayer_lowered;
	s6 =	simm.s32 $_tile_overlayer_lowered  }
0x9b: {  	s22 =	simm.s32 $0x1BFF;
	s21 =	sshll.u32 s6, $0x1;
	s3 =	sadd.s32 s4, s19  }
0x9c: {  	s7 =	simm.s32 $0x0;
	s20 =	sshll.u32 s5, $0x1;
	s5 =	sadd.s32 s21, s3  }
0x9d: {  	[timem:s7], [sflag:s22] =	dma.local [hbm:s5], s20  }
0x9e: {  	_ =	swait.ge [sflag:s22], s20  }
0x9f: {  	s4 =	ssub.s32 $0x0, s20;
	[sflag:s22] =	ssyncset.done $0x0  }
0xa0: {  	[sflag:s22] =	ssyncadd.s32 s4;
	_ =	sdelay $0x1  }
0xa1: {  	s23 =	simm.s32 $0x1B8B  }
0xa2: {  	_ =	swait.ge [sflag:s23], $0x1  }
0xa3: {  	[sflag:s23] =	ssyncset.done $0x0  }
0xa4: {  	s25 =	simm.s32 $0x1B8E;
	s24 =	sld [smem:$0x3FFE];
	[sflag:s23] =	ssyncadd.s32 $0xFFFFFFFF  }
0xa5: {  	s26 =	simm.s32 $execute0_lowered;
	[smem:$0x3FD2] =	sst s25  }
0xa6: {  	s5 =	sshll.u32 s26, $0x1;
	_ =	strace $0x80000049;
	[dreg:$0x1] =	wrdreg $0xFFFFFFFF  }
0xa7: {  	s28 =	simm.s32 $_size_execute0_lowered;
	s3 =	sadd.s32 s3, s5;
	[dreg:$0x0] =	wrdreg $0x0  }
0xa8: {  	s5 =	sshll.u32 s28, $0x1;
	[dreg:$0x2] =	wrdreg s3  }
0xa9: {  	[dreg:$0x3] =	wrdreg s5  }
0xaa: {  	[dreg:$0x4] =	wrdreg $0xC0  }
0xab: {  	_ =	task [dreg:s7], $0x5FFFF  }
0xac: {  	[dreg:$0x1] =	wrdreg $0xFFFFFFFF  }
0xad: {  	[dreg:$0x0] =	wrdreg $0x60  }
0xae: {  	[dreg:$0x2] =	wrdreg s2  }
0xaf: {  	[dreg:$0x3] =	wrdreg s24  }
0xb0: {  	[dreg:$0x4] =	wrdreg $0x9  }
0xb1: {  	_ =	task.clear_ibuf [dreg:s7], $0x5FFFF;
	_ =	strace $0x90000049  }
0xb2: {  	s29 =	simm.s32 $0x9;
	_ =	strace $0x8000004B  }
0xb3: {  	_ =	swait.ge [sflag:s29], $0x1  }
0xb4: {  	[sflag:s29] =	ssyncadd.s32 $0xFFFFFFFF  }
0xb5: {  	_ =	strace $0x9000004B  }
0xb6: {  	_ =	sfence  }
0xb7: {  	s30 =	sld [smem:$0x0];
	_ =	sdelay $0x2  }
0xb8: {  	s31 =	sshll.u32 s1, $0xD;
	s1 =	sshrl.u32 s1, $0x2  }
0xb9: {  	s3 =	sand.u32 $0x4000, s31;
	s1 =	sadd.s32 s1, s30  }
0xba: {  	s0 =	sor.u32 s3, s0;
	s1 =	sshll.u32 s1, $0x11  }
0xbb: {  	s0 =	sor.u32 s1, s0  }
0xbc: {  	s0 =	sadd.s32 $0x8F2B, s0  }
0xbd: {  	[sflag:s0] =	ssyncadd.remote.s32 $0x1  }
0xbe: {  	_ =	sfence.sel $0xFFFF  }
0xbf: {  	[dreg:$0x0] =	wrdreg $0xFFFFFFFF;
	(pc) =	sbr.abs _section_cstart, $3  }
0xc0: {  	[dreg:$0x1] =	wrdreg $0xFFFFFFFF  }
0xc1: {  	_ =	task.clear_ibuf [dreg:s7], $0x2FFFF;
	_ =	strace $0x9FFFFFFF  }
0xc2: {  	(tm) =	ssettm $0x7FFFFFFF  }
0xc3: {  	_ =	shalt  }
tec
execute0_lowered:
.L_overlay_start_1:
0x0: {  	(tag) =	ssettag $0x1  }
0x1: {  	s1 =	srdreg.scid;
	s2 =	rddreg [dreg:$0x0]  }
0x2: {  	s0 =	stileid.u32;
	s5 =	rddreg [dreg:$0x1]  }
0x3: {  	s9 =	simm.s32 $0x0;
	s4 =	sand.u32 $0x1, s1;
	s6 =	sshll.u32 s0, $0x9  }
0x4: {  	s1 =	rddreg [dreg:$0x2];
	s3 =	sshll.u32 s4, $0xD;
	s31 =	ssub.s32 $0x2, s4  }
0x5: {  	s4 =	simm.s32 $0x0;
	s3 =	sor.u32 s6, s3;
	s8 =	sshrl.u32 s31, $0x1  }
0x6: {  	[smem:$0x7FF] =	sst s4;
	s7 =	sshrl.u32 s3, $0x3;
	s6 =	ssub.s32 s31, s8  }
0x7: {  	_ =	strace $0x8000004A;
	s8 =	simm.s32 $0x200;
	s5 =	sadd.s32 s7, s5  }
0x8: {  	v0 =	vimm.f32 $-Inf;
	s6 =	smax.u32 s6, $0x1;
	s7 =	simm.s32 $0x1;
	s5 =	sadd.s32 $0x1F4C00, s5  }
.LBB2_1:
0x9: {  	[tilespmem:$0x200] =	vst v0  }
0xa: {  	[tilespmem:$0x210] =	vst v0  }
0xb: {  	[tilespmem:$0x220] =	vst v0  }
0xc: {  	[tilespmem:$0x230] =	vst v0  }
0xd: {  	[tilespmem:$0x240] =	vst v0  }
0xe: {  	[tilespmem:$0x250] =	vst v0  }
0xf: {  	[tilespmem:$0x260] =	vst v0  }
0x10: {  	[tilespmem:$0x270] =	vst v0  }
0x11: {  	[tilespmem:$0x280] =	vst v0  }
0x12: {  	[tilespmem:$0x290] =	vst v0  }
0x13: {  	[tilespmem:$0x2A0] =	vst v0  }
0x14: {  	[tilespmem:$0x2B0] =	vst v0  }
0x15: {  	[tilespmem:$0x2C0] =	vst v0  }
0x16: {  	[tilespmem:$0x2D0] =	vst v0  }
0x17: {  	[tilespmem:$0x2E0] =	vst v0  }
0x18: {  	[tilespmem:$0x2F0] =	vst v0  }
0x19: {  	[tilespmem:$0x300] =	vst v0  }
0x1a: {  	[tilespmem:$0x310] =	vst v0  }
0x1b: {  	[tilespmem:$0x320] =	vst v0  }
0x1c: {  	[tilespmem:$0x330] =	vst v0  }
0x1d: {  	[tilespmem:$0x340] =	vst v0  }
0x1e: {  	[tilespmem:$0x350] =	vst v0  }
0x1f: {  	[tilespmem:$0x360] =	vst v0  }
0x20: {  	[tilespmem:$0x370] =	vst v0  }
0x21: {  	[tilespmem:$0x380] =	vst v0  }
0x22: {  	[tilespmem:$0x390] =	vst v0  }
0x23: {  	[tilespmem:$0x3A0] =	vst v0  }
0x24: {  	[tilespmem:$0x3B0] =	vst v0  }
0x25: {  	[tilespmem:$0x3C0] =	vst v0  }
0x26: {  	[tilespmem:$0x3D0] =	vst v0  }
0x27: {  	[tilespmem:$0x3E0] =	vst v0  }
0x28: {  	[tilespmem:$0x3F0] =	vst v0;
	s10 =	simm.s32 $0x0  }
.LBB2_2:
0x29: {  	s11 =	sshll.u32 s10, $0xE  }
0x2a: {  	s11 =	sor.u32 s3, s11  }
0x2b: {  	s11 =	sshrl.u32 s11, $0x3  }
0x2c: {  	s12 =	simm.s32 $0x0;
	s11 =	sadd.s32 s2, s11  }
0x2d: {  	[tilespmem:s12], [sflag:$0x1] =	stream.linear.gather [hbm4b:s11+s12], $0x200, $0x38;
	[tilespmem:$0x400] =	vst v63  }
0x2e: {  	_ =	swait.ge [sflag:s7], $0x200  }
0x2f: {  	[sflag:s7] =	ssyncset.done $0x0  }
0x30: {  	s11 =	simm.s32 $0x0;
	[sflag:s7] =	ssyncadd.s32 $0xFFFFFE00  }
0x31: {  	s12 =	simm.s32 $0x40;
	v1 =	vld [tilespmem:s11+$0x0]  }
.LBB2_3:
0x32: {  	p0 =	sne.s32 s12, $0x7C0;
	v2 =	vld [tilespmem:s11+$0x200];
	_ =	sdelay $0x1  }
.Ltmp0:
0x33: {  	(pc) =	sbr.rel @p0 .LBB2_3-.Ltmp0, $3  }
0x34: {  	_ =	sdelay $0x1  }
0x35: {  	s13 =	sshra.s32 s12, $0x2;
	v2 =	vmax.f32 v2, v1  }
0x36: {  	s12 =	sadd.s32 $0x40, s12;
	v1 =	vld [tilespmem:s13+$0x0];
	[tilespmem:s11+$0x200] =	vst v2;
	s11 =	smov.u32 s13  }
0x37: {  	v2 =	vld [tilespmem:s11+$0x200];
	s10 =	sadd.s32 $0x1, s10  }
0x38: {  	p0 =	sne.s32 s10, $0x20  }
.Ltmp1:
0x39: {  	_ = 	snop;
	(pc) =	sbr.rel @p0 .LBB2_2-.Ltmp1, $3  }
0x3a: {  	_ =	sdelay $0x1  }
0x3b: {  	v1 =	vmax.f32 v2, v1  }
0x3c: {  	[tilespmem:s11+$0x200] =	vst v1  }
0x3d: {  	s9 =	sadd.s32 $0x1, s9  }
0x3e: {  	p0 =	sne.s32 s9, s6  }
.Ltmp2:
0x3f: {  	_ = 	snop;
	(pc) =	sbr.rel @p0 .LBB2_1-.Ltmp2, $4  }
0x40: {  	[hbm4b:s5+s4] =	stream.linear.scatter [tilespmem:s8], [sflag:$0x1], $0x200, $0x38;
	[tilespmem:$0x400] =	vst v63  }
0x41: {  	_ =	swait.ge [sflag:s7], $0x200  }
0x42: {  	[sflag:s7] =	ssyncset.done $0x0  }
0x43: {  	[sflag:s7] =	ssyncadd.s32 $0xFFFFFE00  }
0x44: {  	_ =	sfence.sel $0x180000  }
0x45: {  	[bflag:$0x0] =	sbarrier.arrive $0xFFFF  }
0x46: {  	p0 =	sne.s32 s0, $0x0;
	_ =	strace $0x9000004A  }
0x47: {  	s0 =	sadd.s32 @!p0 $0x100000, s1;
	[bflag:$0x2] =	sbarrier.arrive $0xFFFF  }
0x48: {  	[sflag:s0] =	ssyncadd.tile.s32 @!p0 $0x1;
	_ =	shalt  }
.Lfunc_end2:
_tile_overlayer_lowered:
.L_overlay_start_2:
0x49: {  	(tag) =	ssettag $0x2  }
0x4a: {  	s0 =	rddreg [dreg:$0x0];
	s2 =	stileid.u32  }
0x4b: {  	s1 =	rddreg [dreg:$0x1];
	p0 =	sne.s32 s2, $0x0  }
0x4c: {  	s3 =	rddreg [dreg:$0x2];
	[bflag:$0x3] =	sbarrier.arrive $0xFFFF;
	s2 =	simm.s32 @!p0 $0x1C01  }
0x4d: {  	[timem:s3], [sflag:s2] =	dma.local @!p0 [hbm:s0], s1  }
0x4e: {  	s0 =	simm.s32 @!p0 $0x1  }
0x4f: {  	_ =	swait.ge @!p0 [sflag:s0], s1  }
0x50: {  	s1 =	ssub.s32 @!p0 $0x0, s1;
	[sflag:s0] =	ssyncset.done @!p0 $0x0  }
0x51: {  	[sflag:s0] =	ssyncadd.s32 @!p0 s1  }
0x52: {  	[bflag:$0x3] =	sbarrier.arrive $0xFFFF  }
0x53: {  	_ =	shalt  }

// kernel: kernel.13.cloned.1.call-start
scs
__scs_entry_jumppad:
0x0: {  	(pc) =	sbr.rel $0x88, $3  }
0x1: {  	(tag) =	ssettag $0x0;
	lr =	simm.s32 $0x1  }
0x2: {  	[smem:$0x3F9F] =	sst lr;
	_ =	strace $0xD0000000  }
0x3: {  	_ = 	snop  }
0x4: {  	_ = 	snop  }
0x5: {  	_ = 	snop  }
0x6: {  	_ = 	snop  }
0x7: {  	_ = 	snop  }
__scs_overlays_trampoline_lowered:
0x8: {  	[smem:$0x3FAE] =	sst s0  }
0x9: {  	[smem:$0x3FAF] =	sst s1  }
0xa: {  	[smem:$0x3FB0] =	sst s2  }
0xb: {  	[smem:$0x3FB1] =	sst s3  }
0xc: {  	[smem:$0x3FB2] =	sst s4  }
0xd: {  	[smem:$0x3FB3] =	sst s5  }
0xe: {  	[smem:$0x3FB4] =	sst s6  }
0xf: {  	[smem:$0x3FB5] =	sst s7  }
0x10: {  	[smem:$0x3FB6] =	sst s8  }
0x11: {  	[smem:$0x3FB7] =	sst s9;
	s0 =	simm.s32 @!p0 $0x0  }
0x12: {  	s1 =	sld [smem:$0x3F9D];
	s0 =	simm.s32 @p0 $0x1  }
0x13: {  	[smem:$0x3FB8] =	sst s0;
	s0 =	simm.s32 @!p1 $0x0  }
0x14: {  	s2 =	sld [smem:$0x3F9C];
	s0 =	simm.s32 @p1 $0x1  }
0x15: {  	[smem:$0x3FB9] =	sst s0;
	s0 =	simm.s32 @!p2 $0x0  }
0x16: {  	s3 =	sld [smem:$0x3FDB];
	s0 =	simm.s32 @p2 $0x1  }
0x17: {  	s4 =	simm.s32 $0x1BF5;
	[smem:$0x3FBB] =	sst s0  }
0x18: {  	s0 =	sld [smem:$0x3F9E];
	_ =	swait.ge [sflag:s4], $0x0  }
0x19: {  	s7 =	sld [smem:$0x3F9F]  }
0x1a: {  	s8 =	sadd.s32 $0xFFFFE003, lr  }
0x1b: {  	s9 =	sadd.s32 $0xFFFFFEF7, lr;
	s5 =	simm.s32 $0xFFFFFFFF;
	p2 =	slt.u32 s8, $0xFFFFF086  }
0x1c: {  	p1 =	slt.u32 s9, $0xF7A;
	s5 =	simm.s32 @!p2 $0x0  }
0x1d: {  	s5 =	simm.s32 @p1 $0x1;
	p0 =	seq.s32 s7, s2  }
0x1e: {  	s7 =	smul.u32 @!p0 $0xF7A, s2;
	p2 =	seq.s32 @!p0 s5, $0x0  }
0x1f: {  	s9 =	smul.u32 $0xF7A, s1;
	s8 =	simm.s32 @!p0 $0x1BF5;
	p2 =	por !p2, p0  }
0x20: {  	[sflag:s8] =	ssyncset.s32 @!p0 $0xFFFFF086;
	s6 =	sadd.s32 @!p0 s3, s7;
	s7 =	simm.s32 @!p0 $0x108  }
0x21: {  	s3 =	sadd.s32 s3, s9;
	s6 =	sadd.s32 @!p0 $0x88, s6;
	s7 =	simm.s32 @p2 $0x1082  }
0x22: {  	[simem:s7], [sflag:s8] =	dma.local @!p0 [hbm:s6], $0xF7A  }
0x23: {  	s9 =	sor.u32 $0xD0000000, s2;
	s6 =	simm.s32 $0x108;
	_ =	swait.ge @!p0 [sflag:s8], $0x0  }
0x24: {  	s3 =	sadd.s32 $0x88, s3;
	s6 =	simm.s32 @!p1 $0x1082;
	[sflag:s4] =	ssyncset.s32 $0xFFFFF086  }
0x25: {  	[simem:s6], [sflag:s4] =	dma.local [hbm:s3], $0xF7A  }
0x26: {  	[smem:$0x3F9F] =	sst s1;
	(tag) =	ssettag s2;
	_ =	strace s9  }
0x27: {  	s1 =	sld [smem:$0x3FAF]  }
0x28: {  	s2 =	sld [smem:$0x3FB0]  }
0x29: {  	s4 =	sld [smem:$0x3FB2]  }
0x2a: {  	p0 =	seq.s32 s5, $0x0;
	s5 =	sld [smem:$0x3FB3]  }
0x2b: {  	s6 =	sld [smem:$0x3FB4]  }
0x2c: {  	s7 =	sld [smem:$0x3FB5]  }
0x2d: {  	s3 =	simm.s32 $0x108;
	s8 =	sld [smem:$0x3FB6]  }
0x2e: {  	s3 =	simm.s32 @!p0 $0x1082;
	s9 =	sld [smem:$0x3FB7]  }
0x2f: {  	lr =	sadd.s32 s0, s3;
	s0 =	sld [smem:$0x3FAE]  }
0x30: {  	s3 =	sld [smem:$0x3FB1]  }
0x31: {  	[smem:$0x3FBA] =	sst s10  }
0x32: {  	s10 =	sld [smem:$0x3FB8];
	_ =	sdelay $0x3  }
0x33: {  	p0 =	seq.s32 s10, $0x1;
	s10 =	sld [smem:$0x3FBA];
	_ =	sdelay $0x3  }
0x34: {  	[smem:$0x3FBA] =	sst s10  }
0x35: {  	s10 =	sld [smem:$0x3FB9];
	_ =	sdelay $0x3  }
0x36: {  	p1 =	seq.s32 s10, $0x1;
	s10 =	sld [smem:$0x3FBA];
	_ =	sdelay $0x3  }
0x37: {  	[smem:$0x3FBA] =	sst s10  }
0x38: {  	s10 =	sld [smem:$0x3FBB]  }
0x39: {  	_ = 	snop;
	(pc) =	sbr.ind lr, $3  }
0x3a: {  	_ = 	snop  }
0x3b: {  	_ = 	snop  }
0x3c: {  	p2 =	seq.s32 s10, $0x1;
	s10 =	sld [smem:$0x3FBA]  }
0x3d: {  	_ =	shalt  }
0x3e: {  	_ =	shalt  }
0x3f: {  	_ =	shalt  }
0x40: {  	_ =	shalt  }
0x41: {  	_ =	shalt  }
0x42: {  	_ =	shalt  }
0x43: {  	_ =	shalt  }
0x44: {  	_ =	shalt  }
0x45: {  	_ =	shalt  }
0x46: {  	_ =	shalt  }
0x47: {  	_ =	shalt  }
0x48: {  	_ =	shalt  }
0x49: {  	_ =	shalt  }
0x4a: {  	_ =	shalt  }
0x4b: {  	_ =	shalt  }
0x4c: {  	_ =	shalt  }
0x4d: {  	_ =	shalt  }
0x4e: {  	_ =	shalt  }
0x4f: {  	_ =	shalt  }
0x50: {  	_ =	shalt  }
0x51: {  	_ =	shalt  }
0x52: {  	_ =	shalt  }
0x53: {  	_ =	shalt  }
0x54: {  	_ =	shalt  }
0x55: {  	_ =	shalt  }
0x56: {  	_ =	shalt  }
0x57: {  	_ =	shalt  }
0x58: {  	_ =	shalt  }
0x59: {  	_ =	shalt  }
0x5a: {  	_ =	shalt  }
0x5b: {  	_ =	shalt  }
0x5c: {  	_ =	shalt  }
0x5d: {  	_ =	shalt  }
0x5e: {  	_ =	shalt  }
0x5f: {  	_ =	shalt  }
0x60: {  	_ =	shalt  }
0x61: {  	_ =	shalt  }
0x62: {  	_ =	shalt  }
0x63: {  	_ =	shalt  }
0x64: {  	_ =	shalt  }
0x65: {  	_ =	shalt  }
0x66: {  	_ =	shalt  }
0x67: {  	_ =	shalt  }
0x68: {  	_ =	shalt  }
0x69: {  	_ =	shalt  }
0x6a: {  	_ =	shalt  }
0x6b: {  	_ =	shalt  }
0x6c: {  	_ =	shalt  }
0x6d: {  	_ =	shalt  }
0x6e: {  	_ =	shalt  }
0x6f: {  	_ =	shalt  }
0x70: {  	_ =	shalt  }
0x71: {  	_ =	shalt  }
0x72: {  	_ =	shalt  }
0x73: {  	_ =	shalt  }
0x74: {  	_ =	shalt  }
0x75: {  	_ =	shalt  }
0x76: {  	_ =	shalt  }
0x77: {  	_ =	shalt  }
0x78: {  	_ =	shalt  }
0x79: {  	_ =	shalt  }
0x7a: {  	_ =	shalt  }
0x7b: {  	_ =	shalt  }
0x7c: {  	_ =	shalt  }
0x7d: {  	_ =	shalt  }
0x7e: {  	_ =	shalt  }
0x7f: {  	_ =	shalt  }
0x80: {  	_ =	shalt  }
0x81: {  	_ =	shalt  }
0x82: {  	_ =	shalt  }
0x83: {  	_ =	shalt  }
0x84: {  	_ =	shalt  }
0x85: {  	_ =	shalt  }
0x86: {  	_ =	shalt  }
0x87: {  	_ =	shalt  }
.Lfunc_end0:
.L_simem_size_0:
called_computation.2_lowered:
.L_overlay_start_0:
0x88: {  	s2 =	sld [smem:$0x3FD9]  }
0x89: {  	s3 =	sld [smem:$0x3FFE];
	_ =	sdelay $0x1  }
0x8a: {  	s1 =	srdreg.scid  }
0x8b: {  	s0 =	sand.u32 $0x1, s1  }
0x8c: {  	s17 =	sshll.u32 s0, $0xA;
	s2 =	sadd.s32 s3, s2  }
0x8d: {  	s2 =	sadd.s32 s2, s17  }
0x8e: {  	[smem:$0x3FC6] =	sst s2  }
0x8f: {  	_ = 	snop  }
0x90: {  	s2 =	sld [smem:$0x3FC8]  }
0x91: {  	s18 =	sld [smem:$0x3FD0];
	(tm) =	ssettm $0x1  }
0x92: {  	s4 =	sld [smem:$0x3FFB];
	_ =	sdelay $0x3  }
0x93: {  	_ =	strace s4  }
0x94: {  	s4 =	sld [smem:$0x3FFC];
	_ =	sdelay $0x3  }
0x95: {  	_ =	strace s4  }
0x96: {  	s4 =	sld [smem:$0x3FFD];
	_ =	sdelay $0x3  }
0x97: {  	_ =	strace s4  }
0x98: {  	_ =	strace $0x8FFFFFFF  }
0x99: {  	s19 =	sld [smem:$0x3FDB];
	_ =	sdelay $0x1  }
0x9a: {  	s5 =	simm.s32 $_scs_section_size  }
0x9b: {  	s6 =	simm.s32 $_size__tile_overlayer_lowered;
	s7 =	simm.s32 $_tile_overlayer_lowered  }
0x9c: {  	s22 =	simm.s32 $0x1BFF;
	s21 =	sshll.u32 s7, $0x1;
	s4 =	sadd.s32 s5, s19  }
0x9d: {  	s8 =	simm.s32 $0x0;
	s20 =	sshll.u32 s6, $0x1;
	s6 =	sadd.s32 s21, s4  }
0x9e: {  	[timem:s8], [sflag:s22] =	dma.local [hbm:s6], s20  }
0x9f: {  	_ =	swait.ge [sflag:s22], s20  }
0xa0: {  	s5 =	ssub.s32 $0x0, s20;
	[sflag:s22] =	ssyncset.done $0x0  }
0xa1: {  	[sflag:s22] =	ssyncadd.s32 s5;
	_ =	sdelay $0x1  }
0xa2: {  	s23 =	simm.s32 $0x1B8B  }
0xa3: {  	_ =	swait.ge [sflag:s23], $0x1  }
0xa4: {  	[sflag:s23] =	ssyncset.done $0x0  }
0xa5: {  	s25 =	simm.s32 $0x1B8E;
	s24 =	sld [smem:$0x3FFE];
	[sflag:s23] =	ssyncadd.s32 $0xFFFFFFFF  }
0xa6: {  	s26 =	simm.s32 $execute0_lowered;
	[smem:$0x3FD2] =	sst s25  }
0xa7: {  	s6 =	sshll.u32 s26, $0x1;
	_ =	strace $0x8000004C;
	[dreg:$0x1] =	wrdreg $0xFFFFFFFF  }
0xa8: {  	s28 =	simm.s32 $_size_execute0_lowered;
	s4 =	sadd.s32 s4, s6;
	[dreg:$0x0] =	wrdreg $0x0  }
0xa9: {  	s6 =	sshll.u32 s28, $0x1;
	[dreg:$0x2] =	wrdreg s4  }
0xaa: {  	[dreg:$0x3] =	wrdreg s6  }
0xab: {  	[dreg:$0x4] =	wrdreg $0xC0  }
0xac: {  	_ =	task [dreg:s8], $0x5FFFF  }
0xad: {  	[dreg:$0x1] =	wrdreg $0xFFFFFFFF  }
0xae: {  	[dreg:$0x0] =	wrdreg $0x60  }
0xaf: {  	[dreg:$0x2] =	wrdreg s24  }
0xb0: {  	[dreg:$0x3] =	wrdreg s2  }
0xb1: {  	[dreg:$0x4] =	wrdreg s18  }
0xb2: {  	[dreg:$0x5] =	wrdreg $0x9  }
0xb3: {  	_ =	task.clear_ibuf [dreg:s8], $0x6FFFF;
	_ =	strace $0x9000004C  }
0xb4: {  	s29 =	simm.s32 $0x9;
	_ =	strace $0x8000004E  }
0xb5: {  	_ =	swait.ge [sflag:s29], $0x1  }
0xb6: {  	[sflag:s29] =	ssyncadd.s32 $0xFFFFFFFF  }
0xb7: {  	_ =	strace $0x9000004E  }
0xb8: {  	_ =	sfence  }
0xb9: {  	s30 =	sld [smem:$0x0];
	_ =	sdelay $0x2  }
0xba: {  	s31 =	sshll.u32 s1, $0xD;
	s1 =	sshrl.u32 s1, $0x2  }
0xbb: {  	s3 =	sand.u32 $0x4000, s31;
	s1 =	sadd.s32 s1, s30  }
0xbc: {  	s0 =	sor.u32 s3, s0;
	s1 =	sshll.u32 s1, $0x11  }
0xbd: {  	s0 =	sor.u32 s1, s0  }
0xbe: {  	s0 =	sadd.s32 $0x8F2B, s0  }
0xbf: {  	[sflag:s0] =	ssyncadd.remote.s32 $0x1  }
0xc0: {  	_ =	sfence.sel $0xFFFF  }
0xc1: {  	[dreg:$0x0] =	wrdreg $0xFFFFFFFF;
	(pc) =	sbr.abs _section_cstart, $3  }
0xc2: {  	[dreg:$0x1] =	wrdreg $0xFFFFFFFF  }
0xc3: {  	_ =	task.clear_ibuf [dreg:s8], $0x2FFFF;
	_ =	strace $0x9FFFFFFF  }
0xc4: {  	(tm) =	ssettm $0x7FFFFFFF  }
0xc5: {  	_ =	shalt  }
tec
execute0_lowered:
.L_overlay_start_1:
0x0: {  	(tag) =	ssettag $0x1  }
0x1: {  	s0 =	rddreg [dreg:$0x0]  }
0x2: {  	s1 =	srdreg.scid;
	s2 =	rddreg [dreg:$0x1]  }
0x3: {  	s3 =	rddreg [dreg:$0x2];
	s6 =	stileid.u32;
	s4 =	simm.s32 $0x0  }
0x4: {  	s13 =	simm.s32 $0x12C00;
	s15 =	simm.s32 $0x6400;
	s16 =	simm.s32 $0x3200  }
0x5: {  	s17 =	simm.s32 $0x9600;
	s18 =	simm.s32 $0x1;
	s19 =	simm.s32 $0x3  }
0x6: {  	s20 =	simm.s32 $0xC800;
	s21 =	simm.s32 $0x2;
	s1 =	sand.u32 $0x1, s1  }
0x7: {  	s22 =	simm.s32 $0x4;
	[smem:$0x7FF] =	sst s4;
	s5 =	sshll.u32 s1, $0x4  }
0x8: {  	_ =	strace $0x8000004D;
	s1 =	ssub.s32 $0x2, s1;
	s5 =	sor.u32 s6, s5  }
0x9: {  	s6 =	sadd.s32 $0xC00, s0;
	s7 =	sshrl.u32 s1, $0x1;
	s5 =	smul.u32 $0x7D000, s5  }
.Ltmp0:
0xa: {  	v1 =	vlaneseq.u32;
	s0 =	sadd.s32 $0x1F4C00, s0;
	s29 =	ssub.s32 s1, s7;
	(pc) =	sbr.rel .LBB2_1-.Ltmp0, $4  }
0xb: {  	v0 =	vand.u32 $0x7, v1;
	[dreg:$0x4] =	wrdreg s0;
	s0 =	smax.u32 s29, $0x1;
	s8 =	sshrl.u32 s5, $0x3  }
0xc: {  	s23 =	simm.s32 $0xFA00;
	v4 =	vmul.u32 $0xFFFFFFFF, v1;
	v2 =	vmul.u32 $0x10, v0;
	v0 =	vmul.u32 $0x10, v1;
	[dreg:$0x7] =	wrdreg s0;
	s30 =	sadd.s32 s6, s8  }
0xd: {  	v3 =	vimm.f32 $0.0e+00;
	s7 =	simm.s32 $0x0;
	s31 =	sadd.s32 s2, s8;
	[dreg:$0x5] =	wrdreg s30  }
0xe: {  	v4 =	vadd.s32 $0xF, v4;
	v1 =	vor.u32 $0xFFFFFF80, v2;
	v2 =	vor.u32 $0xF, v0;
	s10 =	sadd.s32 $0x3200, s5;
	s11 =	sadd.s32 $0x6400, s5;
	[dreg:$0x6] =	wrdreg s31  }
.LBB2_43:
0xf: {  	s0 =	simm.s32 $0x5  }
0x10: {  	_ =	swait.ge [sflag:s0], $0x3200  }
0x11: {  	[sflag:s0] =	ssyncset.done $0x0  }
0x12: {  	s1 =	simm.s32 $0x6;
	[sflag:s0] =	ssyncadd.s32 $0xFFFFCE00  }
0x13: {  	_ =	swait.ge [sflag:s1], $0x3200  }
0x14: {  	s7 =	rddreg [dreg:$0x8]  }
0x15: {  	s31 =	rddreg [dreg:$0x7];
	s7 =	sadd.s32 $0x1, s7  }
0x16: {  	p0 =	sne.s32 s7, s31  }
.Ltmp1:
0x17: {  	_ = 	snop;
	(pc) =	sbr.rel @!p0 .LBB2_44-.Ltmp1, $3  }
0x18: {  	_ =	sdelay $0x1  }
0x19: {  	[sflag:s1] =	ssyncset.done $0x0  }
0x1a: {  	[sflag:s1] =	ssyncadd.s32 $0xFFFFCE00  }
.LBB2_1:
0x1b: {  	[dreg:$0x8] =	wrdreg s7  }
0x1c: {  	s0 =	rddreg [dreg:$0x4];
	s29 =	simm.s32 $0x7  }
0x1d: {  	[tilespmem:s13], [sflag:$0x7] =	stream.linear.gather [hbm4b:s0+s4], $0x4000, $0x38;
	[tilespmem:$0x16C00] =	vst v63  }
0x1e: {  	_ =	swait.ge [sflag:s29], $0x4000  }
.Ltmp2:
0x1f: {  	[sflag:s29] =	ssyncset.done $0x0;
	(pc) =	sbr.rel .LBB2_2-.Ltmp2, $4  }
0x20: {  	s30 =	rddreg [dreg:$0x5];
	[sflag:s29] =	ssyncadd.s32 $0xFFFFC000  }
0x21: {  	[tilespmem:s4], [sflag:$0x1] =	stream.linear.gather [hbm4b:s30+s4], $0x3200, $0x38;
	[tilespmem:$0x16C00] =	vst v63  }
0x22: {  	s28 =	simm.s32 $0x0;
	s31 =	rddreg [dreg:$0x6]  }
0x23: {  	[tilespmem:s15], [sflag:$0x3] =	stream.linear.gather [hbm4b:s31+s4], $0x3200, $0x38;
	[tilespmem:$0x16C00] =	vst v63  }
.LBB2_42:
0x24: {  	s28 =	sadd.s32 $0x1, s28  }
0x25: {  	p0 =	sne.s32 s28, $0x14  }
.Ltmp3:
0x26: {  	_ = 	snop;
	(pc) =	sbr.rel @!p0 .LBB2_43-.Ltmp3, $3  }
0x27: {  	_ =	sdelay $0x1  }
0x28: {  	s0 =	sadd.s32 s3, s29  }
0x29: {  	[hbm4b:s0+s4] =	stream.linear.scatter [tilespmem:s23], [sflag:$0x6], $0x3200, $0x38;
	[tilespmem:$0x16C00] =	vst v63  }
.LBB2_2:
0x2a: {  	s30 =	smul.u32 $0x6400, s28;
	_ =	sdelay $0x1  }
0x2b: {  	s0 =	sadd.s32 s30, s10  }
0x2c: {  	s29 =	sshrl.u32 s0, $0x3  }
0x2d: {  	s0 =	sadd.s32 s6, s29  }
0x2e: {  	[tilespmem:s16], [sflag:$0x2] =	stream.linear.gather [hbm4b:s0+s4], $0x3200, $0x38;
	[tilespmem:$0x16C00] =	vst v63  }
0x2f: {  	s26 =	sadd.s32 s2, s29  }
0x30: {  	[tilespmem:s17], [sflag:$0x4] =	stream.linear.gather [hbm4b:s26+s4], $0x3200, $0x38;
	[tilespmem:$0x16C00] =	vst v63  }
0x31: {  	_ =	swait.ge [sflag:s18], $0x3200  }
0x32: {  	[sflag:s18] =	ssyncset.done $0x0  }
0x33: {  	[sflag:s18] =	ssyncadd.s32 $0xFFFFCE00  }
0x34: {  	_ =	swait.ge [sflag:s19], $0x3200  }
.Ltmp4:
0x35: {  	p0 =	seq.s32 s28, $0x0;
	[sflag:s19] =	ssyncset.done $0x0;
	(pc) =	sbr.rel .LBB2_3-.Ltmp4, $4  }
0x36: {  	s0 =	simm.s32 @!p0 $0x5;
	[sflag:s19] =	ssyncadd.s32 $0xFFFFCE00  }
0x37: {  	_ =	swait.ge @!p0 [sflag:s0], $0x3200  }
0x38: {  	s1 =	simm.s32 $0x0;
	[sflag:s0] =	ssyncset.done @!p0 $0x0  }
0x39: {  	s31 =	sadd.s32 s5, s30;
	[sflag:s0] =	ssyncadd.s32 @!p0 $0xFFFFCE00;
	s0 =	simm.s32 $0x0  }
.LBB2_4:
0x3a: {  	_ =	sdelay $0x3  }
0x3b: {  	v5 =	vld.idx.msk [tilespmem:v5+s13+$0x0], $0xffff  }
0x3c: {  	v6 =	vld [tilespmem:s7+$0x0];
	_ =	sdelay $0x4  }
0x3d: {  	vm0 =	veq.f32 v6, v5  }
0x3e: {  	v6 =	vsel vm0, $0x3F800000, v3  }
0x3f: {  	s8 =	sor.u32 $0x10, s7;
	[tilespmem:s7+$0xC800] =	vst v6  }
0x40: {  	v6 =	vld [tilespmem:s8+$0x0];
	_ =	sdelay $0x4  }
0x41: {  	vm13 =	veq.f32 v6, v5  }
0x42: {  	v6 =	vsel vm13, $0x3F800000, v3  }
0x43: {  	s25 =	sor.u32 $0x20, s7;
	[tilespmem:s7+$0xC810] =	vst v6  }
0x44: {  	v6 =	vld [tilespmem:s25+$0x0];
	_ =	sdelay $0x4  }
0x45: {  	vm14 =	veq.f32 v6, v5  }
0x46: {  	v6 =	vsel vm14, $0x3F800000, v3  }
0x47: {  	s26 =	sor.u32 $0x30, s7;
	[tilespmem:s7+$0xC820] =	vst v6  }
0x48: {  	v6 =	vld [tilespmem:s26+$0x0];
	_ =	sdelay $0x4  }
0x49: {  	vm15 =	veq.f32 v6, v5  }
0x4a: {  	v6 =	vsel vm15, $0x3F800000, v3  }
0x4b: {  	s9 =	sor.u32 $0x40, s7;
	[tilespmem:s7+$0xC830] =	vst v6  }
0x4c: {  	v6 =	vld [tilespmem:s9+$0x0];
	_ =	sdelay $0x4  }
0x4d: {  	vm4 =	veq.f32 v6, v5  }
0x4e: {  	v6 =	vsel vm4, $0x3F800000, v3  }
0x4f: {  	s12 =	sor.u32 $0x50, s7;
	[tilespmem:s7+$0xC840] =	vst v6  }
0x50: {  	v6 =	vld [tilespmem:s12+$0x0];
	_ =	sdelay $0x4  }
0x51: {  	vm5 =	veq.f32 v6, v5  }
0x52: {  	v6 =	vsel vm5, $0x3F800000, v3  }
0x53: {  	s14 =	sor.u32 $0x60, s7;
	[tilespmem:s7+$0xC850] =	vst v6  }
0x54: {  	v6 =	vld [tilespmem:s14+$0x0];
	_ =	sdelay $0x4  }
0x55: {  	vm6 =	veq.f32 v6, v5  }
0x56: {  	v6 =	vsel vm6, $0x3F800000, v3  }
0x57: {  	s24 =	sor.u32 $0x70, s7;
	[tilespmem:s7+$0xC860] =	vst v6  }
0x58: {  	v6 =	vld [tilespmem:s24+$0x0];
	_ =	sdelay $0x4  }
0x59: {  	vm7 =	veq.f32 v6, v5  }
0x5a: {  	v6 =	vsel vm7, $0x3F800000, v3  }
0x5b: {  	s25 =	sor.u32 $0x80, s7;
	[tilespmem:s7+$0xC870] =	vst v6  }
0x5c: {  	v6 =	vld [tilespmem:s25+$0x0];
	_ =	sdelay $0x4  }
0x5d: {  	vm8 =	veq.f32 v6, v5  }
0x5e: {  	v6 =	vsel vm8, $0x3F800000, v3  }
0x5f: {  	s26 =	sor.u32 $0x90, s7;
	[tilespmem:s7+$0xC880] =	vst v6  }
0x60: {  	v6 =	vld [tilespmem:s26+$0x0];
	_ =	sdelay $0x4  }
0x61: {  	vm9 =	veq.f32 v6, v5  }
0x62: {  	v6 =	vsel vm9, $0x3F800000, v3  }
0x63: {  	s9 =	sor.u32 $0xA0, s7;
	[tilespmem:s7+$0xC890] =	vst v6  }
0x64: {  	v6 =	vld [tilespmem:s9+$0x0];
	_ =	sdelay $0x4  }
0x65: {  	vm10 =	veq.f32 v6, v5  }
0x66: {  	v6 =	vsel vm10, $0x3F800000, v3  }
0x67: {  	s12 =	sor.u32 $0xB0, s7;
	[tilespmem:s7+$0xC8A0] =	vst v6  }
0x68: {  	v6 =	vld [tilespmem:s12+$0x0];
	_ =	sdelay $0x4  }
0x69: {  	vm11 =	veq.f32 v6, v5  }
0x6a: {  	v6 =	vsel vm11, $0x3F800000, v3  }
0x6b: {  	s14 =	sor.u32 $0xC0, s7;
	[tilespmem:s7+$0xC8B0] =	vst v6  }
0x6c: {  	v6 =	vld [tilespmem:s14+$0x0];
	_ =	sdelay $0x4  }
0x6d: {  	vm12 =	veq.f32 v6, v5  }
0x6e: {  	v6 =	vsel vm12, $0x3F800000, v3  }
0x6f: {  	s24 =	sor.u32 $0xD0, s7;
	[tilespmem:s7+$0xC8C0] =	vst v6  }
0x70: {  	v6 =	vld [tilespmem:s24+$0x0];
	_ =	sdelay $0x4  }
0x71: {  	vm13 =	veq.f32 v6, v5  }
0x72: {  	v6 =	vsel vm13, $0x3F800000, v3  }
0x73: {  	s25 =	sor.u32 $0xE0, s7;
	[tilespmem:s7+$0xC8D0] =	vst v6  }
0x74: {  	v6 =	vld [tilespmem:s25+$0x0];
	_ =	sdelay $0x4  }
0x75: {  	vm14 =	veq.f32 v6, v5  }
0x76: {  	v6 =	vsel vm14, $0x3F800000, v3  }
0x77: {  	s26 =	sor.u32 $0xF0, s7;
	[tilespmem:s7+$0xC8E0] =	vst v6  }
0x78: {  	v6 =	vld [tilespmem:s26+$0x0];
	_ =	sdelay $0x4  }
0x79: {  	vm15 =	veq.f32 v6, v5  }
0x7a: {  	v5 =	vsel vm15, $0x3F800000, v3  }
0x7b: {  	[tilespmem:s7+$0xC8F0] =	vst v5  }
.LBB2_21:
0x7c: {  	s1 =	sadd.s32 $0x1, s1  }
0x7d: {  	p1 =	sne.s32 s1, $0x32  }
.Ltmp5:
0x7e: {  	_ = 	snop;
	(pc) =	sbr.rel @!p1 .LBB2_22-.Ltmp5, $2  }
0x7f: {  	_ =	sdelay $0x2  }
0x80: {  	s0 =	sadd.s32 $0x100, s0  }
.LBB2_3:
0x81: {  	s7 =	sshll.u32 s1, $0x8  }
0x82: {  	v5 =	vor.u32 s7, v0  }
0x83: {  	v5 =	vand.u32 v1, v5  }
0x84: {  	v6 =	vor.u32 s7, v2;
	_ =	sdelay $0x3  }
0x85: {  	v5 =	vld.idx.msk [tilespmem:v5+s15+$0x0], $0xffff  }
0x86: {  	v7 =	vld.idx.msk [tilespmem:v6+s15+$0x0], $0xffff;
	_ =	sdelay $0x3  }
0x87: {  	(v2sf) =	vpush v5, $0x0  }
0x88: {  	(v2sf) =	vpush v7, $0xF;
	_ =	sdelay $0xd  }
0x89: {  	s8 =	spop (v2sf)  }
0x8a: {  	s9 =	spop (v2sf)  }
0x8b: {  	p1 =	sne.s32 s8, s9  }
.Ltmp6:
0x8c: {  	_ = 	snop;
	(pc) =	sbr.rel @!p1 .LBB2_4-.Ltmp6, $1  }
0x8d: {  	_ =	sdelay $0x3  }
0x8e: {  	v6 =	vbroadcast v5, $0x0;
	_ =	sdelay $0x1  }
0x8f: {  	v8 =	vperm.xlane v5, v4;
	vm0 =	vne.s32 v7, v6  }
0x90: {  	v5 =	vbroadcast v7, $0xF;
	v7 =	vmctz.xlane vm0;
	_ =	sdelay $0x1  }
0x91: {  	(v2sf) =	vpush v7, $0x0;
	_ =	sdelay $0x2  }
0x92: {  	vm15 =	vne.s32 v8, v5  }
0x93: {  	v7 =	vmctz.xlane vm15;
	_ =	sdelay $0x1  }
0x94: {  	(v2sf) =	vpush v7, $0x0;
	_ =	sdelay $0x8  }
0x95: {  	s9 =	spop (v2sf)  }
0x96: {  	p1 =	slt.s32 s9, $0x1  }
.Ltmp7:
0x97: {  	_ = 	snop;
	(pc) =	sbr.rel @p1 .LBB2_9-.Ltmp7, $2  }
0x98: {  	_ =	sdelay $0x2  }
0x99: {  	s7 =	spop (v2sf)  }
0x9a: {  	_ =	sdelay $0x1  }
0x9b: {  	s8 =	simm.s32 $0x0;
	s12 =	sadd.s32 $0x0, s0;
	p1 =	sne.s32 s9, $0x1  }
.Ltmp8:
0x9c: {  	s12 =	sand.u32 $0xFFFFFF80, s12;
	s8 =	sand.u32 $0x70, s8;
	(pc) =	sbr.rel @!p1 .LBB2_8-.Ltmp8, $3  }
0x9d: {  	v6 =	vld.idx.msk [tilespmem:v6+s13+$0x0], $0xffff;
	s8 =	sor.u32 s8, s12  }
0x9e: {  	v7 =	vld [tilespmem:s8+$0x0];
	_ =	sdelay $0x1  }
0x9f: {  	s14 =	simm.s32 $0x10;
	s12 =	sadd.s32 $0xFFFFFFFF, s9  }
.LBB2_7:
0xa0: {  	s24 =	sadd.s32 s14, s0;
	p1 =	sne.s32 s12, $0x1;
	s12 =	sadd.s32 $0xFFFFFFFF, s12  }
.Ltmp9:
0xa1: {  	s25 =	sand.u32 $0x70, s14;
	s24 =	sand.u32 $0xFFFFFF80, s24;
	(pc) =	sbr.rel @p1 .LBB2_7-.Ltmp9, $4  }
0xa2: {  	s24 =	sor.u32 s25, s24;
	vm0 =	veq.f32 v7, v6  }
0xa3: {  	v7 =	vld [tilespmem:s24+$0x0];
	v8 =	vsel vm0, $0x3F800000, v3  }
0xa4: {  	[tilespmem:s8+$0xC800] =	vst v8;
	s8 =	smov.u32 s24  }
0xa5: {  	s14 =	sadd.s32 $0x10, s14  }
.LBB2_8:
0xa6: {  	_ =	sdelay $0x1  }
0xa7: {  	vm0 =	veq.f32 v7, v6  }
0xa8: {  	v6 =	vsel vm0, $0x3F800000, v3  }
0xa9: {  	[tilespmem:s8+$0xC800] =	vst v6  }
.LBB2_9:
0xaa: {  	s8 =	ssub.s32 $0x10, s7  }
0xab: {  	p1 =	sge.s32 s9, s8  }
.Ltmp10:
0xac: {  	_ = 	snop;
	(pc) =	sbr.rel @p1 .LBB2_17-.Ltmp10, $1  }
0xad: {  	_ =	sdelay $0x3  }
0xae: {  	s12 =	sadd.s32 s7, s9  }
0xaf: {  	s12 =	ssub.s32 $0x10, s12  }
0xb0: {  	p3 =	sne.s32 s12, $0x1  }
.Ltmp11:
0xb1: {  	_ = 	snop;
	(pc) =	sbr.rel @!p3 .LBB2_11-.Ltmp11, $3  }
0xb2: {  	_ =	sdelay $0x1  }
0xb3: {  	s9 =	sshll.u32 s9, $0x4;
	p1 =	por $0x0, $0x0  }
0xb4: {  	p2 =	por $0x0, $0x0;
	s24 =	sadd.s32 s9, s0;
	s12 =	sadd.s32 $0xFFFFFFFF, s12  }
0xb5: {  	p3 =	sne.s32 s12, $0x1  }
.Ltmp12:
0xb6: {  	_ = 	snop;
	(pc) =	sbr.rel @!p3 .LBB2_13-.Ltmp12, $4  }
0xb7: {  	_ = 	snop  }
0xb8: {  	s14 =	sand.u32 $0xFFFFFF80, s24;
	s26 =	sand.u32 $0x70, s9  }
0xb9: {  	s9 =	sadd.s32 $0x10, s9;
	s14 =	sor.u32 s26, s14  }
0xba: {  	s25 =	sadd.s32 $0xFFFFFFFF, s12;
	p1 =	por $0x1, $0x1;
	s24 =	sadd.s32 s9, s0;
	v6 =	vld [tilespmem:s14+$0x6400]  }
0xbb: {  	_ =	sdelay $0x6  }
0xbc: {  	v7 =	vld [tilespmem:s14+$0x0]  }
0xbd: {  	v6 =	vld.idx.msk [tilespmem:v6+s13+$0x0], $0xffff;
	_ =	sdelay $0x2  }
0xbe: {  	s12 =	sand.u32 $0xFFFFFF80, s24;
	s26 =	sand.u32 $0x70, s9  }
0xbf: {  	s12 =	sor.u32 s26, s12  }
0xc0: {  	vm0 =	veq.f32 v7, v6;
	v6 =	vld [tilespmem:s12+$0x6400]  }
0xc1: {  	p3 =	sne.s32 s25, $0x1  }
.Ltmp13:
0xc2: {  	_ = 	snop;
	(pc) =	sbr.rel @!p3 .LBB2_16-.Ltmp13, $3  }
0xc3: {  	_ =	sdelay $0x1  }
0xc4: {  	s9 =	sadd.s32 $0x10, s9  }
0xc5: {  	s25 =	sadd.s32 $0xFFFFFFFF, s25;
	p2 =	por $0x1, $0x1;
	s24 =	sadd.s32 s9, s0;
	v7 =	vsel vm0, $0x3F800000, v3  }
.LBB2_15:
0xc6: {  	p3 =	sne.s32 s25, $0x1;
	s24 =	sand.u32 $0xFFFFFF80, s24;
	s26 =	sand.u32 $0x70, s9;
	v8 =	vld [tilespmem:s12+$0x0];
	[tilespmem:s14+$0xC800] =	vst v7  }
0xc7: {  	s14 =	smov.u32 s12;
	v7 =	vld.idx.msk [tilespmem:v6+s13+$0x0], $0xffff;
	s12 =	sor.u32 s26, s24  }
0xc8: {  	v6 =	vld [tilespmem:s12+$0x6400];
	_ =	sdelay $0x1  }
.Ltmp14:
0xc9: {  	(pc) =	sbr.rel @p3 .LBB2_15-.Ltmp14, $3  }
0xca: {  	_ =	sdelay $0x1  }
0xcb: {  	s9 =	sadd.s32 $0x10, s9;
	vm0 =	veq.f32 v8, v7  }
0xcc: {  	s25 =	sadd.s32 $0xFFFFFFFF, s25;
	s24 =	sadd.s32 s9, s0;
	v7 =	vsel vm0, $0x3F800000, v3  }
.LBB2_16:
0xcd: {  	_ =	sdelay $0x2  }
0xce: {  	v8 =	vld @p1 [tilespmem:s12+$0x0];
	s24 =	sand.u32 $0xFFFFFF80, s24;
	s9 =	sand.u32 $0x70, s9;
	[tilespmem:s14+$0xC800] =	vst @p2 v7  }
0xcf: {  	s9 =	sor.u32 s9, s24;
	v6 =	vld.idx.msk @p1 [tilespmem:v6+s13+$0x0], $0xffff  }
0xd0: {  	v7 =	vld [tilespmem:s9+$0x6400];
	_ =	sdelay $0x3  }
0xd1: {  	vm0 =	veq.f32 @p1 v8, v6  }
0xd2: {  	v6 =	vsel @p1 vm0, $0x3F800000, v3  }
0xd3: {  	s12 =	smov.u32 @p1 s12;
	v6 =	vpsel p1, v6, v0  }
0xd4: {  	v63 =	vld [tilespmem:s9+$0x0];
	[tilespmem:s12+$0xC800] =	vst @p1 v6  }
0xd5: {  	v6 =	vld.idx.msk [tilespmem:v7+s13+$0x0], $0xffff;
	_ =	sdelay $0x4  }
0xd6: {  	vm15 =	veq.f32 v63, v6  }
0xd7: {  	v6 =	vsel vm15, $0x3F800000, v3  }
0xd8: {  	[tilespmem:s9+$0xC800] =	vst v6  }
.LBB2_17:
0xd9: {  	p1 =	sgt.s32 s8, $0xF  }
.Ltmp15:
0xda: {  	_ = 	snop;
	(pc) =	sbr.rel @p1 .LBB2_21-.Ltmp15, $1  }
0xdb: {  	_ =	sdelay $0x3  }
0xdc: {  	s8 =	sshll.u32 s7, $0x4  }
0xdd: {  	s9 =	ssub.s32 $0x100, s8  }
0xde: {  	p1 =	sne.s32 s7, $0x1;
	s8 =	sadd.s32 s9, s0  }
.Ltmp16:
0xdf: {  	s12 =	sand.u32 $0x70, s9;
	s8 =	sand.u32 $0xFFFFFF80, s8;
	(pc) =	sbr.rel @!p1 .LBB2_20-.Ltmp16, $3  }
0xe0: {  	v5 =	vld.idx.msk [tilespmem:v5+s13+$0x0], $0xffff;
	s8 =	sor.u32 s12, s8  }
0xe1: {  	v6 =	vld [tilespmem:s8+$0x0];
	_ =	sdelay $0x1  }
0xe2: {  	s7 =	sadd.s32 $0xFFFFFFFF, s7;
	s9 =	sadd.s32 $0x10, s9  }
.LBB2_19:
0xe3: {  	s12 =	sadd.s32 s9, s0;
	p1 =	sne.s32 s7, $0x1;
	s7 =	sadd.s32 $0xFFFFFFFF, s7  }
.Ltmp17:
0xe4: {  	s14 =	sand.u32 $0x70, s9;
	s12 =	sand.u32 $0xFFFFFF80, s12;
	(pc) =	sbr.rel @p1 .LBB2_19-.Ltmp17, $4  }
0xe5: {  	s12 =	sor.u32 s14, s12;
	vm0 =	veq.f32 v6, v5  }
0xe6: {  	v6 =	vld [tilespmem:s12+$0x0];
	v7 =	vsel vm0, $0x3F800000, v3  }
0xe7: {  	[tilespmem:s8+$0xC800] =	vst v7;
	s8 =	smov.u32 s12  }
0xe8: {  	s9 =	sadd.s32 $0x10, s9  }
.LBB2_20:
.Ltmp18:
0xe9: {  	_ = 	snop;
	(pc) =	sbr.rel .LBB2_21-.Ltmp18, $4  }
0xea: {  	_ = 	snop  }
0xeb: {  	vm0 =	veq.f32 v6, v5  }
0xec: {  	v5 =	vsel vm0, $0x3F800000, v3  }
0xed: {  	[tilespmem:s8+$0xC800] =	vst v5  }
.LBB2_11:
.Ltmp19:
0xee: {  	(pc) =	sbr.rel .LBB2_16-.Ltmp19, $2  }
0xef: {  	_ =	sdelay $0x2  }
0xf0: {  	_ = 	snop  }
.LBB2_13:
.Ltmp20:
0xf1: {  	(pc) =	sbr.rel .LBB2_16-.Ltmp20, $2  }
0xf2: {  	_ =	sdelay $0x2  }
0xf3: {  	s12 =	smov.u32 s14  }
.LBB2_22:
0xf4: {  	s0 =	sshrl.u32 s31, $0x3  }
0xf5: {  	p1 =	seq.s32 s28, $0x13;
	s0 =	sadd.s32 s3, s0  }
0xf6: {  	[hbm4b:s0+s4] =	stream.linear.scatter [tilespmem:s20], [sflag:$0x5], $0x3200, $0x38;
	[tilespmem:$0x16C00] =	vst v63  }
0xf7: {  	s0 =	sadd.s32 @!p1 s30, s11  }
0xf8: {  	s0 =	sshrl.u32 @!p1 s0, $0x3  }
0xf9: {  	s7 =	simm.s32 @!p1 $0x0;
	s1 =	sadd.s32 @!p1 s6, s0  }
0xfa: {  	[tilespmem:s7], [sflag:$0x1] =	stream.linear.gather @!p1 [hbm4b:s1+s7], $0x3200, $0x38;
	[tilespmem:$0x16C00] =	vst v63  }
0xfb: {  	s0 =	sadd.s32 @!p1 s2, s0;
	s1 =	simm.s32 @!p1 $0x6400  }
0xfc: {  	[tilespmem:s1], [sflag:$0x3] =	stream.linear.gather @!p1 [hbm4b:s0+s7], $0x3200, $0x38;
	[tilespmem:$0x16C00] =	vst v63  }
0xfd: {  	_ =	swait.ge [sflag:s21], $0x3200  }
0xfe: {  	[sflag:s21] =	ssyncset.done $0x0  }
0xff: {  	[sflag:s21] =	ssyncadd.s32 $0xFFFFCE00  }
0x100: {  	_ =	swait.ge [sflag:s22], $0x3200  }
.Ltmp21:
0x101: {  	[sflag:s22] =	ssyncset.done $0x0;
	(pc) =	sbr.rel .LBB2_23-.Ltmp21, $4  }
0x102: {  	s0 =	simm.s32 @!p0 $0x6;
	[sflag:s22] =	ssyncadd.s32 $0xFFFFCE00  }
0x103: {  	_ =	swait.ge @!p0 [sflag:s0], $0x3200  }
0x104: {  	[sflag:s0] =	ssyncset.done @!p0 $0x0  }
0x105: {  	s1 =	simm.s32 $0x0;
	[sflag:s0] =	ssyncadd.s32 @!p0 $0xFFFFCE00;
	s0 =	simm.s32 $0x0  }
.LBB2_24:
0x106: {  	_ =	sdelay $0x3  }
0x107: {  	v5 =	vld.idx.msk [tilespmem:v5+s13+$0x0], $0xffff  }
0x108: {  	v6 =	vld [tilespmem:s7+$0x3200]  }
0x109: {  	v7 =	vld [tilespmem:s7+$0x3210]  }
0x10a: {  	v8 =	vld [tilespmem:s7+$0x3220]  }
0x10b: {  	v9 =	vld [tilespmem:s7+$0x3230]  }
0x10c: {  	v10 =	vld [tilespmem:s7+$0x3240]  }
0x10d: {  	v48 =	vld [tilespmem:s7+$0x3270]  }
0x10e: {  	v50 =	vld [tilespmem:s7+$0x3280]  }
0x10f: {  	vm0 =	veq.f32 v6, v5;
	v6 =	vld [tilespmem:s7+$0x3250]  }
0x110: {  	v52 =	vld [tilespmem:s7+$0x3290];
	vm13 =	veq.f32 v7, v5;
	v11 =	vsel vm0, $0x3F800000, v3  }
0x111: {  	v7 =	vld [tilespmem:s7+$0x3260];
	vm14 =	veq.f32 v8, v5;
	v47 =	vsel vm13, $0x3F800000, v3;
	[tilespmem:s7+$0xFA00] =	vst v11  }
0x112: {  	v60 =	vld [tilespmem:s7+$0x32E0];
	vm15 =	veq.f32 v9, v5;
	v49 =	vsel vm14, $0x3F800000, v3;
	[tilespmem:s7+$0xFA10] =	vst v47  }
0x113: {  	vm4 =	veq.f32 v10, v5;
	v51 =	vsel vm15, $0x3F800000, v3;
	[tilespmem:s7+$0xFA20] =	vst v49  }
0x114: {  	vm7 =	veq.f32 v48, v5;
	v53 =	vsel vm4, $0x3F800000, v3;
	[tilespmem:s7+$0xFA30] =	vst v51;
	vm5 =	veq.f32 v6, v5;
	v6 =	vld [tilespmem:s7+$0x32A0]  }
0x115: {  	vm8 =	veq.f32 v50, v5;
	v57 =	vsel vm7, $0x3F800000, v3;
	[tilespmem:s7+$0xFA40] =	vst v53  }
0x116: {  	vm9 =	veq.f32 v52, v5;
	v59 =	vsel vm8, $0x3F800000, v3;
	[tilespmem:s7+$0xFA70] =	vst v57;
	vm6 =	veq.f32 v7, v5;
	v7 =	vld [tilespmem:s7+$0x32B0]  }
0x117: {  	v56 =	vld [tilespmem:s7+$0x32C0];
	v61 =	vsel vm9, $0x3F800000, v3;
	vm14 =	veq.f32 v60, v5;
	[tilespmem:s7+$0xFA80] =	vst v59  }
0x118: {  	v58 =	vld [tilespmem:s7+$0x32D0];
	[tilespmem:s7+$0xFA90] =	vst v61;
	v63 =	vsel vm14, $0x3F800000, v3  }
0x119: {  	[tilespmem:s7+$0xFAE0] =	vst v63;
	v54 =	vsel vm5, $0x3F800000, v3;
	vm10 =	veq.f32 v6, v5;
	v6 =	vld [tilespmem:s7+$0x32F0]  }
0x11a: {  	v55 =	vsel vm6, $0x3F800000, v3;
	[tilespmem:s7+$0xFA50] =	vst v54  }
0x11b: {  	[tilespmem:s7+$0xFA60] =	vst v55;
	vm11 =	veq.f32 v7, v5;
	v62 =	vsel vm10, $0x3F800000, v3  }
0x11c: {  	vm12 =	veq.f32 v56, v5;
	v7 =	vsel vm11, $0x3F800000, v3;
	[tilespmem:s7+$0xFAA0] =	vst v62  }
0x11d: {  	vm13 =	veq.f32 v58, v5;
	[tilespmem:s7+$0xFAB0] =	vst v7;
	v7 =	vsel vm12, $0x3F800000, v3  }
0x11e: {  	[tilespmem:s7+$0xFAC0] =	vst v7;
	v7 =	vsel vm13, $0x3F800000, v3;
	vm15 =	veq.f32 v6, v5  }
0x11f: {  	[tilespmem:s7+$0xFAD0] =	vst v7;
	v5 =	vsel vm15, $0x3F800000, v3  }
0x120: {  	[tilespmem:s7+$0xFAF0] =	vst v5  }
.LBB2_41:
0x121: {  	s1 =	sadd.s32 $0x1, s1  }
0x122: {  	p0 =	sne.s32 s1, $0x32  }
.Ltmp22:
0x123: {  	_ = 	snop;
	(pc) =	sbr.rel @!p0 .LBB2_42-.Ltmp22, $2  }
0x124: {  	_ =	sdelay $0x2  }
0x125: {  	s0 =	sadd.s32 $0x100, s0  }
.LBB2_23:
0x126: {  	s7 =	sshll.u32 s1, $0x8  }
0x127: {  	v5 =	vor.u32 s7, v0  }
0x128: {  	v5 =	vand.u32 v1, v5  }
0x129: {  	v6 =	vor.u32 s7, v2;
	_ =	sdelay $0x3  }
0x12a: {  	v5 =	vld.idx.msk [tilespmem:v5+s17+$0x0], $0xffff  }
0x12b: {  	v7 =	vld.idx.msk [tilespmem:v6+s17+$0x0], $0xffff;
	_ =	sdelay $0x3  }
0x12c: {  	(v2sf) =	vpush v5, $0x0  }
0x12d: {  	(v2sf) =	vpush v7, $0xF;
	_ =	sdelay $0xd  }
0x12e: {  	s8 =	spop (v2sf)  }
0x12f: {  	s9 =	spop (v2sf)  }
0x130: {  	p0 =	sne.s32 s8, s9  }
.Ltmp23:
0x131: {  	_ = 	snop;
	(pc) =	sbr.rel @!p0 .LBB2_24-.Ltmp23, $1  }
0x132: {  	_ =	sdelay $0x3  }
0x133: {  	v6 =	vbroadcast v5, $0x0;
	_ =	sdelay $0x1  }
0x134: {  	v8 =	vperm.xlane v5, v4;
	vm0 =	vne.s32 v7, v6  }
0x135: {  	v5 =	vbroadcast v7, $0xF;
	v7 =	vmctz.xlane vm0;
	_ =	sdelay $0x1  }
0x136: {  	(v2sf) =	vpush v7, $0x0;
	_ =	sdelay $0x2  }
0x137: {  	vm15 =	vne.s32 v8, v5  }
0x138: {  	v7 =	vmctz.xlane vm15;
	_ =	sdelay $0x1  }
0x139: {  	(v2sf) =	vpush v7, $0x0;
	_ =	sdelay $0x8  }
0x13a: {  	s9 =	spop (v2sf)  }
0x13b: {  	p0 =	slt.s32 s9, $0x1  }
.Ltmp24:
0x13c: {  	_ = 	snop;
	(pc) =	sbr.rel @p0 .LBB2_29-.Ltmp24, $2  }
0x13d: {  	_ =	sdelay $0x2  }
0x13e: {  	s7 =	spop (v2sf)  }
0x13f: {  	_ =	sdelay $0x1  }
0x140: {  	s8 =	simm.s32 $0x0;
	s12 =	sadd.s32 $0x0, s0;
	p0 =	sne.s32 s9, $0x1  }
.Ltmp25:
0x141: {  	s12 =	sand.u32 $0xFFFFFF80, s12;
	s8 =	sand.u32 $0x70, s8;
	(pc) =	sbr.rel @!p0 .LBB2_28-.Ltmp25, $3  }
0x142: {  	v6 =	vld.idx.msk [tilespmem:v6+s13+$0x0], $0xffff;
	s8 =	sor.u32 s8, s12  }
0x143: {  	v7 =	vld [tilespmem:s8+$0x3200];
	_ =	sdelay $0x1  }
0x144: {  	s14 =	simm.s32 $0x10;
	s12 =	sadd.s32 $0xFFFFFFFF, s9  }
.LBB2_27:
0x145: {  	s24 =	sadd.s32 s14, s0;
	p0 =	sne.s32 s12, $0x1;
	s12 =	sadd.s32 $0xFFFFFFFF, s12  }
.Ltmp26:
0x146: {  	s25 =	sand.u32 $0x70, s14;
	s24 =	sand.u32 $0xFFFFFF80, s24;
	(pc) =	sbr.rel @p0 .LBB2_27-.Ltmp26, $4  }
0x147: {  	s24 =	sor.u32 s25, s24;
	vm0 =	veq.f32 v7, v6  }
0x148: {  	v7 =	vld [tilespmem:s24+$0x3200];
	v8 =	vsel vm0, $0x3F800000, v3  }
0x149: {  	[tilespmem:s8+$0xFA00] =	vst v8;
	s8 =	smov.u32 s24  }
0x14a: {  	s14 =	sadd.s32 $0x10, s14  }
.LBB2_28:
0x14b: {  	_ =	sdelay $0x1  }
0x14c: {  	vm0 =	veq.f32 v7, v6  }
0x14d: {  	v6 =	vsel vm0, $0x3F800000, v3  }
0x14e: {  	[tilespmem:s8+$0xFA00] =	vst v6  }
.LBB2_29:
0x14f: {  	s8 =	ssub.s32 $0x10, s7  }
0x150: {  	p0 =	sge.s32 s9, s8  }
.Ltmp27:
0x151: {  	_ = 	snop;
	(pc) =	sbr.rel @p0 .LBB2_37-.Ltmp27, $1  }
0x152: {  	_ =	sdelay $0x3  }
0x153: {  	s12 =	sadd.s32 s7, s9  }
0x154: {  	s12 =	ssub.s32 $0x10, s12  }
0x155: {  	p2 =	sne.s32 s12, $0x1  }
.Ltmp28:
0x156: {  	_ = 	snop;
	(pc) =	sbr.rel @!p2 .LBB2_31-.Ltmp28, $3  }
0x157: {  	_ =	sdelay $0x1  }
0x158: {  	s9 =	sshll.u32 s9, $0x4;
	p0 =	por $0x0, $0x0  }
0x159: {  	p1 =	por $0x0, $0x0;
	s24 =	sadd.s32 s9, s0;
	s14 =	sadd.s32 $0xFFFFFFFF, s12  }
0x15a: {  	p2 =	sne.s32 s14, $0x1  }
.Ltmp29:
0x15b: {  	_ = 	snop;
	(pc) =	sbr.rel @!p2 .LBB2_33-.Ltmp29, $4  }
0x15c: {  	_ = 	snop  }
0x15d: {  	s12 =	sand.u32 $0xFFFFFF80, s24;
	s31 =	sand.u32 $0x70, s9  }
0x15e: {  	s9 =	sadd.s32 $0x10, s9;
	s12 =	sor.u32 s31, s12  }
0x15f: {  	s25 =	sadd.s32 $0xFFFFFFFF, s14;
	p0 =	por $0x1, $0x1;
	s24 =	sadd.s32 s9, s0;
	v6 =	vld [tilespmem:s12+$0x9600]  }
0x160: {  	_ =	sdelay $0x6  }
0x161: {  	v7 =	vld [tilespmem:s12+$0x3200]  }
0x162: {  	v6 =	vld.idx.msk [tilespmem:v6+s13+$0x0], $0xffff;
	_ =	sdelay $0x2  }
0x163: {  	s14 =	sand.u32 $0xFFFFFF80, s24;
	s31 =	sand.u32 $0x70, s9  }
0x164: {  	s14 =	sor.u32 s31, s14  }
0x165: {  	vm0 =	veq.f32 v7, v6;
	v6 =	vld [tilespmem:s14+$0x9600]  }
0x166: {  	p2 =	sne.s32 s25, $0x1  }
.Ltmp30:
0x167: {  	_ = 	snop;
	(pc) =	sbr.rel @!p2 .LBB2_36-.Ltmp30, $3  }
0x168: {  	_ =	sdelay $0x1  }
0x169: {  	s9 =	sadd.s32 $0x10, s9  }
0x16a: {  	s25 =	sadd.s32 $0xFFFFFFFF, s25;
	p1 =	por $0x1, $0x1;
	s24 =	sadd.s32 s9, s0;
	v7 =	vsel vm0, $0x3F800000, v3  }
.LBB2_35:
0x16b: {  	p2 =	sne.s32 s25, $0x1;
	s24 =	sand.u32 $0xFFFFFF80, s24;
	s26 =	sand.u32 $0x70, s9;
	v8 =	vld [tilespmem:s14+$0x3200];
	[tilespmem:s12+$0xFA00] =	vst v7  }
0x16c: {  	s12 =	smov.u32 s14;
	v7 =	vld.idx.msk [tilespmem:v6+s13+$0x0], $0xffff;
	s14 =	sor.u32 s26, s24  }
0x16d: {  	v6 =	vld [tilespmem:s14+$0x9600];
	_ =	sdelay $0x1  }
.Ltmp31:
0x16e: {  	(pc) =	sbr.rel @p2 .LBB2_35-.Ltmp31, $3  }
0x16f: {  	_ =	sdelay $0x1  }
0x170: {  	s9 =	sadd.s32 $0x10, s9;
	vm0 =	veq.f32 v8, v7  }
0x171: {  	s25 =	sadd.s32 $0xFFFFFFFF, s25;
	s24 =	sadd.s32 s9, s0;
	v7 =	vsel vm0, $0x3F800000, v3  }
.LBB2_36:
0x172: {  	_ =	sdelay $0x2  }
0x173: {  	v8 =	vld @p0 [tilespmem:s14+$0x3200];
	s24 =	sand.u32 $0xFFFFFF80, s24;
	s9 =	sand.u32 $0x70, s9;
	[tilespmem:s12+$0xFA00] =	vst @p1 v7  }
0x174: {  	s9 =	sor.u32 s9, s24;
	v6 =	vld.idx.msk @p0 [tilespmem:v6+s13+$0x0], $0xffff  }
0x175: {  	v7 =	vld [tilespmem:s9+$0x9600];
	_ =	sdelay $0x3  }
0x176: {  	vm0 =	veq.f32 @p0 v8, v6  }
0x177: {  	s12 =	smov.u32 @p0 s14;
	v6 =	vsel @p0 vm0, $0x3F800000, v3  }
0x178: {  	s12 =	smov.u32 @p0 s12;
	v6 =	vpsel p0, v6, v0  }
0x179: {  	v63 =	vld [tilespmem:s9+$0x3200];
	[tilespmem:s12+$0xFA00] =	vst @p0 v6  }
0x17a: {  	v6 =	vld.idx.msk [tilespmem:v7+s13+$0x0], $0xffff;
	_ =	sdelay $0x4  }
0x17b: {  	vm15 =	veq.f32 v63, v6  }
0x17c: {  	v6 =	vsel vm15, $0x3F800000, v3  }
0x17d: {  	[tilespmem:s9+$0xFA00] =	vst v6  }
.LBB2_37:
0x17e: {  	p0 =	sgt.s32 s8, $0xF  }
.Ltmp32:
0x17f: {  	_ = 	snop;
	(pc) =	sbr.rel @p0 .LBB2_41-.Ltmp32, $1  }
0x180: {  	_ =	sdelay $0x3  }
0x181: {  	s8 =	sshll.u32 s7, $0x4  }
0x182: {  	s9 =	ssub.s32 $0x100, s8  }
0x183: {  	p0 =	sne.s32 s7, $0x1;
	s8 =	sadd.s32 s9, s0  }
.Ltmp33:
0x184: {  	s12 =	sand.u32 $0x70, s9;
	s8 =	sand.u32 $0xFFFFFF80, s8;
	(pc) =	sbr.rel @!p0 .LBB2_40-.Ltmp33, $3  }
0x185: {  	v5 =	vld.idx.msk [tilespmem:v5+s13+$0x0], $0xffff;
	s8 =	sor.u32 s12, s8  }
0x186: {  	v6 =	vld [tilespmem:s8+$0x3200];
	_ =	sdelay $0x1  }
0x187: {  	s7 =	sadd.s32 $0xFFFFFFFF, s7;
	s9 =	sadd.s32 $0x10, s9  }
.LBB2_39:
0x188: {  	s12 =	sadd.s32 s9, s0;
	p0 =	sne.s32 s7, $0x1;
	s7 =	sadd.s32 $0xFFFFFFFF, s7  }
.Ltmp34:
0x189: {  	s14 =	sand.u32 $0x70, s9;
	s12 =	sand.u32 $0xFFFFFF80, s12;
	(pc) =	sbr.rel @p0 .LBB2_39-.Ltmp34, $4  }
0x18a: {  	s12 =	sor.u32 s14, s12;
	vm0 =	veq.f32 v6, v5  }
0x18b: {  	v6 =	vld [tilespmem:s12+$0x3200];
	v7 =	vsel vm0, $0x3F800000, v3  }
0x18c: {  	[tilespmem:s8+$0xFA00] =	vst v7;
	s8 =	smov.u32 s12  }
0x18d: {  	s9 =	sadd.s32 $0x10, s9  }
.LBB2_40:
.Ltmp35:
0x18e: {  	_ = 	snop;
	(pc) =	sbr.rel .LBB2_41-.Ltmp35, $4  }
0x18f: {  	_ = 	snop  }
0x190: {  	vm0 =	veq.f32 v6, v5  }
0x191: {  	v5 =	vsel vm0, $0x3F800000, v3  }
0x192: {  	[tilespmem:s8+$0xFA00] =	vst v5  }
.LBB2_31:
.Ltmp36:
0x193: {  	(pc) =	sbr.rel .LBB2_36-.Ltmp36, $2  }
0x194: {  	_ =	sdelay $0x2  }
0x195: {  	_ = 	snop  }
.LBB2_33:
.Ltmp37:
0x196: {  	(pc) =	sbr.rel .LBB2_36-.Ltmp37, $2  }
0x197: {  	_ =	sdelay $0x2  }
0x198: {  	s14 =	smov.u32 s12  }
.LBB2_44:
0x199: {  	_ =	sfence.sel $0x180000  }
0x19a: {  	[bflag:$0x0] =	sbarrier.arrive $0xFFFF  }
0x19b: {  	_ =	strace $0x9000004D  }
0x19c: {  	s0 =	stileid.u32;
	[bflag:$0x2] =	sbarrier.arrive $0xFFFF  }
0x19d: {  	p0 =	sne.s32 s0, $0x0;
	s0 =	rddreg [dreg:$0x3]  }
0x19e: {  	s0 =	sadd.s32 @!p0 $0x100000, s0  }
0x19f: {  	[sflag:s0] =	ssyncadd.tile.s32 @!p0 $0x1;
	_ =	shalt  }
.Lfunc_end2:
_tile_overlayer_lowered:
.L_overlay_start_2:
0x1a0: {  	(tag) =	ssettag $0x2  }
0x1a1: {  	s0 =	rddreg [dreg:$0x0];
	s2 =	stileid.u32  }
0x1a2: {  	s1 =	rddreg [dreg:$0x1];
	p0 =	sne.s32 s2, $0x0  }
0x1a3: {  	s3 =	rddreg [dreg:$0x2];
	[bflag:$0x3] =	sbarrier.arrive $0xFFFF;
	s2 =	simm.s32 @!p0 $0x1C07  }
0x1a4: {  	[timem:s3], [sflag:s2] =	dma.local @!p0 [hbm:s0], s1  }
0x1a5: {  	s0 =	simm.s32 @!p0 $0x7  }
0x1a6: {  	_ =	swait.ge @!p0 [sflag:s0], s1  }
0x1a7: {  	s1 =	ssub.s32 @!p0 $0x0, s1;
	[sflag:s0] =	ssyncset.done @!p0 $0x0  }
0x1a8: {  	[sflag:s0] =	ssyncadd.s32 @!p0 s1  }
0x1a9: {  	[bflag:$0x3] =	sbarrier.arrive $0xFFFF  }
0x1aa: {  	_ =	shalt  }

// kernel: kernel.7.cloned.1.call-start
scs
__scs_entry_jumppad:
0x0: {  	(pc) =	sbr.rel $0x88, $3  }
0x1: {  	(tag) =	ssettag $0x0;
	lr =	simm.s32 $0x1  }
0x2: {  	[smem:$0x3F9F] =	sst lr;
	_ =	strace $0xD0000000  }
0x3: {  	_ = 	snop  }
0x4: {  	_ = 	snop  }
0x5: {  	_ = 	snop  }
0x6: {  	_ = 	snop  }
0x7: {  	_ = 	snop  }
__scs_overlays_trampoline_lowered:
0x8: {  	[smem:$0x3FAE] =	sst s0  }
0x9: {  	[smem:$0x3FAF] =	sst s1  }
0xa: {  	[smem:$0x3FB0] =	sst s2  }
0xb: {  	[smem:$0x3FB1] =	sst s3  }
0xc: {  	[smem:$0x3FB2] =	sst s4  }
0xd: {  	[smem:$0x3FB3] =	sst s5  }
0xe: {  	[smem:$0x3FB4] =	sst s6  }
0xf: {  	[smem:$0x3FB5] =	sst s7  }
0x10: {  	[smem:$0x3FB6] =	sst s8  }
0x11: {  	[smem:$0x3FB7] =	sst s9;
	s0 =	simm.s32 @!p0 $0x0  }
0x12: {  	s1 =	sld [smem:$0x3F9D];
	s0 =	simm.s32 @p0 $0x1  }
0x13: {  	[smem:$0x3FB8] =	sst s0;
	s0 =	simm.s32 @!p1 $0x0  }
0x14: {  	s2 =	sld [smem:$0x3F9C];
	s0 =	simm.s32 @p1 $0x1  }
0x15: {  	[smem:$0x3FB9] =	sst s0;
	s0 =	simm.s32 @!p2 $0x0  }
0x16: {  	s3 =	sld [smem:$0x3FDB];
	s0 =	simm.s32 @p2 $0x1  }
0x17: {  	s4 =	simm.s32 $0x1BF5;
	[smem:$0x3FBB] =	sst s0  }
0x18: {  	s0 =	sld [smem:$0x3F9E];
	_ =	swait.ge [sflag:s4], $0x0  }
0x19: {  	s7 =	sld [smem:$0x3F9F]  }
0x1a: {  	s8 =	sadd.s32 $0xFFFFE003, lr  }
0x1b: {  	s9 =	sadd.s32 $0xFFFFFEF7, lr;
	s5 =	simm.s32 $0xFFFFFFFF;
	p2 =	slt.u32 s8, $0xFFFFF086  }
0x1c: {  	p1 =	slt.u32 s9, $0xF7A;
	s5 =	simm.s32 @!p2 $0x0  }
0x1d: {  	s5 =	simm.s32 @p1 $0x1;
	p0 =	seq.s32 s7, s2  }
0x1e: {  	s7 =	smul.u32 @!p0 $0xF7A, s2;
	p2 =	seq.s32 @!p0 s5, $0x0  }
0x1f: {  	s9 =	smul.u32 $0xF7A, s1;
	s8 =	simm.s32 @!p0 $0x1BF5;
	p2 =	por !p2, p0  }
0x20: {  	[sflag:s8] =	ssyncset.s32 @!p0 $0xFFFFF086;
	s6 =	sadd.s32 @!p0 s3, s7;
	s7 =	simm.s32 @!p0 $0x108  }
0x21: {  	s3 =	sadd.s32 s3, s9;
	s6 =	sadd.s32 @!p0 $0x88, s6;
	s7 =	simm.s32 @p2 $0x1082  }
0x22: {  	[simem:s7], [sflag:s8] =	dma.local @!p0 [hbm:s6], $0xF7A  }
0x23: {  	s9 =	sor.u32 $0xD0000000, s2;
	s6 =	simm.s32 $0x108;
	_ =	swait.ge @!p0 [sflag:s8], $0x0  }
0x24: {  	s3 =	sadd.s32 $0x88, s3;
	s6 =	simm.s32 @!p1 $0x1082;
	[sflag:s4] =	ssyncset.s32 $0xFFFFF086  }
0x25: {  	[simem:s6], [sflag:s4] =	dma.local [hbm:s3], $0xF7A  }
0x26: {  	[smem:$0x3F9F] =	sst s1;
	(tag) =	ssettag s2;
	_ =	strace s9  }
0x27: {  	s1 =	sld [smem:$0x3FAF]  }
0x28: {  	s2 =	sld [smem:$0x3FB0]  }
0x29: {  	s4 =	sld [smem:$0x3FB2]  }
0x2a: {  	p0 =	seq.s32 s5, $0x0;
	s5 =	sld [smem:$0x3FB3]  }
0x2b: {  	s6 =	sld [smem:$0x3FB4]  }
0x2c: {  	s7 =	sld [smem:$0x3FB5]  }
0x2d: {  	s3 =	simm.s32 $0x108;
	s8 =	sld [smem:$0x3FB6]  }
0x2e: {  	s3 =	simm.s32 @!p0 $0x1082;
	s9 =	sld [smem:$0x3FB7]  }
0x2f: {  	lr =	sadd.s32 s0, s3;
	s0 =	sld [smem:$0x3FAE]  }
0x30: {  	s3 =	sld [smem:$0x3FB1]  }
0x31: {  	[smem:$0x3FBA] =	sst s10  }
0x32: {  	s10 =	sld [smem:$0x3FB8];
	_ =	sdelay $0x3  }
0x33: {  	p0 =	seq.s32 s10, $0x1;
	s10 =	sld [smem:$0x3FBA];
	_ =	sdelay $0x3  }
0x34: {  	[smem:$0x3FBA] =	sst s10  }
0x35: {  	s10 =	sld [smem:$0x3FB9];
	_ =	sdelay $0x3  }
0x36: {  	p1 =	seq.s32 s10, $0x1;
	s10 =	sld [smem:$0x3FBA];
	_ =	sdelay $0x3  }
0x37: {  	[smem:$0x3FBA] =	sst s10  }
0x38: {  	s10 =	sld [smem:$0x3FBB]  }
0x39: {  	_ = 	snop;
	(pc) =	sbr.ind lr, $3  }
0x3a: {  	_ = 	snop  }
0x3b: {  	_ = 	snop  }
0x3c: {  	p2 =	seq.s32 s10, $0x1;
	s10 =	sld [smem:$0x3FBA]  }
0x3d: {  	_ =	shalt  }
0x3e: {  	_ =	shalt  }
0x3f: {  	_ =	shalt  }
0x40: {  	_ =	shalt  }
0x41: {  	_ =	shalt  }
0x42: {  	_ =	shalt  }
0x43: {  	_ =	shalt  }
0x44: {  	_ =	shalt  }
0x45: {  	_ =	shalt  }
0x46: {  	_ =	shalt  }
0x47: {  	_ =	shalt  }
0x48: {  	_ =	shalt  }
0x49: {  	_ =	shalt  }
0x4a: {  	_ =	shalt  }
0x4b: {  	_ =	shalt  }
0x4c: {  	_ =	shalt  }
0x4d: {  	_ =	shalt  }
0x4e: {  	_ =	shalt  }
0x4f: {  	_ =	shalt  }
0x50: {  	_ =	shalt  }
0x51: {  	_ =	shalt  }
0x52: {  	_ =	shalt  }
0x53: {  	_ =	shalt  }
0x54: {  	_ =	shalt  }
0x55: {  	_ =	shalt  }
0x56: {  	_ =	shalt  }
0x57: {  	_ =	shalt  }
0x58: {  	_ =	shalt  }
0x59: {  	_ =	shalt  }
0x5a: {  	_ =	shalt  }
0x5b: {  	_ =	shalt  }
0x5c: {  	_ =	shalt  }
0x5d: {  	_ =	shalt  }
0x5e: {  	_ =	shalt  }
0x5f: {  	_ =	shalt  }
0x60: {  	_ =	shalt  }
0x61: {  	_ =	shalt  }
0x62: {  	_ =	shalt  }
0x63: {  	_ =	shalt  }
0x64: {  	_ =	shalt  }
0x65: {  	_ =	shalt  }
0x66: {  	_ =	shalt  }
0x67: {  	_ =	shalt  }
0x68: {  	_ =	shalt  }
0x69: {  	_ =	shalt  }
0x6a: {  	_ =	shalt  }
0x6b: {  	_ =	shalt  }
0x6c: {  	_ =	shalt  }
0x6d: {  	_ =	shalt  }
0x6e: {  	_ =	shalt  }
0x6f: {  	_ =	shalt  }
0x70: {  	_ =	shalt  }
0x71: {  	_ =	shalt  }
0x72: {  	_ =	shalt  }
0x73: {  	_ =	shalt  }
0x74: {  	_ =	shalt  }
0x75: {  	_ =	shalt  }
0x76: {  	_ =	shalt  }
0x77: {  	_ =	shalt  }
0x78: {  	_ =	shalt  }
0x79: {  	_ =	shalt  }
0x7a: {  	_ =	shalt  }
0x7b: {  	_ =	shalt  }
0x7c: {  	_ =	shalt  }
0x7d: {  	_ =	shalt  }
0x7e: {  	_ =	shalt  }
0x7f: {  	_ =	shalt  }
0x80: {  	_ =	shalt  }
0x81: {  	_ =	shalt  }
0x82: {  	_ =	shalt  }
0x83: {  	_ =	shalt  }
0x84: {  	_ =	shalt  }
0x85: {  	_ =	shalt  }
0x86: {  	_ =	shalt  }
0x87: {  	_ =	shalt  }
.Lfunc_end0:
.L_simem_size_0:
called_computation_lowered:
.L_overlay_start_0:
0x88: {  	s2 =	sld [smem:$0x3FD9]  }
0x89: {  	s3 =	sld [smem:$0x3FFE];
	_ =	sdelay $0x1  }
0x8a: {  	s1 =	srdreg.scid  }
0x8b: {  	s0 =	sand.u32 $0x1, s1  }
0x8c: {  	s17 =	sshll.u32 s0, $0xA;
	s2 =	sadd.s32 s3, s2  }
0x8d: {  	s2 =	sadd.s32 s2, s17  }
0x8e: {  	[smem:$0x3FC6] =	sst s2  }
0x8f: {  	_ = 	snop  }
0x90: {  	s2 =	sld [smem:$0x3FC8]  }
0x91: {  	s18 =	sld [smem:$0x3FD0];
	(tm) =	ssettm $0x1  }
0x92: {  	s4 =	sld [smem:$0x3FFB];
	_ =	sdelay $0x3  }
0x93: {  	_ =	strace s4  }
0x94: {  	s4 =	sld [smem:$0x3FFC];
	_ =	sdelay $0x3  }
0x95: {  	_ =	strace s4  }
0x96: {  	s4 =	sld [smem:$0x3FFD];
	_ =	sdelay $0x3  }
0x97: {  	_ =	strace s4  }
0x98: {  	_ =	strace $0x8FFFFFFF  }
0x99: {  	s19 =	sld [smem:$0x3FDB];
	_ =	sdelay $0x1  }
0x9a: {  	s5 =	simm.s32 $_scs_section_size  }
0x9b: {  	s6 =	simm.s32 $_size__tile_overlayer_lowered;
	s7 =	simm.s32 $_tile_overlayer_lowered  }
0x9c: {  	s22 =	simm.s32 $0x1BFF;
	s21 =	sshll.u32 s7, $0x1;
	s4 =	sadd.s32 s5, s19  }
0x9d: {  	s8 =	simm.s32 $0x0;
	s20 =	sshll.u32 s6, $0x1;
	s6 =	sadd.s32 s21, s4  }
0x9e: {  	[timem:s8], [sflag:s22] =	dma.local [hbm:s6], s20  }
0x9f: {  	_ =	swait.ge [sflag:s22], s20  }
0xa0: {  	s5 =	ssub.s32 $0x0, s20;
	[sflag:s22] =	ssyncset.done $0x0  }
0xa1: {  	[sflag:s22] =	ssyncadd.s32 s5;
	_ =	sdelay $0x1  }
0xa2: {  	s23 =	simm.s32 $0x1B8B  }
0xa3: {  	_ =	swait.ge [sflag:s23], $0x1  }
0xa4: {  	[sflag:s23] =	ssyncset.done $0x0  }
0xa5: {  	s25 =	simm.s32 $0x1B8E;
	s24 =	sld [smem:$0x3FFE];
	[sflag:s23] =	ssyncadd.s32 $0xFFFFFFFF  }
0xa6: {  	s26 =	simm.s32 $execute0_lowered;
	[smem:$0x3FD2] =	sst s25  }
0xa7: {  	s6 =	sshll.u32 s26, $0x1;
	_ =	strace $0x80000046;
	[dreg:$0x1] =	wrdreg $0xFFFFFFFF  }
0xa8: {  	s28 =	simm.s32 $_size_execute0_lowered;
	s4 =	sadd.s32 s4, s6;
	[dreg:$0x0] =	wrdreg $0x0  }
0xa9: {  	s6 =	sshll.u32 s28, $0x1;
	[dreg:$0x2] =	wrdreg s4  }
0xaa: {  	[dreg:$0x3] =	wrdreg s6  }
0xab: {  	[dreg:$0x4] =	wrdreg $0xC0  }
0xac: {  	_ =	task [dreg:s8], $0x5FFFF  }
0xad: {  	[dreg:$0x1] =	wrdreg $0xFFFFFFFF  }
0xae: {  	[dreg:$0x0] =	wrdreg $0x60  }
0xaf: {  	[dreg:$0x2] =	wrdreg s24  }
0xb0: {  	[dreg:$0x3] =	wrdreg s2  }
0xb1: {  	[dreg:$0x4] =	wrdreg s18  }
0xb2: {  	[dreg:$0x5] =	wrdreg $0x9  }
0xb3: {  	_ =	task.clear_ibuf [dreg:s8], $0x6FFFF;
	_ =	strace $0x90000046  }
0xb4: {  	s29 =	simm.s32 $0x9;
	_ =	strace $0x80000048  }
0xb5: {  	_ =	swait.ge [sflag:s29], $0x1  }
0xb6: {  	[sflag:s29] =	ssyncadd.s32 $0xFFFFFFFF  }
0xb7: {  	_ =	strace $0x90000048  }
0xb8: {  	_ =	sfence  }
0xb9: {  	s30 =	sld [smem:$0x0];
	_ =	sdelay $0x2  }
0xba: {  	s31 =	sshll.u32 s1, $0xD;
	s1 =	sshrl.u32 s1, $0x2  }
0xbb: {  	s3 =	sand.u32 $0x4000, s31;
	s1 =	sadd.s32 s1, s30  }
0xbc: {  	s0 =	sor.u32 s3, s0;
	s1 =	sshll.u32 s1, $0x11  }
0xbd: {  	s0 =	sor.u32 s1, s0  }
0xbe: {  	s0 =	sadd.s32 $0x8F2B, s0  }
0xbf: {  	[sflag:s0] =	ssyncadd.remote.s32 $0x1  }
0xc0: {  	_ =	sfence.sel $0xFFFF  }
0xc1: {  	[dreg:$0x0] =	wrdreg $0xFFFFFFFF;
	(pc) =	sbr.abs _section_cstart, $3  }
0xc2: {  	[dreg:$0x1] =	wrdreg $0xFFFFFFFF  }
0xc3: {  	_ =	task.clear_ibuf [dreg:s8], $0x2FFFF;
	_ =	strace $0x9FFFFFFF  }
0xc4: {  	(tm) =	ssettm $0x7FFFFFFF  }
0xc5: {  	_ =	shalt  }
tec
execute0_lowered:
.L_overlay_start_1:
0x0: {  	(tag) =	ssettag $0x1  }
0x1: {  	s0 =	rddreg [dreg:$0x0]  }
0x2: {  	s1 =	srdreg.scid;
	s2 =	rddreg [dreg:$0x1]  }
0x3: {  	s3 =	rddreg [dreg:$0x2];
	s5 =	stileid.u32  }
0x4: {  	s6 =	simm.s32 $0x0;
	s11 =	simm.s32 $0x6400;
	s12 =	simm.s32 $0x3200  }
0x5: {  	s13 =	simm.s32 $0x9600;
	s14 =	simm.s32 $0x1;
	s15 =	simm.s32 $0x3  }
0x6: {  	s16 =	simm.s32 $0x2;
	s17 =	simm.s32 $0x4;
	s1 =	sand.u32 $0x1, s1  }
0x7: {  	s18 =	simm.s32 $0xC800;
	s19 =	simm.s32 $0x5;
	s4 =	sshll.u32 s1, $0x4  }
0x8: {  	v9 =	vlaneseq.u32;
	s20 =	simm.s32 $0x10880;
	s21 =	simm.s32 $0x0;
	s5 =	sor.u32 s5, s4  }
0x9: {  	v1 =	vimm.f32 $-Inf;
	vm0 =	vcmask $0x3F04;
	vm1 =	vcmask $0x3F08;
	s22 =	simm.s32 $0x0;
	[smem:$0x7FF] =	sst s6;
	s8 =	smul.u32 $0x7D000, s5  }
.Ltmp0:
0xa: {  	vm2 =	vcmask $0x3F10;
	vm3 =	vcmask $0x3F20;
	vm4 =	vcmask $0x3F3C;
	s1 =	ssub.s32 $0x2, s1;
	_ =	strace $0x80000047;
	(pc) =	sbr.rel .LBB2_1-.Ltmp0, $4  }
0xb: {  	v0 =	vand.u32 $0x7, v9;
	v4 =	vmul.u32 $0xFFFFFFFF, v9;
	v5 =	vadd.s32 $0xFFFFFFFF, v9;
	s26 =	sshrl.u32 s1, $0x1;
	s4 =	sadd.s32 $0xC00, s0;
	s31 =	sshll.u32 s5, $0xB  }
0xc: {  	v6 =	vadd.s32 $0xFFFFFFFE, v9;
	v2 =	vmul.u32 $0x10, v0;
	v0 =	vmul.u32 $0x10, v9;
	s28 =	ssub.s32 s1, s26;
	s9 =	sadd.s32 s3, s31;
	s29 =	sshrl.u32 s8, $0x3  }
0xd: {  	v7 =	vadd.s32 $0xFFFFFFFC, v9;
	v8 =	vadd.s32 $0xFFFFFFF8, v9;
	v9 =	vadd.s32 $0x1, v9;
	s10 =	smax.u32 s28, $0x1;
	s7 =	sadd.s32 $0x3200, s8;
	s30 =	sadd.s32 s4, s29  }
0xe: {  	v4 =	vadd.s32 $0xF, v4;
	v2 =	vor.u32 $0xFFFFFF80, v2;
	v3 =	vor.u32 $0xF, v0;
	s8 =	sadd.s32 $0x6400, s8;
	s6 =	sadd.s32 s2, s29;
	[dreg:$0x4] =	wrdreg s30  }
.LBB2_13:
0xf: {  	v10 =	vbroadcast v10, $0xF;
	_ =	sdelay $0x1  }
0x10: {  	(xrf0) =	vmax.scan.msk.f32 $0xffff, v11;
	_ =	sdelay $0x3  }
0x11: {  	v11 =	vld.idx.msk [tilespmem:v10+s18+$0x0], $0xffff;
	_ =	sdelay $0x1  }
0x12: {  	v12, _, _ =	vpop (xrf0)  }
0x13: {  	v12 =	vbroadcast v12, $0xF  }
0x14: {  	s21 =	sadd.s32 $0x1, s21  }
0x15: {  	p0 =	sne.s32 s21, s10;
	v11 =	vmax.f32 v11, v12  }
.Ltmp1:
0x16: {  	s0 =	simm.s32 $0x0;
	[tilespmem:v10+s18+$0x0] =	vst.idx.msk $0x1, v11;
	(pc) =	sbr.rel @!p0 .LBB2_14-.Ltmp1, $4  }
0x17: {  	[hbm4b:s9+s0] =	stream.linear.scatter [tilespmem:s18], [sflag:$0x5], $0x4000, $0x38;
	[tilespmem:$0x10900] =	vst v63  }
0x18: {  	_ =	swait.ge [sflag:s19], $0x4000  }
0x19: {  	[sflag:s19] =	ssyncset.done $0x0  }
0x1a: {  	[sflag:s19] =	ssyncadd.s32 $0xFFFFC000  }
.LBB2_1:
0x1b: {  	s0 =	simm.s32 $0x40;
	s1 =	simm.s32 $0x0  }
.LBB2_2:
0x1c: {  	p0 =	sne.s32 s0, $0x10000;
	[tilespmem:s1+$0xC800] =	vst v1;
	s1 =	smov.u32 s0;
	s0 =	sadd.s32 $0x40, s0  }
.Ltmp2:
0x1d: {  	(pc) =	sbr.rel @p0 .LBB2_2-.Ltmp2, $2  }
0x1e: {  	_ =	sdelay $0x2  }
0x1f: {  	s1 =	sshra.s32 s1, $0x2  }
.Ltmp3:
0x20: {  	(pc) =	sbr.rel .LBB2_4-.Ltmp3, $4  }
0x21: {  	[tilespmem:s1+$0xC800] =	vst v1;
	s0 =	rddreg [dreg:$0x4]  }
0x22: {  	[tilespmem:s22], [sflag:$0x1] =	stream.linear.gather [hbm4b:s0+s22], $0x3200, $0x38;
	[tilespmem:$0x10900] =	vst v63  }
0x23: {  	s24 =	simm.s32 $0x4000;
	s23 =	simm.s32 $0x0  }
0x24: {  	v11 =	vimm.f32 $-Inf;
	[tilespmem:s11], [sflag:$0x3] =	stream.linear.gather [hbm4b:s6+s22], $0x3200, $0x38;
	[tilespmem:$0x10900] =	vst v63  }
.LBB2_12:
0x25: {  	s23 =	sadd.s32 $0x1, s23  }
0x26: {  	p0 =	sne.s32 s23, $0x14  }
.Ltmp4:
0x27: {  	_ = 	snop;
	(pc) =	sbr.rel @!p0 .LBB2_13-.Ltmp4, $1  }
0x28: {  	_ =	sdelay $0x3  }
.LBB2_4:
0x29: {  	s25 =	smul.u32 $0x6400, s23;
	_ =	sdelay $0x1  }
0x2a: {  	s0 =	sadd.s32 s25, s7  }
0x2b: {  	s0 =	sshrl.u32 s0, $0x3  }
0x2c: {  	s1 =	sadd.s32 s4, s0  }
0x2d: {  	[tilespmem:s12], [sflag:$0x2] =	stream.linear.gather [hbm4b:s1+s22], $0x3200, $0x38;
	[tilespmem:$0x10900] =	vst v63  }
0x2e: {  	s0 =	sadd.s32 s2, s0  }
0x2f: {  	[tilespmem:s13], [sflag:$0x4] =	stream.linear.gather [hbm4b:s0+s22], $0x3200, $0x38;
	[tilespmem:$0x10900] =	vst v63  }
0x30: {  	_ =	swait.ge [sflag:s14], $0x3200  }
.Ltmp5:
0x31: {  	[sflag:s14] =	ssyncset.done $0x0;
	(pc) =	sbr.rel .LBB2_5-.Ltmp5, $4  }
0x32: {  	[sflag:s14] =	ssyncadd.s32 $0xFFFFCE00  }
0x33: {  	_ =	swait.ge [sflag:s15], $0x3200  }
0x34: {  	[sflag:s15] =	ssyncset.done $0x0  }
0x35: {  	s26 =	simm.s32 $0x0;
	s28 =	simm.s32 $0x0;
	[sflag:s15] =	ssyncadd.s32 $0xFFFFCE00  }
.LBB2_6:
0x36: {  	v10 =	vld [tilespmem:s0+$0x0]  }
0x37: {  	v12 =	vld [tilespmem:s0+$0x10]  }
0x38: {  	v13 =	vld [tilespmem:s0+$0x20]  }
0x39: {  	v14 =	vld [tilespmem:s0+$0x30]  }
0x3a: {  	v15 =	vld [tilespmem:s0+$0x40]  }
0x3b: {  	v16 =	vld [tilespmem:s0+$0x50]  }
0x3c: {  	v54 =	vld [tilespmem:s0+$0x60];
	v10 =	vmax.f32 v10, v12  }
0x3d: {  	v55 =	vld [tilespmem:s0+$0x70];
	v10 =	vmax.f32 v10, v13  }
0x3e: {  	v56 =	vld [tilespmem:s0+$0x80];
	v10 =	vmax.f32 v10, v14  }
0x3f: {  	v57 =	vld [tilespmem:s0+$0x90];
	v10 =	vmax.f32 v10, v15  }
0x40: {  	v58 =	vld [tilespmem:s0+$0xA0];
	p0 =	sne.s32 s3, s1;
	v10 =	vmax.f32 v10, v16  }
0x41: {  	v59 =	vld [tilespmem:s0+$0xB0];
	v17 =	vmov @p0 s1;
	v10 =	vmax.f32 v10, v54  }
0x42: {  	v60 =	vld [tilespmem:s0+$0xC0];
	(xrf0) =	vmax.scan.msk.f32 @p0 $0xffff, v11;
	v10 =	vmax.f32 v10, v55  }
0x43: {  	v61 =	vld [tilespmem:s0+$0xD0];
	v10 =	vmax.f32 v10, v56  }
0x44: {  	v62 =	vld [tilespmem:s0+$0xE0];
	v10 =	vmax.f32 v10, v57  }
0x45: {  	v63 =	vld [tilespmem:s0+$0xF0];
	s0 =	simm.s32 @p0 $0xC800;
	v10 =	vmax.f32 v10, v58  }
0x46: {  	v12 =	vld.idx.msk @p0 [tilespmem:v17+s0+$0x0], $0xffff;
	v10 =	vmax.f32 v10, v59  }
0x47: {  	v10 =	vmax.f32 v10, v60  }
0x48: {  	v13, _, _ =	vpop @p0 (xrf0);
	v10 =	vmax.f32 v10, v61  }
0x49: {  	v13 =	vbroadcast @p0 v13, $0xF;
	v10 =	vmax.f32 v10, v62  }
0x4a: {  	v10 =	vmax.f32 v10, v63  }
0x4b: {  	v12 =	vmax.f32 @p0 v12, v13;
	v11 =	vmax.f32 @!p0 v11, v10  }
0x4c: {  	[tilespmem:v17+s0+$0x0] =	vst.idx.msk @p0 $0x1, v12;
	v11 =	vpsel p0, v10, v11  }
.LBB2_7:
0x4d: {  	s28 =	sadd.s32 $0x1, s28  }
0x4e: {  	p0 =	sne.s32 s28, $0x32  }
.Ltmp6:
0x4f: {  	_ = 	snop;
	(pc) =	sbr.rel @!p0 .LBB2_8-.Ltmp6, $2  }
0x50: {  	_ =	sdelay $0x2  }
0x51: {  	s26 =	sadd.s32 $0x100, s26  }
.LBB2_5:
0x52: {  	s0 =	sshll.u32 s28, $0x8  }
0x53: {  	v10 =	vor.u32 s0, v0  }
0x54: {  	v10 =	vand.u32 v2, v10  }
0x55: {  	v13 =	vor.u32 s0, v3;
	_ =	sdelay $0x3  }
0x56: {  	v12 =	vld.idx.msk [tilespmem:v10+s11+$0x0], $0xffff  }
0x57: {  	v13 =	vld.idx.msk [tilespmem:v13+s11+$0x0], $0xffff;
	_ =	sdelay $0x3  }
0x58: {  	(v2sf) =	vpush v12, $0x0  }
0x59: {  	(v2sf) =	vpush v13, $0xF;
	_ =	sdelay $0xd  }
0x5a: {  	s3 =	spop (v2sf)  }
0x5b: {  	s1 =	smov.u32 s24;
	s24 =	spop (v2sf)  }
0x5c: {  	p0 =	sne.s32 s3, s24  }
.Ltmp7:
0x5d: {  	_ = 	snop;
	(pc) =	sbr.rel @!p0 .LBB2_6-.Ltmp7, $1  }
0x5e: {  	_ =	sdelay $0x3  }
0x5f: {  	v10 =	vbroadcast v12, $0x0;
	_ =	sdelay $0x1  }
0x60: {  	vm5 =	vne.s32 v13, v10  }
0x61: {  	v14 =	vmctz.xlane vm5;
	_ =	sdelay $0x1  }
0x62: {  	(v2sf) =	vpush v14, $0x0  }
0x63: {  	v60 =	vperm.xlane v12, v4;
	v61 =	vbroadcast v13, $0xF;
	_ =	sdelay $0x1  }
0x64: {  	vm5 =	vne.s32 v60, v61  }
0x65: {  	v12 =	vmctz.xlane vm5;
	_ =	sdelay $0x1  }
0x66: {  	(v2sf) =	vpush v12, $0x0;
	_ =	sdelay $0x3  }
0x67: {  	v62 =	vmov s1  }
0x68: {  	(xrf0) =	vmax.scan.msk.f32 $0xffff, v11;
	_ =	sdelay $0x3  }
0x69: {  	v11 =	vld.idx.msk [tilespmem:v62+s18+$0x0], $0xffff;
	s0 =	spop (v2sf)  }
0x6a: {  	p0 =	slt.s32 s0, $0x1  }
.Ltmp8:
0x6b: {  	v63, _, _ =	vpop (xrf0);
	(pc) =	sbr.rel @p0 .LBB2_19-.Ltmp8, $3  }
0x6c: {  	v13 =	vbroadcast v63, $0xF;
	_ =	sdelay $0x1  }
0x6d: {  	v11 =	vmax.f32 v11, v13  }
0x6e: {  	s3 =	simm.s32 $0x0;
	[tilespmem:v62+s18+$0x0] =	vst.idx.msk $0x1, v11;
	v11 =	vimm.f32 $-Inf;
	s29 =	spop (v2sf)  }
0x6f: {  	s1 =	sadd.s32 s3, s26;
	p0 =	sne.s32 s0, $0x1  }
.Ltmp9:
0x70: {  	s5 =	sand.u32 $0x70, s3;
	s1 =	sand.u32 $0xFFFFFF80, s1;
	(pc) =	sbr.rel @!p0 .LBB2_18-.Ltmp9, $3  }
0x71: {  	s5 =	sor.u32 s5, s1  }
0x72: {  	v12 =	vld [tilespmem:s5+$0x0];
	_ =	sdelay $0x1  }
0x73: {  	s3 =	sadd.s32 $0x10, s3;
	s1 =	sadd.s32 $0xFFFFFFFF, s0  }
.LBB2_17:
0x74: {  	s5 =	sadd.s32 s3, s26;
	p0 =	sne.s32 s1, $0x1;
	s1 =	sadd.s32 $0xFFFFFFFF, s1  }
.Ltmp10:
0x75: {  	s30 =	sand.u32 $0x70, s3;
	s5 =	sand.u32 $0xFFFFFF80, s5;
	(pc) =	sbr.rel @p0 .LBB2_17-.Ltmp10, $3  }
0x76: {  	s5 =	sor.u32 s30, s5;
	v11 =	vmax.f32 v11, v12  }
0x77: {  	v12 =	vld [tilespmem:s5+$0x0];
	_ =	sdelay $0x1  }
0x78: {  	s3 =	sadd.s32 $0x10, s3  }
.LBB2_18:
0x79: {  	_ =	sdelay $0x1  }
0x7a: {  	v11 =	vmax.f32 v11, v12  }
.LBB2_19:
0x7b: {  	(xrf0) =	vmax.scan.msk.f32 $0xffff, v11;
	_ =	sdelay $0x3  }
0x7c: {  	v11 =	vld.idx.msk [tilespmem:v10+s18+$0x0], $0xffff;
	s30 =	ssub.s32 $0x10, s29  }
0x7d: {  	p0 =	sge.s32 s0, s30  }
.Ltmp11:
0x7e: {  	v12, _, _ =	vpop (xrf0);
	(pc) =	sbr.rel @p0 .LBB2_22-.Ltmp11, $3  }
0x7f: {  	v12 =	vbroadcast v12, $0xF;
	_ =	sdelay $0x1  }
0x80: {  	v11 =	vmax.f32 v11, v12  }
0x81: {  	[tilespmem:v10+s18+$0x0] =	vst.idx.msk $0x1, v11  }
0x82: {  	s1 =	sadd.s32 s29, s0  }
0x83: {  	s1 =	ssub.s32 $0x10, s1  }
0x84: {  	p1 =	seq.s32 s1, $0x1  }
.Ltmp12:
0x85: {  	_ = 	snop;
	(pc) =	sbr.rel @p1 .LBB2_21-.Ltmp12, $4  }
0x86: {  	_ = 	snop  }
0x87: {  	s0 =	sshll.u32 s0, $0x4  }
0x88: {  	p0 =	por $0x0, $0x0;
	s31 =	sadd.s32 s0, s26  }
0x89: {  	s5 =	sand.u32 $0x70, s0;
	s1 =	sadd.s32 $0xFFFFFFFF, s1;
	s3 =	sand.u32 $0xFFFFFF80, s31  }
0x8a: {  	s3 =	sor.u32 s5, s3  }
0x8b: {  	v11 =	vld [tilespmem:s3+$0x0]  }
0x8c: {  	v12 =	vadd.s32 s31, v5;
	_ =	sdelay $0x3  }
0x8d: {  	v10 =	vld [tilespmem:s3+$0x6400];
	[tilespmem:$0x10880] =	vst v11  }
0x8e: {  	v12 =	vld.idx.msk [tilespmem:v12+s11+$0x0], vm0  }
0x8f: {  	v13 =	vld.idx.msk [tilespmem:v5+s20+$0x0], vm0;
	_ =	sdelay $0x2  }
0x90: {  	v14 =	vadd.s32 s31, v6  }
0x91: {  	vm5 =	veq.s32 v10, v12  }
0x92: {  	v52 =	vmax.f32 v11, v13;
	vm5 =	vmand vm5, vm0  }
0x93: {  	v11 =	vsel vm5, v52, v11  }
0x94: {  	[tilespmem:$0x10880] =	vst v11  }
0x95: {  	v53 =	vld.idx.msk [tilespmem:v14+s11+$0x0], vm1  }
0x96: {  	v54 =	vld.idx.msk [tilespmem:v6+s20+$0x0], vm1;
	_ =	sdelay $0x2  }
0x97: {  	v55 =	vadd.s32 s31, v7  }
0x98: {  	vm5 =	veq.s32 v10, v53  }
0x99: {  	v56 =	vmax.f32 v11, v54;
	vm5 =	vmand vm5, vm1  }
0x9a: {  	v11 =	vsel vm5, v56, v11  }
0x9b: {  	[tilespmem:$0x10880] =	vst v11  }
0x9c: {  	v57 =	vld.idx.msk [tilespmem:v55+s11+$0x0], vm2  }
0x9d: {  	v58 =	vld.idx.msk [tilespmem:v7+s20+$0x0], vm2;
	_ =	sdelay $0x2  }
0x9e: {  	v59 =	vadd.s32 s31, v8  }
0x9f: {  	vm5 =	veq.s32 v10, v57  }
0xa0: {  	v60 =	vadd.s32 s31, v9;
	v13 =	vmax.f32 v11, v58;
	vm5 =	vmand vm5, vm2  }
0xa1: {  	v11 =	vsel vm5, v13, v11  }
0xa2: {  	[tilespmem:$0x10880] =	vst v11  }
0xa3: {  	v61 =	vld.idx.msk [tilespmem:v59+s11+$0x0], vm3  }
0xa4: {  	v62 =	vld.idx.msk [tilespmem:v8+s20+$0x0], vm3  }
0xa5: {  	v12 =	vld.idx.msk [tilespmem:v60+s11+$0x0], $0x7fff;
	_ =	sdelay $0x3  }
0xa6: {  	vm5 =	veq.s32 v10, v61  }
0xa7: {  	v63 =	vmax.f32 v11, v62;
	vm6 =	vne.s32 v10, v12;
	vm5 =	vmand vm5, vm3  }
0xa8: {  	p1 =	seq.s32 s1, $0x1;
	v15 =	vld.idx.msk [tilespmem:v10+s18+$0x0], $0xffff;
	v11 =	vsel vm5, v63, v11;
	vm5 =	vmor vm6, vm4  }
.Ltmp13:
0xa9: {  	_ = 	snop;
	(pc) =	sbr.rel @p1 .LBB2_28-.Ltmp13, $4  }
0xaa: {  	_ = 	snop  }
0xab: {  	s0 =	sadd.s32 $0x10, s0  }
0xac: {  	s1 =	sadd.s32 $0xFFFFFFFF, s1;
	s31 =	sadd.s32 s0, s26  }
0xad: {  	p0 =	por $0x1, $0x1;
	s5 =	sand.u32 $0x70, s0;
	s3 =	sand.u32 $0xFFFFFF80, s31;
	v11 =	vmax.f32 v15, v11  }
.LBB2_27:
0xae: {  	p1 =	seq.s32 s1, $0x1;
	s1 =	sadd.s32 $0xFFFFFFFF, s1;
	s3 =	sor.u32 s5, s3;
	[tilespmem:v10+s18+$0x0] =	vst.idx.msk vm5, v11  }
0xaf: {  	v11 =	vld [tilespmem:s3+$0x0]  }
0xb0: {  	v12 =	vadd.s32 s31, v5;
	_ =	sdelay $0x2  }
0xb1: {  	v10 =	vld [tilespmem:s3+$0x6400]  }
0xb2: {  	[tilespmem:$0x10880] =	vst v11  }
0xb3: {  	v12 =	vld.idx.msk [tilespmem:v12+s11+$0x0], vm0  }
0xb4: {  	v13 =	vld.idx.msk [tilespmem:v5+s20+$0x0], vm0;
	_ =	sdelay $0x3  }
0xb5: {  	v14 =	vadd.s32 s31, v6  }
0xb6: {  	vm5 =	veq.s32 v10, v12  }
0xb7: {  	vm5 =	vmand vm5, vm0;
	v12 =	vmax.f32 v11, v13  }
0xb8: {  	v11 =	vsel vm5, v12, v11  }
0xb9: {  	[tilespmem:$0x10880] =	vst v11  }
0xba: {  	v12 =	vld.idx.msk [tilespmem:v14+s11+$0x0], vm1  }
0xbb: {  	v13 =	vld.idx.msk [tilespmem:v6+s20+$0x0], vm1;
	_ =	sdelay $0x3  }
0xbc: {  	v14 =	vadd.s32 s31, v7  }
0xbd: {  	vm5 =	veq.s32 v10, v12  }
0xbe: {  	vm5 =	vmand vm5, vm1;
	v12 =	vmax.f32 v11, v13  }
0xbf: {  	v11 =	vsel vm5, v12, v11  }
0xc0: {  	[tilespmem:$0x10880] =	vst v11  }
0xc1: {  	v12 =	vld.idx.msk [tilespmem:v14+s11+$0x0], vm2  }
0xc2: {  	v13 =	vld.idx.msk [tilespmem:v7+s20+$0x0], vm2;
	_ =	sdelay $0x3  }
0xc3: {  	v14 =	vadd.s32 s31, v9  }
0xc4: {  	vm5 =	veq.s32 v10, v12;
	v12 =	vadd.s32 s31, v8  }
0xc5: {  	vm5 =	vmand vm5, vm2;
	v13 =	vmax.f32 v11, v13  }
0xc6: {  	v11 =	vsel vm5, v13, v11  }
0xc7: {  	[tilespmem:$0x10880] =	vst v11  }
0xc8: {  	v13 =	vld.idx.msk [tilespmem:v14+s11+$0x0], $0x7fff  }
0xc9: {  	v12 =	vld.idx.msk [tilespmem:v12+s11+$0x0], vm3  }
0xca: {  	v14 =	vld.idx.msk [tilespmem:v8+s20+$0x0], vm3  }
0xcb: {  	v15 =	vld.idx.msk [tilespmem:v10+s18+$0x0], $0xffff;
	_ =	sdelay $0x2  }
0xcc: {  	vm5 =	vne.s32 v10, v13  }
0xcd: {  	vm6 =	veq.s32 v10, v12;
	vm5 =	vmor vm5, vm4  }
.Ltmp14:
0xce: {  	vm6 =	vmand vm6, vm3;
	v12 =	vmax.f32 v11, v14;
	(pc) =	sbr.rel @!p1 .LBB2_27-.Ltmp14, $4  }
0xcf: {  	v11 =	vsel vm6, v12, v11  }
0xd0: {  	s0 =	sadd.s32 $0x10, s0  }
0xd1: {  	s31 =	sadd.s32 s0, s26  }
0xd2: {  	s5 =	sand.u32 $0x70, s0;
	s3 =	sand.u32 $0xFFFFFF80, s31;
	v11 =	vmax.f32 v15, v11  }
.LBB2_28:
0xd3: {  	_ =	sdelay $0x4  }
0xd4: {  	s0 =	sor.u32 s5, s3;
	[tilespmem:v10+s18+$0x0] =	vst.idx.msk @p0 vm5, v11  }
0xd5: {  	v10 =	vld [tilespmem:s0+$0x0]  }
0xd6: {  	v11 =	vadd.s32 s31, v5;
	_ =	sdelay $0x3  }
0xd7: {  	v12 =	vld [tilespmem:s0+$0x6400];
	[tilespmem:$0x10880] =	vst v10  }
0xd8: {  	v11 =	vld.idx.msk [tilespmem:v11+s11+$0x0], vm0  }
0xd9: {  	v13 =	vld.idx.msk [tilespmem:v5+s20+$0x0], vm0;
	_ =	sdelay $0x2  }
0xda: {  	v14 =	vadd.s32 s31, v6  }
0xdb: {  	vm5 =	veq.s32 v12, v11  }
0xdc: {  	v11 =	vmax.f32 v10, v13;
	vm5 =	vmand vm5, vm0  }
0xdd: {  	v10 =	vsel vm5, v11, v10  }
0xde: {  	[tilespmem:$0x10880] =	vst v10  }
0xdf: {  	v11 =	vld.idx.msk [tilespmem:v14+s11+$0x0], vm1  }
0xe0: {  	v57 =	vld.idx.msk [tilespmem:v6+s20+$0x0], vm1;
	_ =	sdelay $0x2  }
0xe1: {  	v58 =	vadd.s32 s31, v7  }
0xe2: {  	vm5 =	veq.s32 v12, v11  }
0xe3: {  	v11 =	vmax.f32 v10, v57;
	vm5 =	vmand vm5, vm1  }
0xe4: {  	v10 =	vsel vm5, v11, v10  }
0xe5: {  	[tilespmem:$0x10880] =	vst v10  }
0xe6: {  	v11 =	vld.idx.msk [tilespmem:v58+s11+$0x0], vm2  }
0xe7: {  	v59 =	vld.idx.msk [tilespmem:v7+s20+$0x0], vm2;
	_ =	sdelay $0x2  }
0xe8: {  	v60 =	vadd.s32 s31, v9  }
0xe9: {  	vm5 =	veq.s32 v12, v11  }
0xea: {  	v11 =	vmax.f32 v10, v59;
	vm5 =	vmand vm5, vm2  }
0xeb: {  	v61 =	vadd.s32 s31, v8;
	v10 =	vsel vm5, v11, v10  }
0xec: {  	[tilespmem:$0x10880] =	vst v10  }
0xed: {  	v11 =	vld.idx.msk [tilespmem:v60+s11+$0x0], $0x7fff;
	_ =	sdelay $0x2  }
0xee: {  	v13 =	vld.idx.msk [tilespmem:v61+s11+$0x0], vm3  }
0xef: {  	v62 =	vld.idx.msk [tilespmem:v8+s20+$0x0], vm3  }
0xf0: {  	vm5 =	vne.s32 v12, v11  }
0xf1: {  	v11 =	vld.idx.msk [tilespmem:v12+s18+$0x0], $0xffff;
	vm5 =	vmor vm5, vm4;
	_ =	sdelay $0x1  }
0xf2: {  	vm6 =	veq.s32 v12, v13  }
0xf3: {  	v63 =	vmax.f32 v10, v62;
	vm6 =	vmand vm6, vm3  }
0xf4: {  	v10 =	vsel vm6, v63, v10  }
0xf5: {  	v10 =	vmax.f32 v11, v10  }
0xf6: {  	[tilespmem:v12+s18+$0x0] =	vst.idx.msk vm5, v10  }
.LBB2_22:
0xf7: {  	p0 =	sgt.s32 s30, $0xF  }
.Ltmp15:
0xf8: {  	_ = 	snop;
	(pc) =	sbr.rel @p0 .LBB2_7-.Ltmp15, $2  }
0xf9: {  	_ =	sdelay $0x2  }
0xfa: {  	v11 =	vimm.f32 $-Inf  }
0xfb: {  	s0 =	sshll.u32 s29, $0x4  }
0xfc: {  	s1 =	ssub.s32 $0x100, s0  }
0xfd: {  	p0 =	sne.s32 s29, $0x1;
	s0 =	sadd.s32 s1, s26  }
.Ltmp16:
0xfe: {  	s3 =	sand.u32 $0x70, s1;
	s0 =	sand.u32 $0xFFFFFF80, s0;
	(pc) =	sbr.rel @!p0 .LBB2_25-.Ltmp16, $3  }
0xff: {  	s3 =	sor.u32 s3, s0  }
0x100: {  	v11 =	vld [tilespmem:s3+$0x0];
	_ =	sdelay $0x1  }
0x101: {  	v10 =	vimm.f32 $-Inf;
	s1 =	sadd.s32 $0x10, s1;
	s0 =	sadd.s32 $0xFFFFFFFF, s29  }
.LBB2_24:
0x102: {  	s3 =	sadd.s32 s1, s26;
	p0 =	sne.s32 s0, $0x1;
	s0 =	sadd.s32 $0xFFFFFFFF, s0  }
.Ltmp17:
0x103: {  	s5 =	sand.u32 $0x70, s1;
	s3 =	sand.u32 $0xFFFFFF80, s3;
	(pc) =	sbr.rel @p0 .LBB2_24-.Ltmp17, $3  }
0x104: {  	s3 =	sor.u32 s5, s3;
	v10 =	vmax.f32 v10, v11  }
0x105: {  	v11 =	vld [tilespmem:s3+$0x0];
	_ =	sdelay $0x1  }
0x106: {  	s1 =	sadd.s32 $0x10, s1  }
.LBB2_25:
.Ltmp18:
0x107: {  	(pc) =	sbr.rel .LBB2_7-.Ltmp18, $2  }
0x108: {  	_ =	sdelay $0x2  }
0x109: {  	v11 =	vmax.f32 v10, v11  }
.LBB2_21:
.Ltmp19:
0x10a: {  	(pc) =	sbr.rel .LBB2_28-.Ltmp19, $2  }
0x10b: {  	_ =	sdelay $0x2  }
0x10c: {  	_ = 	snop  }
.LBB2_8:
0x10d: {  	p0 =	seq.s32 s23, $0x13  }
0x10e: {  	s0 =	sadd.s32 @!p0 s25, s8  }
0x10f: {  	s0 =	sshrl.u32 @!p0 s0, $0x3  }
0x110: {  	s3 =	simm.s32 @!p0 $0x0;
	s1 =	sadd.s32 @!p0 s4, s0  }
0x111: {  	[tilespmem:s3], [sflag:$0x1] =	stream.linear.gather @!p0 [hbm4b:s1+s3], $0x3200, $0x38;
	[tilespmem:$0x10900] =	vst v63  }
0x112: {  	s0 =	sadd.s32 @!p0 s2, s0;
	s1 =	simm.s32 @!p0 $0x6400  }
0x113: {  	[tilespmem:s1], [sflag:$0x3] =	stream.linear.gather @!p0 [hbm4b:s0+s3], $0x3200, $0x38;
	[tilespmem:$0x10900] =	vst v63  }
0x114: {  	_ =	swait.ge [sflag:s16], $0x3200  }
.Ltmp20:
0x115: {  	[sflag:s16] =	ssyncset.done $0x0;
	(pc) =	sbr.rel .LBB2_9-.Ltmp20, $4  }
0x116: {  	[sflag:s16] =	ssyncadd.s32 $0xFFFFCE00  }
0x117: {  	_ =	swait.ge [sflag:s17], $0x3200  }
0x118: {  	[sflag:s17] =	ssyncset.done $0x0  }
0x119: {  	s26 =	simm.s32 $0x0;
	s25 =	simm.s32 $0x0;
	[sflag:s17] =	ssyncadd.s32 $0xFFFFCE00  }
.LBB2_10:
0x11a: {  	v12 =	vld [tilespmem:s0+$0x3200]  }
0x11b: {  	v13 =	vld [tilespmem:s0+$0x3210]  }
0x11c: {  	v14 =	vld [tilespmem:s0+$0x3220]  }
0x11d: {  	v15 =	vld [tilespmem:s0+$0x3230]  }
0x11e: {  	v16 =	vld [tilespmem:s0+$0x3240]  }
0x11f: {  	v17 =	vld [tilespmem:s0+$0x3250]  }
0x120: {  	v54 =	vld [tilespmem:s0+$0x3260];
	v12 =	vmax.f32 v12, v13  }
0x121: {  	v55 =	vld [tilespmem:s0+$0x3270];
	v12 =	vmax.f32 v12, v14  }
0x122: {  	v56 =	vld [tilespmem:s0+$0x3280];
	v12 =	vmax.f32 v12, v15  }
0x123: {  	v57 =	vld [tilespmem:s0+$0x3290];
	v12 =	vmax.f32 v12, v16  }
0x124: {  	v58 =	vld [tilespmem:s0+$0x32A0];
	p0 =	sne.s32 s3, s1;
	v12 =	vmax.f32 v12, v17  }
0x125: {  	v59 =	vld [tilespmem:s0+$0x32B0];
	v18 =	vmov @p0 s1;
	v12 =	vmax.f32 v12, v54  }
0x126: {  	v60 =	vld [tilespmem:s0+$0x32C0];
	(xrf0) =	vmax.scan.msk.f32 @p0 $0xffff, v11;
	v12 =	vmax.f32 v12, v55  }
0x127: {  	v61 =	vld [tilespmem:s0+$0x32D0];
	v12 =	vmax.f32 v12, v56  }
0x128: {  	v62 =	vld [tilespmem:s0+$0x32E0];
	v12 =	vmax.f32 v12, v57  }
0x129: {  	v63 =	vld [tilespmem:s0+$0x32F0];
	s0 =	simm.s32 @p0 $0xC800;
	v12 =	vmax.f32 v12, v58  }
0x12a: {  	v13 =	vld.idx.msk @p0 [tilespmem:v18+s0+$0x0], $0xffff;
	v12 =	vmax.f32 v12, v59  }
0x12b: {  	v12 =	vmax.f32 v12, v60  }
0x12c: {  	v14, _, _ =	vpop @p0 (xrf0);
	v12 =	vmax.f32 v12, v61  }
0x12d: {  	v14 =	vbroadcast @p0 v14, $0xF;
	v12 =	vmax.f32 v12, v62  }
0x12e: {  	v12 =	vmax.f32 v12, v63  }
0x12f: {  	v13 =	vmax.f32 @p0 v13, v14;
	v11 =	vmax.f32 @!p0 v11, v12  }
0x130: {  	[tilespmem:v18+s0+$0x0] =	vst.idx.msk @p0 $0x1, v13;
	v11 =	vpsel p0, v12, v11  }
.LBB2_11:
0x131: {  	s26 =	sadd.s32 $0x1, s26  }
0x132: {  	p0 =	sne.s32 s26, $0x32  }
.Ltmp21:
0x133: {  	_ = 	snop;
	(pc) =	sbr.rel @!p0 .LBB2_12-.Ltmp21, $2  }
0x134: {  	_ =	sdelay $0x2  }
0x135: {  	s25 =	sadd.s32 $0x100, s25  }
.LBB2_9:
0x136: {  	s0 =	sshll.u32 s26, $0x8  }
0x137: {  	v10 =	vor.u32 s0, v0  }
0x138: {  	v10 =	vand.u32 v2, v10  }
0x139: {  	v12 =	vor.u32 s0, v3;
	_ =	sdelay $0x3  }
0x13a: {  	v13 =	vld.idx.msk [tilespmem:v10+s13+$0x0], $0xffff  }
0x13b: {  	v10 =	vld.idx.msk [tilespmem:v12+s13+$0x0], $0xffff;
	_ =	sdelay $0x3  }
0x13c: {  	(v2sf) =	vpush v13, $0x0  }
0x13d: {  	(v2sf) =	vpush v10, $0xF;
	_ =	sdelay $0xd  }
0x13e: {  	s3 =	spop (v2sf)  }
0x13f: {  	s1 =	smov.u32 s24;
	s24 =	spop (v2sf)  }
0x140: {  	p0 =	sne.s32 s3, s24  }
.Ltmp22:
0x141: {  	_ = 	snop;
	(pc) =	sbr.rel @!p0 .LBB2_10-.Ltmp22, $1  }
0x142: {  	_ =	sdelay $0x3  }
0x143: {  	v12 =	vbroadcast v13, $0x0;
	_ =	sdelay $0x1  }
0x144: {  	vm5 =	vne.s32 v10, v12  }
0x145: {  	v15 =	vmctz.xlane vm5;
	_ =	sdelay $0x1  }
0x146: {  	(v2sf) =	vpush v15, $0x0  }
0x147: {  	v13 =	vperm.xlane v13, v4;
	v14 =	vbroadcast v10, $0xF;
	_ =	sdelay $0x1  }
0x148: {  	vm5 =	vne.s32 v13, v14  }
0x149: {  	v13 =	vmctz.xlane vm5;
	_ =	sdelay $0x1  }
0x14a: {  	(v2sf) =	vpush v13, $0x0;
	_ =	sdelay $0x3  }
0x14b: {  	v13 =	vmov s1  }
0x14c: {  	(xrf0) =	vmax.scan.msk.f32 $0xffff, v11;
	_ =	sdelay $0x3  }
0x14d: {  	v11 =	vld.idx.msk [tilespmem:v13+s18+$0x0], $0xffff;
	s0 =	spop (v2sf)  }
0x14e: {  	p0 =	slt.s32 s0, $0x1  }
.Ltmp23:
0x14f: {  	v14, _, _ =	vpop (xrf0);
	(pc) =	sbr.rel @p0 .LBB2_33-.Ltmp23, $3  }
0x150: {  	v14 =	vbroadcast v14, $0xF;
	_ =	sdelay $0x1  }
0x151: {  	v11 =	vmax.f32 v11, v14  }
0x152: {  	s3 =	simm.s32 $0x0;
	[tilespmem:v13+s18+$0x0] =	vst.idx.msk $0x1, v11;
	v11 =	vimm.f32 $-Inf;
	s28 =	spop (v2sf)  }
0x153: {  	s1 =	sadd.s32 s3, s25;
	p0 =	sne.s32 s0, $0x1  }
.Ltmp24:
0x154: {  	s5 =	sand.u32 $0x70, s3;
	s1 =	sand.u32 $0xFFFFFF80, s1;
	(pc) =	sbr.rel @!p0 .LBB2_32-.Ltmp24, $3  }
0x155: {  	s5 =	sor.u32 s5, s1  }
0x156: {  	v13 =	vld [tilespmem:s5+$0x3200];
	_ =	sdelay $0x1  }
0x157: {  	s3 =	sadd.s32 $0x10, s3;
	s1 =	sadd.s32 $0xFFFFFFFF, s0  }
.LBB2_31:
0x158: {  	s5 =	sadd.s32 s3, s25;
	p0 =	sne.s32 s1, $0x1;
	s1 =	sadd.s32 $0xFFFFFFFF, s1  }
.Ltmp25:
0x159: {  	s29 =	sand.u32 $0x70, s3;
	s5 =	sand.u32 $0xFFFFFF80, s5;
	(pc) =	sbr.rel @p0 .LBB2_31-.Ltmp25, $3  }
0x15a: {  	s5 =	sor.u32 s29, s5;
	v11 =	vmax.f32 v11, v13  }
0x15b: {  	v13 =	vld [tilespmem:s5+$0x3200];
	_ =	sdelay $0x1  }
0x15c: {  	s3 =	sadd.s32 $0x10, s3  }
.LBB2_32:
0x15d: {  	_ =	sdelay $0x1  }
0x15e: {  	v11 =	vmax.f32 v11, v13  }
.LBB2_33:
0x15f: {  	(xrf0) =	vmax.scan.msk.f32 $0xffff, v11;
	_ =	sdelay $0x3  }
0x160: {  	v11 =	vld.idx.msk [tilespmem:v12+s18+$0x0], $0xffff;
	s29 =	ssub.s32 $0x10, s28  }
0x161: {  	p0 =	sge.s32 s0, s29  }
.Ltmp26:
0x162: {  	v13, _, _ =	vpop (xrf0);
	(pc) =	sbr.rel @p0 .LBB2_36-.Ltmp26, $3  }
0x163: {  	v13 =	vbroadcast v13, $0xF;
	_ =	sdelay $0x1  }
0x164: {  	v11 =	vmax.f32 v11, v13  }
0x165: {  	[tilespmem:v12+s18+$0x0] =	vst.idx.msk $0x1, v11  }
0x166: {  	s1 =	sadd.s32 s28, s0  }
0x167: {  	s1 =	ssub.s32 $0x10, s1  }
0x168: {  	p1 =	seq.s32 s1, $0x1  }
.Ltmp27:
0x169: {  	_ = 	snop;
	(pc) =	sbr.rel @p1 .LBB2_35-.Ltmp27, $4  }
0x16a: {  	_ = 	snop  }
0x16b: {  	s0 =	sshll.u32 s0, $0x4  }
0x16c: {  	p0 =	por $0x0, $0x0;
	s30 =	sadd.s32 s0, s25  }
0x16d: {  	s5 =	sand.u32 $0x70, s0;
	s1 =	sadd.s32 $0xFFFFFFFF, s1;
	s3 =	sand.u32 $0xFFFFFF80, s30  }
0x16e: {  	s3 =	sor.u32 s5, s3  }
0x16f: {  	v12 =	vld [tilespmem:s3+$0x3200]  }
0x170: {  	v13 =	vadd.s32 s30, v5;
	_ =	sdelay $0x3  }
0x171: {  	v11 =	vld [tilespmem:s3+$0x9600];
	[tilespmem:$0x10880] =	vst v12  }
0x172: {  	v13 =	vld.idx.msk [tilespmem:v13+s13+$0x0], vm0  }
0x173: {  	v14 =	vld.idx.msk [tilespmem:v5+s20+$0x0], vm0;
	_ =	sdelay $0x2  }
0x174: {  	v15 =	vadd.s32 s30, v6  }
0x175: {  	vm5 =	veq.s32 v11, v13  }
0x176: {  	v13 =	vmax.f32 v12, v14;
	vm5 =	vmand vm5, vm0  }
0x177: {  	v12 =	vsel vm5, v13, v12  }
0x178: {  	[tilespmem:$0x10880] =	vst v12  }
0x179: {  	v13 =	vld.idx.msk [tilespmem:v15+s13+$0x0], vm1  }
0x17a: {  	v14 =	vld.idx.msk [tilespmem:v6+s20+$0x0], vm1;
	_ =	sdelay $0x2  }
0x17b: {  	v15 =	vadd.s32 s30, v7  }
0x17c: {  	vm5 =	veq.s32 v11, v13  }
0x17d: {  	v13 =	vmax.f32 v12, v14;
	vm5 =	vmand vm5, vm1  }
0x17e: {  	v12 =	vsel vm5, v13, v12  }
0x17f: {  	[tilespmem:$0x10880] =	vst v12  }
0x180: {  	v13 =	vld.idx.msk [tilespmem:v15+s13+$0x0], vm2  }
0x181: {  	v14 =	vld.idx.msk [tilespmem:v7+s20+$0x0], vm2;
	_ =	sdelay $0x2  }
0x182: {  	v15 =	vadd.s32 s30, v8  }
0x183: {  	vm5 =	veq.s32 v11, v13  }
0x184: {  	v13 =	vadd.s32 s30, v9;
	v14 =	vmax.f32 v12, v14;
	vm5 =	vmand vm5, vm2  }
0x185: {  	v12 =	vsel vm5, v14, v12  }
0x186: {  	[tilespmem:$0x10880] =	vst v12  }
0x187: {  	v14 =	vld.idx.msk [tilespmem:v15+s13+$0x0], vm3  }
0x188: {  	v15 =	vld.idx.msk [tilespmem:v8+s20+$0x0], vm3  }
0x189: {  	v13 =	vld.idx.msk [tilespmem:v13+s13+$0x0], $0x7fff;
	_ =	sdelay $0x3  }
0x18a: {  	vm5 =	veq.s32 v11, v14  }
0x18b: {  	v14 =	vmax.f32 v12, v15;
	vm5 =	vmand vm5, vm3;
	vm6 =	vne.s32 v11, v13  }
0x18c: {  	p1 =	seq.s32 s1, $0x1;
	v16 =	vld.idx.msk [tilespmem:v11+s18+$0x0], $0xffff;
	v12 =	vsel vm5, v14, v12;
	vm5 =	vmor vm6, vm4  }
.Ltmp28:
0x18d: {  	_ = 	snop;
	(pc) =	sbr.rel @p1 .LBB2_42-.Ltmp28, $4  }
0x18e: {  	_ = 	snop  }
0x18f: {  	s0 =	sadd.s32 $0x10, s0  }
0x190: {  	s1 =	sadd.s32 $0xFFFFFFFF, s1;
	s30 =	sadd.s32 s0, s25  }
0x191: {  	p0 =	por $0x1, $0x1;
	s5 =	sand.u32 $0x70, s0;
	s3 =	sand.u32 $0xFFFFFF80, s30;
	v12 =	vmax.f32 v16, v12  }
.LBB2_41:
0x192: {  	p1 =	seq.s32 s1, $0x1;
	s1 =	sadd.s32 $0xFFFFFFFF, s1;
	s3 =	sor.u32 s5, s3;
	[tilespmem:v11+s18+$0x0] =	vst.idx.msk vm5, v12  }
0x193: {  	v12 =	vld [tilespmem:s3+$0x3200]  }
0x194: {  	v13 =	vadd.s32 s30, v5;
	_ =	sdelay $0x2  }
0x195: {  	v11 =	vld [tilespmem:s3+$0x9600]  }
0x196: {  	[tilespmem:$0x10880] =	vst v12  }
0x197: {  	v13 =	vld.idx.msk [tilespmem:v13+s13+$0x0], vm0  }
0x198: {  	v14 =	vld.idx.msk [tilespmem:v5+s20+$0x0], vm0;
	_ =	sdelay $0x3  }
0x199: {  	v15 =	vadd.s32 s30, v6  }
0x19a: {  	vm5 =	veq.s32 v11, v13  }
0x19b: {  	vm5 =	vmand vm5, vm0;
	v13 =	vmax.f32 v12, v14  }
0x19c: {  	v12 =	vsel vm5, v13, v12  }
0x19d: {  	[tilespmem:$0x10880] =	vst v12  }
0x19e: {  	v13 =	vld.idx.msk [tilespmem:v15+s13+$0x0], vm1  }
0x19f: {  	v14 =	vld.idx.msk [tilespmem:v6+s20+$0x0], vm1;
	_ =	sdelay $0x3  }
0x1a0: {  	v15 =	vadd.s32 s30, v7  }
0x1a1: {  	vm5 =	veq.s32 v11, v13  }
0x1a2: {  	vm5 =	vmand vm5, vm1;
	v13 =	vmax.f32 v12, v14  }
0x1a3: {  	v12 =	vsel vm5, v13, v12  }
0x1a4: {  	[tilespmem:$0x10880] =	vst v12  }
0x1a5: {  	v13 =	vld.idx.msk [tilespmem:v15+s13+$0x0], vm2  }
0x1a6: {  	v14 =	vld.idx.msk [tilespmem:v7+s20+$0x0], vm2;
	_ =	sdelay $0x3  }
0x1a7: {  	v15 =	vadd.s32 s30, v9  }
0x1a8: {  	vm5 =	veq.s32 v11, v13;
	v13 =	vadd.s32 s30, v8  }
0x1a9: {  	vm5 =	vmand vm5, vm2;
	v14 =	vmax.f32 v12, v14  }
0x1aa: {  	v12 =	vsel vm5, v14, v12  }
0x1ab: {  	[tilespmem:$0x10880] =	vst v12  }
0x1ac: {  	v14 =	vld.idx.msk [tilespmem:v15+s13+$0x0], $0x7fff  }
0x1ad: {  	v13 =	vld.idx.msk [tilespmem:v13+s13+$0x0], vm3  }
0x1ae: {  	v15 =	vld.idx.msk [tilespmem:v8+s20+$0x0], vm3  }
0x1af: {  	v16 =	vld.idx.msk [tilespmem:v11+s18+$0x0], $0xffff;
	_ =	sdelay $0x2  }
0x1b0: {  	vm5 =	vne.s32 v11, v14  }
0x1b1: {  	vm6 =	veq.s32 v11, v13;
	vm5 =	vmor vm5, vm4  }
.Ltmp29:
0x1b2: {  	vm6 =	vmand vm6, vm3;
	v13 =	vmax.f32 v12, v15;
	(pc) =	sbr.rel @!p1 .LBB2_41-.Ltmp29, $4  }
0x1b3: {  	v12 =	vsel vm6, v13, v12  }
0x1b4: {  	s0 =	sadd.s32 $0x10, s0  }
0x1b5: {  	s30 =	sadd.s32 s0, s25  }
0x1b6: {  	s5 =	sand.u32 $0x70, s0;
	s3 =	sand.u32 $0xFFFFFF80, s30;
	v12 =	vmax.f32 v16, v12  }
.LBB2_42:
0x1b7: {  	_ =	sdelay $0x4  }
0x1b8: {  	s0 =	sor.u32 s5, s3;
	[tilespmem:v11+s18+$0x0] =	vst.idx.msk @p0 vm5, v12  }
0x1b9: {  	v11 =	vld [tilespmem:s0+$0x3200]  }
0x1ba: {  	v49 =	vadd.s32 s30, v5;
	_ =	sdelay $0x3  }
0x1bb: {  	v13 =	vld [tilespmem:s0+$0x9600];
	[tilespmem:$0x10880] =	vst v11  }
0x1bc: {  	v12 =	vld.idx.msk [tilespmem:v49+s13+$0x0], vm0  }
0x1bd: {  	v14 =	vld.idx.msk [tilespmem:v5+s20+$0x0], vm0;
	_ =	sdelay $0x2  }
0x1be: {  	v15 =	vadd.s32 s30, v6  }
0x1bf: {  	vm5 =	veq.s32 v13, v12  }
0x1c0: {  	v50 =	vmax.f32 v11, v14;
	vm5 =	vmand vm5, vm0  }
0x1c1: {  	v11 =	vsel vm5, v50, v11  }
0x1c2: {  	[tilespmem:$0x10880] =	vst v11  }
0x1c3: {  	v51 =	vld.idx.msk [tilespmem:v15+s13+$0x0], vm1  }
0x1c4: {  	v52 =	vld.idx.msk [tilespmem:v6+s20+$0x0], vm1;
	_ =	sdelay $0x2  }
0x1c5: {  	v53 =	vadd.s32 s30, v7  }
0x1c6: {  	vm5 =	veq.s32 v13, v51  }
0x1c7: {  	v54 =	vmax.f32 v11, v52;
	vm5 =	vmand vm5, vm1  }
0x1c8: {  	v11 =	vsel vm5, v54, v11  }
0x1c9: {  	[tilespmem:$0x10880] =	vst v11  }
0x1ca: {  	v55 =	vld.idx.msk [tilespmem:v53+s13+$0x0], vm2  }
0x1cb: {  	v56 =	vld.idx.msk [tilespmem:v7+s20+$0x0], vm2;
	_ =	sdelay $0x2  }
0x1cc: {  	v57 =	vadd.s32 s30, v9  }
0x1cd: {  	vm5 =	veq.s32 v13, v55  }
0x1ce: {  	v58 =	vmax.f32 v11, v56;
	vm5 =	vmand vm5, vm2  }
0x1cf: {  	v59 =	vadd.s32 s30, v8;
	v11 =	vsel vm5, v58, v11  }
0x1d0: {  	[tilespmem:$0x10880] =	vst v11  }
0x1d1: {  	v60 =	vld.idx.msk [tilespmem:v57+s13+$0x0], $0x7fff;
	_ =	sdelay $0x2  }
0x1d2: {  	v14 =	vld.idx.msk [tilespmem:v59+s13+$0x0], vm3  }
0x1d3: {  	v61 =	vld.idx.msk [tilespmem:v8+s20+$0x0], vm3  }
0x1d4: {  	vm5 =	vne.s32 v13, v60  }
0x1d5: {  	v62 =	vld.idx.msk [tilespmem:v13+s18+$0x0], $0xffff;
	vm5 =	vmor vm5, vm4;
	_ =	sdelay $0x1  }
0x1d6: {  	vm6 =	veq.s32 v13, v14  }
0x1d7: {  	v63 =	vmax.f32 v11, v61;
	vm6 =	vmand vm6, vm3  }
0x1d8: {  	v11 =	vsel vm6, v63, v11  }
0x1d9: {  	v11 =	vmax.f32 v62, v11  }
0x1da: {  	[tilespmem:v13+s18+$0x0] =	vst.idx.msk vm5, v11  }
.LBB2_36:
0x1db: {  	p0 =	sgt.s32 s29, $0xF  }
.Ltmp30:
0x1dc: {  	_ = 	snop;
	(pc) =	sbr.rel @p0 .LBB2_11-.Ltmp30, $2  }
0x1dd: {  	_ =	sdelay $0x2  }
0x1de: {  	v11 =	vimm.f32 $-Inf  }
0x1df: {  	s0 =	sshll.u32 s28, $0x4  }
0x1e0: {  	s1 =	ssub.s32 $0x100, s0  }
0x1e1: {  	p0 =	sne.s32 s28, $0x1;
	s0 =	sadd.s32 s1, s25  }
.Ltmp31:
0x1e2: {  	s3 =	sand.u32 $0x70, s1;
	s0 =	sand.u32 $0xFFFFFF80, s0;
	(pc) =	sbr.rel @!p0 .LBB2_39-.Ltmp31, $3  }
0x1e3: {  	s3 =	sor.u32 s3, s0  }
0x1e4: {  	v12 =	vld [tilespmem:s3+$0x3200];
	_ =	sdelay $0x1  }
0x1e5: {  	v11 =	vimm.f32 $-Inf;
	s1 =	sadd.s32 $0x10, s1;
	s0 =	sadd.s32 $0xFFFFFFFF, s28  }
.LBB2_38:
0x1e6: {  	s3 =	sadd.s32 s1, s25;
	p0 =	sne.s32 s0, $0x1;
	s0 =	sadd.s32 $0xFFFFFFFF, s0  }
.Ltmp32:
0x1e7: {  	s5 =	sand.u32 $0x70, s1;
	s3 =	sand.u32 $0xFFFFFF80, s3;
	(pc) =	sbr.rel @p0 .LBB2_38-.Ltmp32, $3  }
0x1e8: {  	s3 =	sor.u32 s5, s3;
	v11 =	vmax.f32 v11, v12  }
0x1e9: {  	v12 =	vld [tilespmem:s3+$0x3200];
	_ =	sdelay $0x1  }
0x1ea: {  	s1 =	sadd.s32 $0x10, s1  }
.LBB2_39:
.Ltmp33:
0x1eb: {  	(pc) =	sbr.rel .LBB2_11-.Ltmp33, $2  }
0x1ec: {  	_ =	sdelay $0x2  }
0x1ed: {  	v11 =	vmax.f32 v11, v12  }
.LBB2_35:
.Ltmp34:
0x1ee: {  	(pc) =	sbr.rel .LBB2_42-.Ltmp34, $2  }
0x1ef: {  	_ =	sdelay $0x2  }
0x1f0: {  	_ = 	snop  }
.LBB2_14:
0x1f1: {  	_ =	sfence.sel $0x180000  }
0x1f2: {  	[bflag:$0x0] =	sbarrier.arrive $0xFFFF  }
0x1f3: {  	_ =	strace $0x90000047  }
0x1f4: {  	s0 =	stileid.u32;
	[bflag:$0x2] =	sbarrier.arrive $0xFFFF  }
0x1f5: {  	p0 =	sne.s32 s0, $0x0;
	s0 =	rddreg [dreg:$0x3]  }
0x1f6: {  	s0 =	sadd.s32 @!p0 $0x100000, s0  }
0x1f7: {  	[sflag:s0] =	ssyncadd.tile.s32 @!p0 $0x1;
	_ =	shalt  }
.Lfunc_end2:
_tile_overlayer_lowered:
.L_overlay_start_2:
0x1f8: {  	(tag) =	ssettag $0x2  }
0x1f9: {  	s0 =	rddreg [dreg:$0x0];
	s2 =	stileid.u32  }
0x1fa: {  	s1 =	rddreg [dreg:$0x1];
	p0 =	sne.s32 s2, $0x0  }
0x1fb: {  	s3 =	rddreg [dreg:$0x2];
	[bflag:$0x3] =	sbarrier.arrive $0xFFFF;
	s2 =	simm.s32 @!p0 $0x1C05  }
0x1fc: {  	[timem:s3], [sflag:s2] =	dma.local @!p0 [hbm:s0], s1  }
0x1fd: {  	s0 =	simm.s32 @!p0 $0x5  }
0x1fe: {  	_ =	swait.ge @!p0 [sflag:s0], s1  }
0x1ff: {  	s1 =	ssub.s32 @!p0 $0x0, s1;
	[sflag:s0] =	ssyncset.done @!p0 $0x0  }
0x200: {  	[sflag:s0] =	ssyncadd.s32 @!p0 s1  }
0x201: {  	[bflag:$0x3] =	sbarrier.arrive $0xFFFF  }
0x202: {  	_ =	shalt  }

</sc_bundles>
